<compile_context>
chip_gen: v7x
topology: tpu7x:2x2x1
jax: 0.10.2.dev20260603
libtpu: 0.0.44.dev20260713+nightly
codegen_flags: <defaults>
</compile_context>

<pallas_src>
import functools

import jax
import jax.numpy as jnp
from jax import lax
from jax.experimental import pallas as pl
from jax.experimental.pallas import tpu as pltpu
from jax.experimental.pallas import tpu_sc as plsc

N_NODES = 20000
N_EDGES = 320000
X_DIM = 128
HIDDEN = 64
Y_DIM = 32

NC = 2
NS = 16
NW = NC * NS
CHUNK = 128
NCHUNK = 160
N0 = 134
N1 = NCHUNK - N0
NMAX = max(N0, N1)
TOT_CHUNKS = NS * NCHUNK
E_PAD = TOT_CHUNKS * CHUNK
DUMMY = N_NODES
ACC_ROWS = 20480
ZSLAB = ACC_ROWS // NS
OSLAB = N_NODES // NS

_MESH = plsc.VectorSubcoreMesh(core_axis_name="c", subcore_axis_name="s")


def _deg_kernel_body(dst_hbm, deg_out, idx_v, ones_v, stage_v, acc, sem):
    c = lax.axis_index("c")
    s = lax.axis_index("s")
    wid = c * NS + s

    def fill_ones(i, _):
        ones_v[pl.ds(i * 16, 16)] = jnp.ones((16,), jnp.float32)
        return 0

    lax.fori_loop(0, CHUNK // 16, fill_ones, 0)

    def fill_zero(i, _):
        stage_v[pl.ds(i * 16, 16)] = jnp.zeros((16,), jnp.float32)
        return 0

    lax.fori_loop(0, ZSLAB // 16, fill_zero, 0)

    pltpu.sync_copy(stage_v, acc.at[pl.ds(s * ZSLAB, ZSLAB)])
    plsc.subcore_barrier()

    nd = TOT_CHUNKS // NW
    pltpu.sync_copy(dst_hbm.at[pl.ds(wid * nd, nd)], idx_v)

    def edge_chunk(j, _):
        pltpu.sync_copy(ones_v, acc.at[idx_v.at[j]], add=True)
        return 0

    lax.fori_loop(0, nd, edge_chunk, 0)
    plsc.subcore_barrier()

    pltpu.sync_copy(acc.at[pl.ds(s * ZSLAB, ZSLAB)], stage_v)
    pltpu.sync_copy(stage_v, deg_out.at[c, pl.ds(s * ZSLAB, ZSLAB)])


_deg_kernel = pl.kernel(
    _deg_kernel_body,
    out_type=jax.ShapeDtypeStruct((NC, ACC_ROWS), jnp.float32),
    mesh=_MESH,
    scratch_types=[
        pltpu.VMEM((TOT_CHUNKS // NW, CHUNK), jnp.int32),
        pltpu.VMEM((CHUNK,), jnp.float32),
        pltpu.VMEM((ZSLAB,), jnp.float32),
        pltpu.VMEM_SHARED((ACC_ROWS,), jnp.float32),
        pltpu.SemaphoreType.DMA,
    ],
    compiler_params=pltpu.CompilerParams(use_tc_tiling_on_sc=False),
)


def _make_layer_kernel(width):
    def body(hs_hbm, src_hbm, dst_hbm, part_out, srcv, dstv, rows, stage, acc, sem0, sem1):
        c = lax.axis_index("c")
        s = lax.axis_index("s")
        wid = c * NS + s

        def fill_zero(i, _):
            for k in range(width // 16):
                rows[0, i, pl.ds(k * 16, 16)] = jnp.zeros((16,), jnp.float32)
            return 0

        lax.fori_loop(0, CHUNK, fill_zero, 0)

        def zslab(j, _):
            pltpu.sync_copy(rows.at[0], acc.at[pl.ds(s * ZSLAB + j * CHUNK, CHUNK)])
            return 0

        lax.fori_loop(0, ZSLAB // CHUNK, zslab, 0)

        base = jnp.where(c == 0, s * N0, NS * N0 + s * N1)
        npairs = jnp.where(c == 0, N0 // 2, N1 // 2)
        pltpu.sync_copy(src_hbm.at[pl.ds(base, NMAX)], srcv)
        pltpu.sync_copy(dst_hbm.at[pl.ds(base, NMAX)], dstv)
        plsc.subcore_barrier()

        pltpu.async_copy(hs_hbm.at[srcv.at[0]], rows.at[0], sem0)
        pltpu.async_copy(hs_hbm.at[srcv.at[1]], rows.at[1], sem1)

        def edge_pair(k, _):
            j0 = 2 * k
            j1 = j0 + 1
            pltpu.make_async_copy(hs_hbm.at[srcv.at[j0]], rows.at[0], sem0).wait()
            pltpu.sync_copy(rows.at[0], acc.at[dstv.at[j0]], add=True)

            @pl.when(k < npairs - 1)
            def _():
                pltpu.async_copy(hs_hbm.at[srcv.at[j0 + 2]], rows.at[0], sem0)

            pltpu.make_async_copy(hs_hbm.at[srcv.at[j1]], rows.at[1], sem1).wait()
            pltpu.sync_copy(rows.at[1], acc.at[dstv.at[j1]], add=True)

            @pl.when(k < npairs - 1)
            def _():
                pltpu.async_copy(hs_hbm.at[srcv.at[j1 + 2]], rows.at[1], sem1)

            return 0

        lax.fori_loop(0, npairs, edge_pair, 0)
        plsc.subcore_barrier()

        def wout(j, _):
            r0 = s * ZSLAB + j * (ZSLAB // 2)
            pltpu.sync_copy(acc.at[pl.ds(r0, ZSLAB // 2)], stage)
            pltpu.sync_copy(stage, part_out.at[c, pl.ds(r0, ZSLAB // 2)])
            return 0

        lax.fori_loop(0, 2, wout, 0)

    return pl.kernel(
        body,
        out_type=jax.ShapeDtypeStruct((NC, ACC_ROWS, width), jnp.float32),
        mesh=_MESH,
        scratch_types=[
            pltpu.VMEM((NMAX, CHUNK), jnp.int32),
            pltpu.VMEM((NMAX, CHUNK), jnp.int32),
            pltpu.VMEM((2, CHUNK, width), jnp.float32),
            pltpu.VMEM((ZSLAB // 2, width), jnp.float32),
            pltpu.VMEM_SHARED((ACC_ROWS, width), jnp.float32),
            pltpu.SemaphoreType.DMA,
            pltpu.SemaphoreType.DMA,
        ],
        compiler_params=pltpu.CompilerParams(use_tc_tiling_on_sc=False),
    )


_layer32 = _make_layer_kernel(Y_DIM)


def _dinv_body(deg_ref, dinv_ref):
    dinv_ref[...] = lax.rsqrt(deg_ref[0] + deg_ref[1] + 1.0)


def _mm1_body(x_ref, dinv_ref, w1_ref, hs_ref):
    h = lax.dot_general(
        x_ref[0], w1_ref[...],
        (((0,), (0,)), ((), ())),
        preferred_element_type=jnp.float32,
    )
    hs_ref[...] = h * dinv_ref[...]


def _mm2_body(pa_ref, pb_ref, hs1_ref, dinv_ref, b1_ref, w2_ref, hs2_ref):
    dinv = dinv_ref[...]
    agg = jnp.concatenate(
        [pa_ref[0] + pa_ref[1], pb_ref[0] + pb_ref[1]], axis=1
    ) + hs1_ref[...]
    pre = agg * dinv + b1_ref[...]
    a = jnp.maximum(pre, 0.0)
    h2 = lax.dot_general(
        a, w2_ref[...],
        (((1,), (0,)), ((), ())),
        preferred_element_type=jnp.float32,
    )
    hs2_ref[...] = h2 * dinv


def _fin_body(q_ref, hs2_ref, dinv_ref, b2_ref, out_ref):
    s = (q_ref[0] + q_ref[1] + hs2_ref[...]) * dinv_ref[...] + b2_ref[...]
    out_ref[0] = s.T


def kernel(x_input, edge_index, W1, b1, W2, b2):
    pad = E_PAD - N_EDGES
    src = jnp.concatenate([edge_index[0], jnp.zeros((pad,), jnp.int32)])
    dst = jnp.concatenate([edge_index[1], jnp.full((pad,), DUMMY, jnp.int32)])
    src3 = src.reshape(TOT_CHUNKS, CHUNK)
    dst3 = dst.reshape(TOT_CHUNKS, CHUNK)

    degp = _deg_kernel(dst3)
    degp3 = degp.reshape(NC, ACC_ROWS, 1)

    half = N_NODES // 2
    hw = HIDDEN // 2
    rows = 2000

    dinv = pl.pallas_call(
        _dinv_body,
        grid=(N_NODES // rows,),
        in_specs=[pl.BlockSpec((NC, rows, 1), lambda j: (0, j, 0))],
        out_specs=pl.BlockSpec((rows, 1), lambda j: (j, 0)),
        out_shape=jax.ShapeDtypeStruct((N_NODES, 1), jnp.float32),
    )(degp3)

    hs1 = pl.pallas_call(
        _mm1_body,
        grid=(2,),
        in_specs=[
            pl.BlockSpec((1, X_DIM, half), lambda b: (b, 0, 0)),
            pl.BlockSpec((half, 1), lambda b: (b, 0)),
            pl.BlockSpec((X_DIM, HIDDEN), lambda b: (0, 0)),
        ],
        out_specs=pl.BlockSpec((half, HIDDEN), lambda b: (b, 0)),
        out_shape=jax.ShapeDtypeStruct((N_NODES, HIDDEN), jnp.float32),
    )(x_input, dinv, W1)

    hs1a = hs1[:, :hw]
    hs1b = hs1[:, hw:]
    parta = _layer32(hs1a, src3, dst3)
    partb = _layer32(hs1b, src3, dst3)

    hs2 = pl.pallas_call(
        _mm2_body,
        grid=(N_NODES // rows,),
        in_specs=[
            pl.BlockSpec((NC, rows, hw), lambda j: (0, j, 0)),
            pl.BlockSpec((NC, rows, hw), lambda j: (0, j, 0)),
            pl.BlockSpec((rows, HIDDEN), lambda j: (j, 0)),
            pl.BlockSpec((rows, 1), lambda j: (j, 0)),
            pl.BlockSpec((1, HIDDEN), lambda j: (0, 0)),
            pl.BlockSpec((HIDDEN, Y_DIM), lambda j: (0, 0)),
        ],
        out_specs=pl.BlockSpec((rows, Y_DIM), lambda j: (j, 0)),
        out_shape=jax.ShapeDtypeStruct((N_NODES, Y_DIM), jnp.float32),
    )(parta, partb, hs1, dinv, b1.reshape(1, HIDDEN), W2)

    part2 = _layer32(hs2, src3, dst3)

    out = pl.pallas_call(
        _fin_body,
        grid=(2,),
        in_specs=[
            pl.BlockSpec((NC, half, Y_DIM), lambda b: (0, b, 0)),
            pl.BlockSpec((half, Y_DIM), lambda b: (b, 0)),
            pl.BlockSpec((half, 1), lambda b: (b, 0)),
            pl.BlockSpec((1, Y_DIM), lambda b: (0, 0)),
        ],
        out_specs=pl.BlockSpec((1, Y_DIM, half), lambda b: (b, 0, 0)),
        out_shape=jax.ShapeDtypeStruct((2, Y_DIM, half), jnp.float32),
    )(part2, hs2, dinv, b2.reshape(1, Y_DIM))

    return out

# --- scband reference (transcript-rebuilt; emitter-appended) ---
"""Pipeline reference for scband-scgnnmodel-3642132267298 (READ-ONLY COPY).

The authoritative reference and input builder live on the scoring server;
editing this copy changes nothing except your own understanding.
"""

import jax, jax.numpy as jnp
import numpy as np

SENSORS = 10000
X_DIM = 128
HIDDEN = 64
Y_DIM = 32
BATCH = 2
N_EDGES = 320000
N_NODES = BATCH * SENSORS


def glorot(key, shape):
    fan_in, fan_out = shape[0], shape[1]
    limit = jnp.sqrt(6.0 / (fan_in + fan_out))
    return jax.random.uniform(key, shape, dtype=jnp.float32, minval=-limit, maxval=limit)


def setup_inputs(seed: int = 0) -> dict:
    key = jax.random.key(seed)
    k1, k2, k3, k4 = jax.random.split(key, 4)
    x_input = jax.random.normal(k1, (BATCH, X_DIM, SENSORS), dtype=jnp.float32)
    edge_index = jax.random.randint(k2, (2, N_EDGES), 0, N_NODES, dtype=jnp.int32)
    W1 = glorot(k3, (X_DIM, HIDDEN))
    b1 = jnp.zeros((HIDDEN,), dtype=jnp.float32)
    W2 = glorot(k4, (HIDDEN, Y_DIM))
    b2 = jnp.zeros((Y_DIM,), dtype=jnp.float32)
    return {"x_input": x_input, "edge_index": edge_index, "W1": W1, "b1": b1, "W2": W2, "b2": b2}


def gcn_conv(x, edge_index, W, b):
    # PyG GCNConv default: add self-loops, symmetric normalization D^-1/2 (A+I) D^-1/2 X W + b
    N = x.shape[0]
    loop = jnp.arange(N, dtype=edge_index.dtype)
    src = jnp.concatenate([edge_index[0], loop])
    dst = jnp.concatenate([edge_index[1], loop])
    deg = jnp.zeros((N,), dtype=x.dtype).at[dst].add(1.0)
    deg_inv_sqrt = jnp.where(deg > 0, 1.0 / jnp.sqrt(deg), 0.0)
    norm = deg_inv_sqrt[src] * deg_inv_sqrt[dst]
    h = x @ W
    msg = h[src] * norm[:, None]
    out = jnp.zeros((N, W.shape[1]), dtype=x.dtype).at[dst].add(msg)
    return out + b


def reference(x_input, edge_index, W1, b1, W2, b2):
    batch_size = x_input.shape[0]
    h = jnp.transpose(x_input, (0, 2, 1)).reshape(-1, X_DIM)
    h = gcn_conv(h, edge_index, W1, b1)
    h = jax.nn.relu(h)
    h = gcn_conv(h, edge_index, W2, b2)
    h = h.reshape(batch_size, SENSORS, Y_DIM)
    h = jnp.transpose(h, (0, 2, 1))
    return h

if __name__ == "__main__":
    import jax
    _d = setup_inputs()
    print(jax.jit(kernel)(*tuple(_d.values())))

</pallas_src>

<mosaic_0001>
#map = affine_map<(d0, d1) -> (0, 0)>
module attributes {stable_mosaic.version = 14 : i64} {
  func.func @_deg_kernel_body(%arg0: i32, %arg1: i32, %arg2: memref<2560x128xi32, #tpu.memory_space<hbm>>, %arg3: memref<2x20480xf32, #tpu.memory_space<hbm>>, %arg4: memref<80x128xi32, #tpu.memory_space<vmem>>, %arg5: memref<128xf32, #tpu.memory_space<vmem>>, %arg6: memref<1280xf32, #tpu.memory_space<vmem>>, %arg7: memref<20480xf32, #tpu.memory_space<vmem_shared>>, %arg8: memref<!tpu.dma_semaphore, #tpu.memory_space<semaphore_mem>>) attributes {dimension_semantics = [#tpu.dimension_semantics<core_parallel>, #tpu.dimension_semantics<subcore_parallel>], iteration_bounds = array<i64: 2, 16>, scalar_prefetch = 0 : i64, scratch_operands = 5 : i64, tpu.core_type = #tpu.core_type<sc_vector_subcore>, window_params = [{transform_indices = #map}, {transform_indices = #map}]} {
    %mul3A = arith.constant 16 : i32
    %mul3A_0 = arith.muli %arg0, %mul3A : i32
    %add3A = arith.addi %mul3A_0, %arg1 : i32
    %scan3A = arith.constant 0 : i32
    %scan3A_1 = arith.constant 0 : i32
    %scan3A_2 = arith.constant 8 : i32
    %scan3A_3 = arith.addi %scan3A_1, %scan3A_2 : i32
    %scan3A_4 = arith.constant 1 : i32
    %scan3A_5 = scf.for %scan3A_30 = %scan3A_1 to %scan3A_3 step %scan3A_4 iter_args(%scan3A_31 = %scan3A) -> (i32)  : i32 {
      %broadcast_in_dim3A = arith.constant 1.000000e+00 : f32
      %broadcast_in_dim3A_32 = vector.broadcast %broadcast_in_dim3A : f32 to vector<16xf32>
      %mul3A_33 = arith.constant 16 : i32
      %mul3A_34 = arith.muli %scan3A_30, %mul3A_33 : i32
      %swap3A = arith.index_cast %mul3A_34 : i32 to index
      %swap3A_35 = tpu.vector_load %arg5[%swap3A] {strides = array<i32>} : memref<128xf32, #tpu.memory_space<vmem>>, vector<16xf32>,
      %swap3A_36 = vector.shape_cast %swap3A_35 : vector<16xf32> to vector<16xf32>
      %swap3A_37 = vector.shape_cast %broadcast_in_dim3A_32 : vector<16xf32> to vector<16xf32>
      tpu.vector_store %arg5[%swap3A], %swap3A_37 {strides = array<i32>} : memref<128xf32, #tpu.memory_space<vmem>>, vector<16xf32>,
      %scan3A_38 = arith.constant 0 : i32
      scf.yield %scan3A_38 : i32
    }
    %scan3A_6 = arith.constant 8 : i32
    %scan3A_7 = arith.constant 0 : i32
    %scan3A_8 = arith.constant 0 : i32
    %scan3A_9 = arith.constant 80 : i32
    %scan3A_10 = arith.addi %scan3A_8, %scan3A_9 : i32
    %scan3A_11 = arith.constant 1 : i32
    %scan3A_12 = scf.for %scan3A_30 = %scan3A_8 to %scan3A_10 step %scan3A_11 iter_args(%scan3A_31 = %scan3A_7) -> (i32)  : i32 {
      %broadcast_in_dim3A = arith.constant 0.000000e+00 : f32
      %broadcast_in_dim3A_32 = vector.broadcast %broadcast_in_dim3A : f32 to vector<16xf32>
      %mul3A_33 = arith.constant 16 : i32
      %mul3A_34 = arith.muli %scan3A_30, %mul3A_33 : i32
      %swap3A = arith.index_cast %mul3A_34 : i32 to index
      %swap3A_35 = tpu.vector_load %arg6[%swap3A] {strides = array<i32>} : memref<1280xf32, #tpu.memory_space<vmem>>, vector<16xf32>,
      %swap3A_36 = vector.shape_cast %swap3A_35 : vector<16xf32> to vector<16xf32>
      %swap3A_37 = vector.shape_cast %broadcast_in_dim3A_32 : vector<16xf32> to vector<16xf32>
      tpu.vector_store %arg6[%swap3A], %swap3A_37 {strides = array<i32>} : memref<1280xf32, #tpu.memory_space<vmem>>, vector<16xf32>,
      %scan3A_38 = arith.constant 0 : i32
      scf.yield %scan3A_38 : i32
    }
    %scan3A_13 = arith.constant 80 : i32
    %mul3A_14 = arith.constant 1280 : i32
    %mul3A_15 = arith.muli %arg1, %mul3A_14 : i32
    "tpu.region"() ({
      %run_scoped3A = tpu.sem_alloc : memref<!tpu.dma_semaphore, #tpu.memory_space<semaphore_mem>>
      %dma_start3A = tpu.memref_slice %arg7[%mul3A_15] : memref<20480xf32, #tpu.memory_space<vmem_shared>> -> memref<1280xf32, #tpu.memory_space<vmem_shared>>
      %dma_start3A_30 = tpu.memref_slice %arg7[%mul3A_15] : memref<20480xf32, #tpu.memory_space<vmem_shared>> -> memref<1280xf32, #tpu.memory_space<vmem_shared>>
      tpu.enqueue_dma source(%arg6 : memref<1280xf32, #tpu.memory_space<vmem>>) target(%dma_start3A_30 : memref<1280xf32, #tpu.memory_space<vmem_shared>>) target_semaphore(%run_scoped3A : memref<!tpu.dma_semaphore, #tpu.memory_space<semaphore_mem>>)
      %dma_wait3A = tpu.memref_slice %arg7[%mul3A_15] : memref<20480xf32, #tpu.memory_space<vmem_shared>> -> memref<1280xf32, #tpu.memory_space<vmem_shared>>
      %dma_wait3A_31 = tpu.memref_slice %arg7[%mul3A_15] : memref<20480xf32, #tpu.memory_space<vmem_shared>> -> memref<1280xf32, #tpu.memory_space<vmem_shared>>
      tpu.wait_dma2 semaphore(%run_scoped3A : memref<!tpu.dma_semaphore, #tpu.memory_space<semaphore_mem>>) src(%arg6 : memref<1280xf32, #tpu.memory_space<vmem>>) dst(%dma_wait3A_31 : memref<1280xf32, #tpu.memory_space<vmem_shared>>)
      tpu.yield
    }) : () -> ()
    %barrier3A = arith.constant 0 : index
    tpu.barrier barrier_id(%barrier3A)
    %mul3A_16 = arith.constant 80 : i32
    %mul3A_17 = arith.muli %add3A, %mul3A_16 : i32
    "tpu.region"() ({
      %run_scoped3A = tpu.sem_alloc : memref<!tpu.dma_semaphore, #tpu.memory_space<semaphore_mem>>
      %dma_start3A = arith.constant 0 : i32
      %dma_start3A_30 = tpu.memref_slice %arg2[%mul3A_17, %dma_start3A] : memref<2560x128xi32, #tpu.memory_space<hbm>> -> memref<80x128xi32, #tpu.memory_space<hbm>>
      %dma_start3A_31 = arith.constant 0 : i32
      %dma_start3A_32 = tpu.memref_slice %arg2[%mul3A_17, %dma_start3A_31] : memref<2560x128xi32, #tpu.memory_space<hbm>> -> memref<80x128xi32, #tpu.memory_space<hbm>>
      tpu.enqueue_dma source(%dma_start3A_32 : memref<80x128xi32, #tpu.memory_space<hbm>>) target(%arg4 : memref<80x128xi32, #tpu.memory_space<vmem>>) target_semaphore(%run_scoped3A : memref<!tpu.dma_semaphore, #tpu.memory_space<semaphore_mem>>)
      %dma_wait3A = arith.constant 0 : i32
      %dma_wait3A_33 = tpu.memref_slice %arg2[%mul3A_17, %dma_wait3A] : memref<2560x128xi32, #tpu.memory_space<hbm>> -> memref<80x128xi32, #tpu.memory_space<hbm>>
      %dma_wait3A_34 = arith.constant 0 : i32
      %dma_wait3A_35 = tpu.memref_slice %arg2[%mul3A_17, %dma_wait3A_34] : memref<2560x128xi32, #tpu.memory_space<hbm>> -> memref<80x128xi32, #tpu.memory_space<hbm>>
      tpu.wait_dma2 semaphore(%run_scoped3A : memref<!tpu.dma_semaphore, #tpu.memory_space<semaphore_mem>>) src(%dma_wait3A_35 : memref<80x128xi32, #tpu.memory_space<hbm>>) dst(%arg4 : memref<80x128xi32, #tpu.memory_space<vmem>>)
      tpu.yield
    }) : () -> ()
    %scan3A_18 = arith.constant 0 : i32
    %scan3A_19 = arith.constant 0 : i32
    %scan3A_20 = arith.constant 80 : i32
    %scan3A_21 = arith.addi %scan3A_19, %scan3A_20 : i32
    %scan3A_22 = arith.constant 1 : i32
    %scan3A_23 = scf.for %scan3A_30 = %scan3A_19 to %scan3A_21 step %scan3A_22 iter_args(%scan3A_31 = %scan3A_18) -> (i32)  : i32 {
      "tpu.region"() ({
        %run_scoped3A = tpu.sem_alloc : memref<!tpu.dma_semaphore, #tpu.memory_space<semaphore_mem>>
        %dma_start3A = arith.constant 0 : i32
        %dma_start3A_33 = tpu.memref_slice %arg4[%scan3A_30, %dma_start3A] : memref<80x128xi32, #tpu.memory_space<vmem>> -> memref<1x128xi32, #tpu.memory_space<vmem>>
        %dma_start3A_34 = tpu.memref_squeeze %dma_start3A_33 : memref<1x128xi32, #tpu.memory_space<vmem>> -> memref<128xi32, #tpu.memory_space<vmem>>
        %dma_start3A_35 = arith.constant 0 : i32
        %dma_start3A_36 = tpu.memref_slice %arg7[%dma_start3A_35] : memref<20480xf32, #tpu.memory_space<vmem_shared>> -> memref<20480xf32, #tpu.memory_space<vmem_shared>>
        tpu.enqueue_indirect_dma source(%arg5 : memref<128xf32, #tpu.memory_space<vmem>>) target(%dma_start3A_36 : memref<20480xf32, #tpu.memory_space<vmem_shared>>) offsets(%dma_start3A_34 : memref<128xi32, #tpu.memory_space<vmem>>) semaphore(%run_scoped3A : memref<!tpu.dma_semaphore, #tpu.memory_space<semaphore_mem>>) {add = true}
        %dma_wait3A = arith.constant 0 : i32
        %dma_wait3A_37 = tpu.memref_slice %arg4[%scan3A_30, %dma_wait3A] : memref<80x128xi32, #tpu.memory_space<vmem>> -> memref<1x128xi32, #tpu.memory_space<vmem>>
        %dma_wait3A_38 = tpu.memref_squeeze %dma_wait3A_37 : memref<1x128xi32, #tpu.memory_space<vmem>> -> memref<128xi32, #tpu.memory_space<vmem>>
        %dma_wait3A_39 = arith.constant 0 : i32
        %dma_wait3A_40 = tpu.memref_slice %arg7[%dma_wait3A_39] : memref<20480xf32, #tpu.memory_space<vmem_shared>> -> memref<20480xf32, #tpu.memory_space<vmem_shared>>
        tpu.wait_indirect_dma semaphore(%run_scoped3A : memref<!tpu.dma_semaphore, #tpu.memory_space<semaphore_mem>>) src(%arg5 : memref<128xf32, #tpu.memory_space<vmem>>) dst(%dma_wait3A_40 : memref<20480xf32, #tpu.memory_space<vmem_shared>>)
        tpu.yield
      }) : () -> ()
      %scan3A_32 = arith.constant 0 : i32
      scf.yield %scan3A_32 : i32
    }
    %scan3A_24 = arith.constant 80 : i32
    %barrier3A_25 = arith.constant 0 : index
    tpu.barrier barrier_id(%barrier3A_25)
    %mul3A_26 = arith.constant 1280 : i32
    %mul3A_27 = arith.muli %arg1, %mul3A_26 : i32
    "tpu.region"() ({
      %run_scoped3A = tpu.sem_alloc : memref<!tpu.dma_semaphore, #tpu.memory_space<semaphore_mem>>
      %dma_start3A = tpu.memref_slice %arg7[%mul3A_27] : memref<20480xf32, #tpu.memory_space<vmem_shared>> -> memref<1280xf32, #tpu.memory_space<vmem_shared>>
      %dma_start3A_30 = tpu.memref_slice %arg7[%mul3A_27] : memref<20480xf32, #tpu.memory_space<vmem_shared>> -> memref<1280xf32, #tpu.memory_space<vmem_shared>>
      tpu.enqueue_dma source(%dma_start3A_30 : memref<1280xf32, #tpu.memory_space<vmem_shared>>) target(%arg6 : memref<1280xf32, #tpu.memory_space<vmem>>) target_semaphore(%run_scoped3A : memref<!tpu.dma_semaphore, #tpu.memory_space<semaphore_mem>>)
      %dma_wait3A = tpu.memref_slice %arg7[%mul3A_27] : memref<20480xf32, #tpu.memory_space<vmem_shared>> -> memref<1280xf32, #tpu.memory_space<vmem_shared>>
      %dma_wait3A_31 = tpu.memref_slice %arg7[%mul3A_27] : memref<20480xf32, #tpu.memory_space<vmem_shared>> -> memref<1280xf32, #tpu.memory_space<vmem_shared>>
      tpu.wait_dma2 semaphore(%run_scoped3A : memref<!tpu.dma_semaphore, #tpu.memory_space<semaphore_mem>>) src(%dma_wait3A_31 : memref<1280xf32, #tpu.memory_space<vmem_shared>>) dst(%arg6 : memref<1280xf32, #tpu.memory_space<vmem>>)
      tpu.yield
    }) : () -> ()
    %mul3A_28 = arith.constant 1280 : i32
    %mul3A_29 = arith.muli %arg1, %mul3A_28 : i32
    "tpu.region"() ({
      %run_scoped3A = tpu.sem_alloc : memref<!tpu.dma_semaphore, #tpu.memory_space<semaphore_mem>>
      %dma_start3A = tpu.memref_slice %arg3[%arg0, %mul3A_29] : memref<2x20480xf32, #tpu.memory_space<hbm>> -> memref<1x1280xf32, #tpu.memory_space<hbm>>
      %dma_start3A_30 = tpu.memref_squeeze %dma_start3A : memref<1x1280xf32, #tpu.memory_space<hbm>> -> memref<1280xf32, #tpu.memory_space<hbm>>
      %dma_start3A_31 = tpu.memref_slice %arg3[%arg0, %mul3A_29] : memref<2x20480xf32, #tpu.memory_space<hbm>> -> memref<1x1280xf32, #tpu.memory_space<hbm>>
      %dma_start3A_32 = tpu.memref_squeeze %dma_start3A_31 : memref<1x1280xf32, #tpu.memory_space<hbm>> -> memref<1280xf32, #tpu.memory_space<hbm>>
      tpu.enqueue_dma source(%arg6 : memref<1280xf32, #tpu.memory_space<vmem>>) target(%dma_start3A_32 : memref<1280xf32, #tpu.memory_space<hbm>>) target_semaphore(%run_scoped3A : memref<!tpu.dma_semaphore, #tpu.memory_space<semaphore_mem>>)
      %dma_wait3A = tpu.memref_slice %arg3[%arg0, %mul3A_29] : memref<2x20480xf32, #tpu.memory_space<hbm>> -> memref<1x1280xf32, #tpu.memory_space<hbm>>
      %dma_wait3A_33 = tpu.memref_squeeze %dma_wait3A : memref<1x1280xf32, #tpu.memory_space<hbm>> -> memref<1280xf32, #tpu.memory_space<hbm>>
      %dma_wait3A_34 = tpu.memref_slice %arg3[%arg0, %mul3A_29] : memref<2x20480xf32, #tpu.memory_space<hbm>> -> memref<1x1280xf32, #tpu.memory_space<hbm>>
      %dma_wait3A_35 = tpu.memref_squeeze %dma_wait3A_34 : memref<1x1280xf32, #tpu.memory_space<hbm>> -> memref<1280xf32, #tpu.memory_space<hbm>>
      tpu.wait_dma2 semaphore(%run_scoped3A : memref<!tpu.dma_semaphore, #tpu.memory_space<semaphore_mem>>) src(%arg6 : memref<1280xf32, #tpu.memory_space<vmem>>) dst(%dma_wait3A_35 : memref<1280xf32, #tpu.memory_space<hbm>>)
      tpu.yield
    }) : () -> ()
    return
  }
}

#map = affine_map<(d0, d1) -> (0, 0)>
#map1 = affine_map<(d0, d1) -> (0, 0, 0)>
module attributes {stable_mosaic.version = 14 : i64} {
  func.func @body(%arg0: i32, %arg1: i32, %arg2: memref<20000x32xf32, #tpu.memory_space<hbm>>, %arg3: memref<2560x128xi32, #tpu.memory_space<hbm>>, %arg4: memref<2560x128xi32, #tpu.memory_space<hbm>>, %arg5: memref<2x20480x32xf32, #tpu.memory_space<hbm>>, %arg6: memref<134x128xi32, #tpu.memory_space<vmem>>, %arg7: memref<134x128xi32, #tpu.memory_space<vmem>>, %arg8: memref<2x128x32xf32, #tpu.memory_space<vmem>>, %arg9: memref<640x32xf32, #tpu.memory_space<vmem>>, %arg10: memref<20480x32xf32, #tpu.memory_space<vmem_shared>>, %arg11: memref<!tpu.dma_semaphore, #tpu.memory_space<semaphore_mem>>, %arg12: memref<!tpu.dma_semaphore, #tpu.memory_space<semaphore_mem>>) attributes {dimension_semantics = [#tpu.dimension_semantics<core_parallel>, #tpu.dimension_semantics<subcore_parallel>], iteration_bounds = array<i64: 2, 16>, scalar_prefetch = 0 : i64, scratch_operands = 7 : i64, tpu.core_type = #tpu.core_type<sc_vector_subcore>, window_params = [{transform_indices = #map}, {transform_indices = #map}, {transform_indices = #map}, {transform_indices = #map1}]} {
    %mul3A = arith.constant 16 : i32
    %mul3A_0 = arith.muli %arg0, %mul3A : i32
    %add3A = arith.addi %mul3A_0, %arg1 : i32
    %scan3A = arith.constant 0 : i32
    %scan3A_1 = arith.constant 0 : i32
    %scan3A_2 = arith.constant 128 : i32
    %scan3A_3 = arith.addi %scan3A_1, %scan3A_2 : i32
    %scan3A_4 = arith.constant 1 : i32
    %scan3A_5 = scf.for %scan3A_67 = %scan3A_1 to %scan3A_3 step %scan3A_4 iter_args(%scan3A_68 = %scan3A) -> (i32)  : i32 {
      %broadcast_in_dim3A = arith.constant 0.000000e+00 : f32
      %broadcast_in_dim3A_69 = vector.broadcast %broadcast_in_dim3A : f32 to vector<16xf32>
      %swap3A = arith.constant 0 : i32
      %swap3A_70 = arith.index_cast %swap3A : i32 to index
      %swap3A_71 = arith.index_cast %scan3A_67 : i32 to index
      %swap3A_72 = arith.constant 0 : index
      %swap3A_73 = tpu.vector_load %arg8[%swap3A_70, %swap3A_71, %swap3A_72] {strides = array<i32>} : memref<2x128x32xf32, #tpu.memory_space<vmem>>, vector<1x1x16xf32>,
      %swap3A_74 = vector.shape_cast %swap3A_73 : vector<1x1x16xf32> to vector<16xf32>
      %swap3A_75 = vector.shape_cast %broadcast_in_dim3A_69 : vector<16xf32> to vector<1x1x16xf32>
      tpu.vector_store %arg8[%swap3A_70, %swap3A_71, %swap3A_72], %swap3A_75 {strides = array<i32>} : memref<2x128x32xf32, #tpu.memory_space<vmem>>, vector<1x1x16xf32>,
      %broadcast_in_dim3A_76 = arith.constant 0.000000e+00 : f32
      %broadcast_in_dim3A_77 = vector.broadcast %broadcast_in_dim3A_76 : f32 to vector<16xf32>
      %swap3A_78 = arith.constant 0 : i32
      %swap3A_79 = arith.index_cast %swap3A_78 : i32 to index
      %swap3A_80 = arith.index_cast %scan3A_67 : i32 to index
      %swap3A_81 = arith.constant 16 : index
      %swap3A_82 = tpu.vector_load %arg8[%swap3A_79, %swap3A_80, %swap3A_81] {strides = array<i32>} : memref<2x128x32xf32, #tpu.memory_space<vmem>>, vector<1x1x16xf32>,
      %swap3A_83 = vector.shape_cast %swap3A_82 : vector<1x1x16xf32> to vector<16xf32>
      %swap3A_84 = vector.shape_cast %broadcast_in_dim3A_77 : vector<16xf32> to vector<1x1x16xf32>
      tpu.vector_store %arg8[%swap3A_79, %swap3A_80, %swap3A_81], %swap3A_84 {strides = array<i32>} : memref<2x128x32xf32, #tpu.memory_space<vmem>>, vector<1x1x16xf32>,
      %scan3A_85 = arith.constant 0 : i32
      scf.yield %scan3A_85 : i32
    }
    %scan3A_6 = arith.constant 128 : i32
    %scan3A_7 = arith.constant 0 : i32
    %scan3A_8 = arith.constant 0 : i32
    %scan3A_9 = arith.constant 10 : i32
    %scan3A_10 = arith.addi %scan3A_8, %scan3A_9 : i32
    %scan3A_11 = arith.constant 1 : i32
    %scan3A_12 = scf.for %scan3A_67 = %scan3A_8 to %scan3A_10 step %scan3A_11 iter_args(%scan3A_68 = %scan3A_7) -> (i32)  : i32 {
      %mul3A_69 = arith.constant 1280 : i32
      %mul3A_70 = arith.muli %arg1, %mul3A_69 : i32
      %mul3A_71 = arith.constant 128 : i32
      %mul3A_72 = arith.muli %scan3A_67, %mul3A_71 : i32
      %add3A_73 = arith.addi %mul3A_70, %mul3A_72 : i32
      %run_scoped3A = arith.constant 0 : i32
      "tpu.region"() ({
        %run_scoped3A_75 = tpu.sem_alloc : memref<!tpu.dma_semaphore, #tpu.memory_space<semaphore_mem>>
        %dma_start3A_76 = arith.constant 0 : i32
        %dma_start3A_77 = arith.constant 0 : i32
        %dma_start3A_78 = tpu.memref_slice %arg8[%run_scoped3A, %dma_start3A_76, %dma_start3A_77] : memref<2x128x32xf32, #tpu.memory_space<vmem>> -> memref<1x128x32xf32, #tpu.memory_space<vmem>>
        %dma_start3A_79 = tpu.memref_squeeze %dma_start3A_78 : memref<1x128x32xf32, #tpu.memory_space<vmem>> -> memref<128x32xf32, #tpu.memory_space<vmem>>
        %dma_start3A_80 = arith.constant 0 : i32
        %dma_start3A_81 = tpu.memref_slice %arg10[%add3A_73, %dma_start3A_80] : memref<20480x32xf32, #tpu.memory_space<vmem_shared>> -> memref<128x32xf32, #tpu.memory_space<vmem_shared>>
        %dma_start3A_82 = arith.constant 0 : i32
        %dma_start3A_83 = tpu.memref_slice %arg10[%add3A_73, %dma_start3A_82] : memref<20480x32xf32, #tpu.memory_space<vmem_shared>> -> memref<128x32xf32, #tpu.memory_space<vmem_shared>>
        %dma_start3A_84 = arith.constant 0 : i32
        %dma_start3A_85 = arith.constant 0 : i32
        %dma_start3A_86 = tpu.memref_slice %arg8[%run_scoped3A, %dma_start3A_84, %dma_start3A_85] : memref<2x128x32xf32, #tpu.memory_space<vmem>> -> memref<1x128x32xf32, #tpu.memory_space<vmem>>
        %dma_start3A_87 = tpu.memref_squeeze %dma_start3A_86 : memref<1x128x32xf32, #tpu.memory_space<vmem>> -> memref<128x32xf32, #tpu.memory_space<vmem>>
        tpu.enqueue_dma source(%dma_start3A_87 : memref<128x32xf32, #tpu.memory_space<vmem>>) target(%dma_start3A_83 : memref<128x32xf32, #tpu.memory_space<vmem_shared>>) target_semaphore(%run_scoped3A_75 : memref<!tpu.dma_semaphore, #tpu.memory_space<semaphore_mem>>)
        %dma_wait3A = arith.constant 0 : i32
        %dma_wait3A_88 = arith.constant 0 : i32
        %dma_wait3A_89 = tpu.memref_slice %arg8[%run_scoped3A, %dma_wait3A, %dma_wait3A_88] : memref<2x128x32xf32, #tpu.memory_space<vmem>> -> memref<1x128x32xf32, #tpu.memory_space<vmem>>
        %dma_wait3A_90 = tpu.memref_squeeze %dma_wait3A_89 : memref<1x128x32xf32, #tpu.memory_space<vmem>> -> memref<128x32xf32, #tpu.memory_space<vmem>>
        %dma_wait3A_91 = arith.constant 0 : i32
        %dma_wait3A_92 = tpu.memref_slice %arg10[%add3A_73, %dma_wait3A_91] : memref<20480x32xf32, #tpu.memory_space<vmem_shared>> -> memref<128x32xf32, #tpu.memory_space<vmem_shared>>
        %dma_wait3A_93 = arith.constant 0 : i32
        %dma_wait3A_94 = tpu.memref_slice %arg10[%add3A_73, %dma_wait3A_93] : memref<20480x32xf32, #tpu.memory_space<vmem_shared>> -> memref<128x32xf32, #tpu.memory_space<vmem_shared>>
        %dma_wait3A_95 = arith.constant 0 : i32
        %dma_wait3A_96 = arith.constant 0 : i32
        %dma_wait3A_97 = tpu.memref_slice %arg8[%run_scoped3A, %dma_wait3A_95, %dma_wait3A_96] : memref<2x128x32xf32, #tpu.memory_space<vmem>> -> memref<1x128x32xf32, #tpu.memory_space<vmem>>
        %dma_wait3A_98 = tpu.memref_squeeze %dma_wait3A_97 : memref<1x128x32xf32, #tpu.memory_space<vmem>> -> memref<128x32xf32, #tpu.memory_space<vmem>>
        tpu.wait_dma2 semaphore(%run_scoped3A_75 : memref<!tpu.dma_semaphore, #tpu.memory_space<semaphore_mem>>) src(%dma_wait3A_98 : memref<128x32xf32, #tpu.memory_space<vmem>>) dst(%dma_wait3A_94 : memref<128x32xf32, #tpu.memory_space<vmem_shared>>)
        tpu.yield
      }) : () -> ()
      %scan3A_74 = arith.constant 0 : i32
      scf.yield %scan3A_74 : i32
    }
    %scan3A_13 = arith.constant 10 : i32
    %eq3A = arith.constant 0 : i32
    %eq3A_14 = arith.cmpi eq, %arg0, %eq3A : i32
    %mul3A_15 = arith.constant 134 : i32
    %mul3A_16 = arith.muli %arg1, %mul3A_15 : i32
    %mul3A_17 = arith.constant 26 : i32
    %mul3A_18 = arith.muli %arg1, %mul3A_17 : i32
    %add3A_19 = arith.constant 2144 : i32
    %add3A_20 = arith.addi %add3A_19, %mul3A_18 : i32
    %select_n3A = arith.select %eq3A_14, %mul3A_16, %add3A_20 : i32
    %eq3A_21 = arith.constant 0 : i32
    %eq3A_22 = arith.cmpi eq, %arg0, %eq3A_21 : i32
    %jit3A = arith.constant 67 : i32
    %jit3A_23 = arith.constant 13 : i32
    %select_n3A_24 = arith.select %eq3A_22, %jit3A, %jit3A_23 : i32
    "tpu.region"() ({
      %run_scoped3A = tpu.sem_alloc : memref<!tpu.dma_semaphore, #tpu.memory_space<semaphore_mem>>
      %dma_start3A_67 = arith.constant 0 : i32
      %dma_start3A_68 = tpu.memref_slice %arg3[%select_n3A, %dma_start3A_67] : memref<2560x128xi32, #tpu.memory_space<hbm>> -> memref<134x128xi32, #tpu.memory_space<hbm>>
      %dma_start3A_69 = arith.constant 0 : i32
      %dma_start3A_70 = tpu.memref_slice %arg3[%select_n3A, %dma_start3A_69] : memref<2560x128xi32, #tpu.memory_space<hbm>> -> memref<134x128xi32, #tpu.memory_space<hbm>>
      tpu.enqueue_dma source(%dma_start3A_70 : memref<134x128xi32, #tpu.memory_space<hbm>>) target(%arg6 : memref<134x128xi32, #tpu.memory_space<vmem>>) target_semaphore(%run_scoped3A : memref<!tpu.dma_semaphore, #tpu.memory_space<semaphore_mem>>)
      %dma_wait3A = arith.constant 0 : i32
      %dma_wait3A_71 = tpu.memref_slice %arg3[%select_n3A, %dma_wait3A] : memref<2560x128xi32, #tpu.memory_space<hbm>> -> memref<134x128xi32, #tpu.memory_space<hbm>>
      %dma_wait3A_72 = arith.constant 0 : i32
      %dma_wait3A_73 = tpu.memref_slice %arg3[%select_n3A, %dma_wait3A_72] : memref<2560x128xi32, #tpu.memory_space<hbm>> -> memref<134x128xi32, #tpu.memory_space<hbm>>
      tpu.wait_dma2 semaphore(%run_scoped3A : memref<!tpu.dma_semaphore, #tpu.memory_space<semaphore_mem>>) src(%dma_wait3A_73 : memref<134x128xi32, #tpu.memory_space<hbm>>) dst(%arg6 : memref<134x128xi32, #tpu.memory_space<vmem>>)
      tpu.yield
    }) : () -> ()
    "tpu.region"() ({
      %run_scoped3A = tpu.sem_alloc : memref<!tpu.dma_semaphore, #tpu.memory_space<semaphore_mem>>
      %dma_start3A_67 = arith.constant 0 : i32
      %dma_start3A_68 = tpu.memref_slice %arg4[%select_n3A, %dma_start3A_67] : memref<2560x128xi32, #tpu.memory_space<hbm>> -> memref<134x128xi32, #tpu.memory_space<hbm>>
      %dma_start3A_69 = arith.constant 0 : i32
      %dma_start3A_70 = tpu.memref_slice %arg4[%select_n3A, %dma_start3A_69] : memref<2560x128xi32, #tpu.memory_space<hbm>> -> memref<134x128xi32, #tpu.memory_space<hbm>>
      tpu.enqueue_dma source(%dma_start3A_70 : memref<134x128xi32, #tpu.memory_space<hbm>>) target(%arg7 : memref<134x128xi32, #tpu.memory_space<vmem>>) target_semaphore(%run_scoped3A : memref<!tpu.dma_semaphore, #tpu.memory_space<semaphore_mem>>)
      %dma_wait3A = arith.constant 0 : i32
      %dma_wait3A_71 = tpu.memref_slice %arg4[%select_n3A, %dma_wait3A] : memref<2560x128xi32, #tpu.memory_space<hbm>> -> memref<134x128xi32, #tpu.memory_space<hbm>>
      %dma_wait3A_72 = arith.constant 0 : i32
      %dma_wait3A_73 = tpu.memref_slice %arg4[%select_n3A, %dma_wait3A_72] : memref<2560x128xi32, #tpu.memory_space<hbm>> -> memref<134x128xi32, #tpu.memory_space<hbm>>
      tpu.wait_dma2 semaphore(%run_scoped3A : memref<!tpu.dma_semaphore, #tpu.memory_space<semaphore_mem>>) src(%dma_wait3A_73 : memref<134x128xi32, #tpu.memory_space<hbm>>) dst(%arg7 : memref<134x128xi32, #tpu.memory_space<vmem>>)
      tpu.yield
    }) : () -> ()
    %barrier3A = arith.constant 0 : index
    tpu.barrier barrier_id(%barrier3A)
    %dma_start3A = arith.constant 0 : i32
    %dma_start3A_25 = arith.constant 0 : i32
    %dma_start3A_26 = arith.constant 0 : i32
    %dma_start3A_27 = arith.constant 0 : i32
    %dma_start3A_28 = tpu.memref_slice %arg8[%dma_start3A_25, %dma_start3A_26, %dma_start3A_27] : memref<2x128x32xf32, #tpu.memory_space<vmem>> -> memref<1x128x32xf32, #tpu.memory_space<vmem>>
    %dma_start3A_29 = tpu.memref_squeeze %dma_start3A_28 : memref<1x128x32xf32, #tpu.memory_space<vmem>> -> memref<128x32xf32, #tpu.memory_space<vmem>>
    %dma_start3A_30 = arith.constant 0 : i32
    %dma_start3A_31 = tpu.memref_slice %arg6[%dma_start3A, %dma_start3A_30] : memref<134x128xi32, #tpu.memory_space<vmem>> -> memref<1x128xi32, #tpu.memory_space<vmem>>
    %dma_start3A_32 = tpu.memref_squeeze %dma_start3A_31 : memref<1x128xi32, #tpu.memory_space<vmem>> -> memref<128xi32, #tpu.memory_space<vmem>>
    %dma_start3A_33 = arith.constant 0 : i32
    %dma_start3A_34 = arith.constant 0 : i32
    %dma_start3A_35 = tpu.memref_slice %arg2[%dma_start3A_33, %dma_start3A_34] : memref<20000x32xf32, #tpu.memory_space<hbm>> -> memref<20000x32xf32, #tpu.memory_space<hbm>>
    tpu.enqueue_indirect_dma source(%dma_start3A_35 : memref<20000x32xf32, #tpu.memory_space<hbm>>) target(%dma_start3A_29 : memref<128x32xf32, #tpu.memory_space<vmem>>) offsets(%dma_start3A_32 : memref<128xi32, #tpu.memory_space<vmem>>) semaphore(%arg11 : memref<!tpu.dma_semaphore, #tpu.memory_space<semaphore_mem>>)
    %dma_start3A_36 = arith.constant 1 : i32
    %dma_start3A_37 = arith.constant 1 : i32
    %dma_start3A_38 = arith.constant 0 : i32
    %dma_start3A_39 = arith.constant 0 : i32
    %dma_start3A_40 = tpu.memref_slice %arg8[%dma_start3A_37, %dma_start3A_38, %dma_start3A_39] : memref<2x128x32xf32, #tpu.memory_space<vmem>> -> memref<1x128x32xf32, #tpu.memory_space<vmem>>
    %dma_start3A_41 = tpu.memref_squeeze %dma_start3A_40 : memref<1x128x32xf32, #tpu.memory_space<vmem>> -> memref<128x32xf32, #tpu.memory_space<vmem>>
    %dma_start3A_42 = arith.constant 0 : i32
    %dma_start3A_43 = tpu.memref_slice %arg6[%dma_start3A_36, %dma_start3A_42] : memref<134x128xi32, #tpu.memory_space<vmem>> -> memref<1x128xi32, #tpu.memory_space<vmem>>
    %dma_start3A_44 = tpu.memref_squeeze %dma_start3A_43 : memref<1x128xi32, #tpu.memory_space<vmem>> -> memref<128xi32, #tpu.memory_space<vmem>>
    %dma_start3A_45 = arith.constant 0 : i32
    %dma_start3A_46 = arith.constant 0 : i32
    %dma_start3A_47 = tpu.memref_slice %arg2[%dma_start3A_45, %dma_start3A_46] : memref<20000x32xf32, #tpu.memory_space<hbm>> -> memref<20000x32xf32, #tpu.memory_space<hbm>>
    tpu.enqueue_indirect_dma source(%dma_start3A_47 : memref<20000x32xf32, #tpu.memory_space<hbm>>) target(%dma_start3A_41 : memref<128x32xf32, #tpu.memory_space<vmem>>) offsets(%dma_start3A_44 : memref<128xi32, #tpu.memory_space<vmem>>) semaphore(%arg12 : memref<!tpu.dma_semaphore, #tpu.memory_space<semaphore_mem>>)
    %while3A = arith.constant 0 : i32
    %while3A_48 = arith.constant 0 : i32
    %while3A_49 = arith.subi %select_n3A_24, %while3A : i32
    %while3A_50 = arith.addi %while3A, %while3A_49 : i32
    %while3A_51 = arith.constant 1 : i32
    %while3A_52 = arith.divsi %while3A_49, %while3A_51 : i32
    %while3A_53 = arith.muli %while3A_52, %while3A_51 : i32
    %while3A_54 = arith.addi %while3A, %while3A_53 : i32
    %while3A_55 = arith.constant 1 : i32
    %while3A_56 = scf.for %while3A_67 = %while3A to %while3A_54 step %while3A_55 iter_args(%while3A_68 = %while3A_48) -> (i32)  : i32 {
      %mul3A_69 = arith.constant 2 : i32
      %mul3A_70 = arith.muli %mul3A_69, %while3A_67 : i32
      %add3A_71 = arith.constant 1 : i32
      %add3A_72 = arith.addi %mul3A_70, %add3A_71 : i32
      %dma_wait3A = arith.constant 0 : i32
      %dma_wait3A_73 = arith.constant 0 : i32
      %dma_wait3A_74 = arith.constant 0 : i32
      %dma_wait3A_75 = tpu.memref_slice %arg8[%dma_wait3A, %dma_wait3A_73, %dma_wait3A_74] : memref<2x128x32xf32, #tpu.memory_space<vmem>> -> memref<1x128x32xf32, #tpu.memory_space<vmem>>
      %dma_wait3A_76 = tpu.memref_squeeze %dma_wait3A_75 : memref<1x128x32xf32, #tpu.memory_space<vmem>> -> memref<128x32xf32, #tpu.memory_space<vmem>>
      %dma_wait3A_77 = arith.constant 0 : i32
      %dma_wait3A_78 = tpu.memref_slice %arg6[%mul3A_70, %dma_wait3A_77] : memref<134x128xi32, #tpu.memory_space<vmem>> -> memref<1x128xi32, #tpu.memory_space<vmem>>
      %dma_wait3A_79 = tpu.memref_squeeze %dma_wait3A_78 : memref<1x128xi32, #tpu.memory_space<vmem>> -> memref<128xi32, #tpu.memory_space<vmem>>
      %dma_wait3A_80 = arith.constant 0 : i32
      %dma_wait3A_81 = arith.constant 0 : i32
      %dma_wait3A_82 = tpu.memref_slice %arg2[%dma_wait3A_80, %dma_wait3A_81] : memref<20000x32xf32, #tpu.memory_space<hbm>> -> memref<20000x32xf32, #tpu.memory_space<hbm>>
      tpu.wait_indirect_dma semaphore(%arg11 : memref<!tpu.dma_semaphore, #tpu.memory_space<semaphore_mem>>) src(%dma_wait3A_82 : memref<20000x32xf32, #tpu.memory_space<hbm>>) dst(%dma_wait3A_76 : memref<128x32xf32, #tpu.memory_space<vmem>>)
      %run_scoped3A = arith.constant 0 : i32
      "tpu.region"() ({
        %run_scoped3A_104 = tpu.sem_alloc : memref<!tpu.dma_semaphore, #tpu.memory_space<semaphore_mem>>
        %dma_start3A_105 = arith.constant 0 : i32
        %dma_start3A_106 = arith.constant 0 : i32
        %dma_start3A_107 = tpu.memref_slice %arg8[%run_scoped3A, %dma_start3A_105, %dma_start3A_106] : memref<2x128x32xf32, #tpu.memory_space<vmem>> -> memref<1x128x32xf32, #tpu.memory_space<vmem>>
        %dma_start3A_108 = tpu.memref_squeeze %dma_start3A_107 : memref<1x128x32xf32, #tpu.memory_space<vmem>> -> memref<128x32xf32, #tpu.memory_space<vmem>>
        %dma_start3A_109 = arith.constant 0 : i32
        %dma_start3A_110 = tpu.memref_slice %arg7[%mul3A_70, %dma_start3A_109] : memref<134x128xi32, #tpu.memory_space<vmem>> -> memref<1x128xi32, #tpu.memory_space<vmem>>
        %dma_start3A_111 = tpu.memref_squeeze %dma_start3A_110 : memref<1x128xi32, #tpu.memory_space<vmem>> -> memref<128xi32, #tpu.memory_space<vmem>>
        %dma_start3A_112 = arith.constant 0 : i32
        %dma_start3A_113 = arith.constant 0 : i32
        %dma_start3A_114 = tpu.memref_slice %arg10[%dma_start3A_112, %dma_start3A_113] : memref<20480x32xf32, #tpu.memory_space<vmem_shared>> -> memref<20480x32xf32, #tpu.memory_space<vmem_shared>>
        tpu.enqueue_indirect_dma source(%dma_start3A_108 : memref<128x32xf32, #tpu.memory_space<vmem>>) target(%dma_start3A_114 : memref<20480x32xf32, #tpu.memory_space<vmem_shared>>) offsets(%dma_start3A_111 : memref<128xi32, #tpu.memory_space<vmem>>) semaphore(%run_scoped3A_104 : memref<!tpu.dma_semaphore, #tpu.memory_space<semaphore_mem>>) {add = true}
        %dma_wait3A_115 = arith.constant 0 : i32
        %dma_wait3A_116 = arith.constant 0 : i32
        %dma_wait3A_117 = tpu.memref_slice %arg8[%run_scoped3A, %dma_wait3A_115, %dma_wait3A_116] : memref<2x128x32xf32, #tpu.memory_space<vmem>> -> memref<1x128x32xf32, #tpu.memory_space<vmem>>
        %dma_wait3A_118 = tpu.memref_squeeze %dma_wait3A_117 : memref<1x128x32xf32, #tpu.memory_space<vmem>> -> memref<128x32xf32, #tpu.memory_space<vmem>>
        %dma_wait3A_119 = arith.constant 0 : i32
        %dma_wait3A_120 = tpu.memref_slice %arg7[%mul3A_70, %dma_wait3A_119] : memref<134x128xi32, #tpu.memory_space<vmem>> -> memref<1x128xi32, #tpu.memory_space<vmem>>
        %dma_wait3A_121 = tpu.memref_squeeze %dma_wait3A_120 : memref<1x128xi32, #tpu.memory_space<vmem>> -> memref<128xi32, #tpu.memory_space<vmem>>
        %dma_wait3A_122 = arith.constant 0 : i32
        %dma_wait3A_123 = arith.constant 0 : i32
        %dma_wait3A_124 = tpu.memref_slice %arg10[%dma_wait3A_122, %dma_wait3A_123] : memref<20480x32xf32, #tpu.memory_space<vmem_shared>> -> memref<20480x32xf32, #tpu.memory_space<vmem_shared>>
        tpu.wait_indirect_dma semaphore(%run_scoped3A_104 : memref<!tpu.dma_semaphore, #tpu.memory_space<semaphore_mem>>) src(%dma_wait3A_118 : memref<128x32xf32, #tpu.memory_space<vmem>>) dst(%dma_wait3A_124 : memref<20480x32xf32, #tpu.memory_space<vmem_shared>>)
        tpu.yield
      }) : () -> ()
      %sub3A = arith.constant 1 : i32
      %sub3A_83 = arith.subi %select_n3A_24, %sub3A : i32
      %lt3A = arith.cmpi slt, %while3A_67, %sub3A_83 : i32
      %convert_element_type3A = arith.extui %lt3A : i1 to i32
      %cond3A = arith.constant 0 : i32
      %cond3A_84 = arith.cmpi ne, %convert_element_type3A, %cond3A : i32
      scf.if %cond3A_84 {
        %add3A_104 = arith.constant 2 : i32
        %add3A_105 = arith.addi %mul3A_70, %add3A_104 : i32
        %dma_start3A_106 = arith.constant 0 : i32
        %dma_start3A_107 = arith.constant 0 : i32
        %dma_start3A_108 = arith.constant 0 : i32
        %dma_start3A_109 = tpu.memref_slice %arg8[%dma_start3A_106, %dma_start3A_107, %dma_start3A_108] : memref<2x128x32xf32, #tpu.memory_space<vmem>> -> memref<1x128x32xf32, #tpu.memory_space<vmem>>
        %dma_start3A_110 = tpu.memref_squeeze %dma_start3A_109 : memref<1x128x32xf32, #tpu.memory_space<vmem>> -> memref<128x32xf32, #tpu.memory_space<vmem>>
        %dma_start3A_111 = arith.constant 0 : i32
        %dma_start3A_112 = tpu.memref_slice %arg6[%add3A_105, %dma_start3A_111] : memref<134x128xi32, #tpu.memory_space<vmem>> -> memref<1x128xi32, #tpu.memory_space<vmem>>
        %dma_start3A_113 = tpu.memref_squeeze %dma_start3A_112 : memref<1x128xi32, #tpu.memory_space<vmem>> -> memref<128xi32, #tpu.memory_space<vmem>>
        %dma_start3A_114 = arith.constant 0 : i32
        %dma_start3A_115 = arith.constant 0 : i32
        %dma_start3A_116 = tpu.memref_slice %arg2[%dma_start3A_114, %dma_start3A_115] : memref<20000x32xf32, #tpu.memory_space<hbm>> -> memref<20000x32xf32, #tpu.memory_space<hbm>>
        tpu.enqueue_indirect_dma source(%dma_start3A_116 : memref<20000x32xf32, #tpu.memory_space<hbm>>) target(%dma_start3A_110 : memref<128x32xf32, #tpu.memory_space<vmem>>) offsets(%dma_start3A_113 : memref<128xi32, #tpu.memory_space<vmem>>) semaphore(%arg11 : memref<!tpu.dma_semaphore, #tpu.memory_space<semaphore_mem>>)
      } else {
      }
      %dma_wait3A_85 = arith.constant 1 : i32
      %dma_wait3A_86 = arith.constant 0 : i32
      %dma_wait3A_87 = arith.constant 0 : i32
      %dma_wait3A_88 = tpu.memref_slice %arg8[%dma_wait3A_85, %dma_wait3A_86, %dma_wait3A_87] : memref<2x128x32xf32, #tpu.memory_space<vmem>> -> memref<1x128x32xf32, #tpu.memory_space<vmem>>
      %dma_wait3A_89 = tpu.memref_squeeze %dma_wait3A_88 : memref<1x128x32xf32, #tpu.memory_space<vmem>> -> memref<128x32xf32, #tpu.memory_space<vmem>>
      %dma_wait3A_90 = arith.constant 0 : i32
      %dma_wait3A_91 = tpu.memref_slice %arg6[%add3A_72, %dma_wait3A_90] : memref<134x128xi32, #tpu.memory_space<vmem>> -> memref<1x128xi32, #tpu.memory_space<vmem>>
      %dma_wait3A_92 = tpu.memref_squeeze %dma_wait3A_91 : memref<1x128xi32, #tpu.memory_space<vmem>> -> memref<128xi32, #tpu.memory_space<vmem>>
      %dma_wait3A_93 = arith.constant 0 : i32
      %dma_wait3A_94 = arith.constant 0 : i32
      %dma_wait3A_95 = tpu.memref_slice %arg2[%dma_wait3A_93, %dma_wait3A_94] : memref<20000x32xf32, #tpu.memory_space<hbm>> -> memref<20000x32xf32, #tpu.memory_space<hbm>>
      tpu.wait_indirect_dma semaphore(%arg12 : memref<!tpu.dma_semaphore, #tpu.memory_space<semaphore_mem>>) src(%dma_wait3A_95 : memref<20000x32xf32, #tpu.memory_space<hbm>>) dst(%dma_wait3A_89 : memref<128x32xf32, #tpu.memory_space<vmem>>)
      %run_scoped3A_96 = arith.constant 1 : i32
      "tpu.region"() ({
        %run_scoped3A_104 = tpu.sem_alloc : memref<!tpu.dma_semaphore, #tpu.memory_space<semaphore_mem>>
        %dma_start3A_105 = arith.constant 0 : i32
        %dma_start3A_106 = arith.constant 0 : i32
        %dma_start3A_107 = tpu.memref_slice %arg8[%run_scoped3A_96, %dma_start3A_105, %dma_start3A_106] : memref<2x128x32xf32, #tpu.memory_space<vmem>> -> memref<1x128x32xf32, #tpu.memory_space<vmem>>
        %dma_start3A_108 = tpu.memref_squeeze %dma_start3A_107 : memref<1x128x32xf32, #tpu.memory_space<vmem>> -> memref<128x32xf32, #tpu.memory_space<vmem>>
        %dma_start3A_109 = arith.constant 0 : i32
        %dma_start3A_110 = tpu.memref_slice %arg7[%add3A_72, %dma_start3A_109] : memref<134x128xi32, #tpu.memory_space<vmem>> -> memref<1x128xi32, #tpu.memory_space<vmem>>
        %dma_start3A_111 = tpu.memref_squeeze %dma_start3A_110 : memref<1x128xi32, #tpu.memory_space<vmem>> -> memref<128xi32, #tpu.memory_space<vmem>>
        %dma_start3A_112 = arith.constant 0 : i32
        %dma_start3A_113 = arith.constant 0 : i32
        %dma_start3A_114 = tpu.memref_slice %arg10[%dma_start3A_112, %dma_start3A_113] : memref<20480x32xf32, #tpu.memory_space<vmem_shared>> -> memref<20480x32xf32, #tpu.memory_space<vmem_shared>>
        tpu.enqueue_indirect_dma source(%dma_start3A_108 : memref<128x32xf32, #tpu.memory_space<vmem>>) target(%dma_start3A_114 : memref<20480x32xf32, #tpu.memory_space<vmem_shared>>) offsets(%dma_start3A_111 : memref<128xi32, #tpu.memory_space<vmem>>) semaphore(%run_scoped3A_104 : memref<!tpu.dma_semaphore, #tpu.memory_space<semaphore_mem>>) {add = true}
        %dma_wait3A_115 = arith.constant 0 : i32
        %dma_wait3A_116 = arith.constant 0 : i32
        %dma_wait3A_117 = tpu.memref_slice %arg8[%run_scoped3A_96, %dma_wait3A_115, %dma_wait3A_116] : memref<2x128x32xf32, #tpu.memory_space<vmem>> -> memref<1x128x32xf32, #tpu.memory_space<vmem>>
        %dma_wait3A_118 = tpu.memref_squeeze %dma_wait3A_117 : memref<1x128x32xf32, #tpu.memory_space<vmem>> -> memref<128x32xf32, #tpu.memory_space<vmem>>
        %dma_wait3A_119 = arith.constant 0 : i32
        %dma_wait3A_120 = tpu.memref_slice %arg7[%add3A_72, %dma_wait3A_119] : memref<134x128xi32, #tpu.memory_space<vmem>> -> memref<1x128xi32, #tpu.memory_space<vmem>>
        %dma_wait3A_121 = tpu.memref_squeeze %dma_wait3A_120 : memref<1x128xi32, #tpu.memory_space<vmem>> -> memref<128xi32, #tpu.memory_space<vmem>>
        %dma_wait3A_122 = arith.constant 0 : i32
        %dma_wait3A_123 = arith.constant 0 : i32
        %dma_wait3A_124 = tpu.memref_slice %arg10[%dma_wait3A_122, %dma_wait3A_123] : memref<20480x32xf32, #tpu.memory_space<vmem_shared>> -> memref<20480x32xf32, #tpu.memory_space<vmem_shared>>
        tpu.wait_indirect_dma semaphore(%run_scoped3A_104 : memref<!tpu.dma_semaphore, #tpu.memory_space<semaphore_mem>>) src(%dma_wait3A_118 : memref<128x32xf32, #tpu.memory_space<vmem>>) dst(%dma_wait3A_124 : memref<20480x32xf32, #tpu.memory_space<vmem_shared>>)
        tpu.yield
      }) : () -> ()
      %sub3A_97 = arith.constant 1 : i32
      %sub3A_98 = arith.subi %select_n3A_24, %sub3A_97 : i32
      %lt3A_99 = arith.cmpi slt, %while3A_67, %sub3A_98 : i32
      %convert_element_type3A_100 = arith.extui %lt3A_99 : i1 to i32
      %cond3A_101 = arith.constant 0 : i32
      %cond3A_102 = arith.cmpi ne, %convert_element_type3A_100, %cond3A_101 : i32
      scf.if %cond3A_102 {
        %add3A_104 = arith.constant 2 : i32
        %add3A_105 = arith.addi %add3A_72, %add3A_104 : i32
        %dma_start3A_106 = arith.constant 1 : i32
        %dma_start3A_107 = arith.constant 0 : i32
        %dma_start3A_108 = arith.constant 0 : i32
        %dma_start3A_109 = tpu.memref_slice %arg8[%dma_start3A_106, %dma_start3A_107, %dma_start3A_108] : memref<2x128x32xf32, #tpu.memory_space<vmem>> -> memref<1x128x32xf32, #tpu.memory_space<vmem>>
        %dma_start3A_110 = tpu.memref_squeeze %dma_start3A_109 : memref<1x128x32xf32, #tpu.memory_space<vmem>> -> memref<128x32xf32, #tpu.memory_space<vmem>>
        %dma_start3A_111 = arith.constant 0 : i32
        %dma_start3A_112 = tpu.memref_slice %arg6[%add3A_105, %dma_start3A_111] : memref<134x128xi32, #tpu.memory_space<vmem>> -> memref<1x128xi32, #tpu.memory_space<vmem>>
        %dma_start3A_113 = tpu.memref_squeeze %dma_start3A_112 : memref<1x128xi32, #tpu.memory_space<vmem>> -> memref<128xi32, #tpu.memory_space<vmem>>
        %dma_start3A_114 = arith.constant 0 : i32
        %dma_start3A_115 = arith.constant 0 : i32
        %dma_start3A_116 = tpu.memref_slice %arg2[%dma_start3A_114, %dma_start3A_115] : memref<20000x32xf32, #tpu.memory_space<hbm>> -> memref<20000x32xf32, #tpu.memory_space<hbm>>
        tpu.enqueue_indirect_dma source(%dma_start3A_116 : memref<20000x32xf32, #tpu.memory_space<hbm>>) target(%dma_start3A_110 : memref<128x32xf32, #tpu.memory_space<vmem>>) offsets(%dma_start3A_113 : memref<128xi32, #tpu.memory_space<vmem>>) semaphore(%arg12 : memref<!tpu.dma_semaphore, #tpu.memory_space<semaphore_mem>>)
      } else {
      }
      %while3A_103 = arith.constant 0 : i32
      scf.yield %while3A_103 : i32
    }
    %while3A_57 = arith.constant 1 : i32
    %while3A_58 = scf.for %while3A_67 = %while3A_54 to %while3A_50 step %while3A_57 iter_args(%while3A_68 = %while3A_56) -> (i32)  : i32 {
      %mul3A_69 = arith.constant 2 : i32
      %mul3A_70 = arith.muli %mul3A_69, %while3A_67 : i32
      %add3A_71 = arith.constant 1 : i32
      %add3A_72 = arith.addi %mul3A_70, %add3A_71 : i32
      %dma_wait3A = arith.constant 0 : i32
      %dma_wait3A_73 = arith.constant 0 : i32
      %dma_wait3A_74 = arith.constant 0 : i32
      %dma_wait3A_75 = tpu.memref_slice %arg8[%dma_wait3A, %dma_wait3A_73, %dma_wait3A_74] : memref<2x128x32xf32, #tpu.memory_space<vmem>> -> memref<1x128x32xf32, #tpu.memory_space<vmem>>
      %dma_wait3A_76 = tpu.memref_squeeze %dma_wait3A_75 : memref<1x128x32xf32, #tpu.memory_space<vmem>> -> memref<128x32xf32, #tpu.memory_space<vmem>>
      %dma_wait3A_77 = arith.constant 0 : i32
      %dma_wait3A_78 = tpu.memref_slice %arg6[%mul3A_70, %dma_wait3A_77] : memref<134x128xi32, #tpu.memory_space<vmem>> -> memref<1x128xi32, #tpu.memory_space<vmem>>
      %dma_wait3A_79 = tpu.memref_squeeze %dma_wait3A_78 : memref<1x128xi32, #tpu.memory_space<vmem>> -> memref<128xi32, #tpu.memory_space<vmem>>
      %dma_wait3A_80 = arith.constant 0 : i32
      %dma_wait3A_81 = arith.constant 0 : i32
      %dma_wait3A_82 = tpu.memref_slice %arg2[%dma_wait3A_80, %dma_wait3A_81] : memref<20000x32xf32, #tpu.memory_space<hbm>> -> memref<20000x32xf32, #tpu.memory_space<hbm>>
      tpu.wait_indirect_dma semaphore(%arg11 : memref<!tpu.dma_semaphore, #tpu.memory_space<semaphore_mem>>) src(%dma_wait3A_82 : memref<20000x32xf32, #tpu.memory_space<hbm>>) dst(%dma_wait3A_76 : memref<128x32xf32, #tpu.memory_space<vmem>>)
      %run_scoped3A = arith.constant 0 : i32
      "tpu.region"() ({
        %run_scoped3A_104 = tpu.sem_alloc : memref<!tpu.dma_semaphore, #tpu.memory_space<semaphore_mem>>
        %dma_start3A_105 = arith.constant 0 : i32
        %dma_start3A_106 = arith.constant 0 : i32
        %dma_start3A_107 = tpu.memref_slice %arg8[%run_scoped3A, %dma_start3A_105, %dma_start3A_106] : memref<2x128x32xf32, #tpu.memory_space<vmem>> -> memref<1x128x32xf32, #tpu.memory_space<vmem>>
        %dma_start3A_108 = tpu.memref_squeeze %dma_start3A_107 : memref<1x128x32xf32, #tpu.memory_space<vmem>> -> memref<128x32xf32, #tpu.memory_space<vmem>>
        %dma_start3A_109 = arith.constant 0 : i32
        %dma_start3A_110 = tpu.memref_slice %arg7[%mul3A_70, %dma_start3A_109] : memref<134x128xi32, #tpu.memory_space<vmem>> -> memref<1x128xi32, #tpu.memory_space<vmem>>
        %dma_start3A_111 = tpu.memref_squeeze %dma_start3A_110 : memref<1x128xi32, #tpu.memory_space<vmem>> -> memref<128xi32, #tpu.memory_space<vmem>>
        %dma_start3A_112 = arith.constant 0 : i32
        %dma_start3A_113 = arith.constant 0 : i32
        %dma_start3A_114 = tpu.memref_slice %arg10[%dma_start3A_112, %dma_start3A_113] : memref<20480x32xf32, #tpu.memory_space<vmem_shared>> -> memref<20480x32xf32, #tpu.memory_space<vmem_shared>>
        tpu.enqueue_indirect_dma source(%dma_start3A_108 : memref<128x32xf32, #tpu.memory_space<vmem>>) target(%dma_start3A_114 : memref<20480x32xf32, #tpu.memory_space<vmem_shared>>) offsets(%dma_start3A_111 : memref<128xi32, #tpu.memory_space<vmem>>) semaphore(%run_scoped3A_104 : memref<!tpu.dma_semaphore, #tpu.memory_space<semaphore_mem>>) {add = true}
        %dma_wait3A_115 = arith.constant 0 : i32
        %dma_wait3A_116 = arith.constant 0 : i32
        %dma_wait3A_117 = tpu.memref_slice %arg8[%run_scoped3A, %dma_wait3A_115, %dma_wait3A_116] : memref<2x128x32xf32, #tpu.memory_space<vmem>> -> memref<1x128x32xf32, #tpu.memory_space<vmem>>
        %dma_wait3A_118 = tpu.memref_squeeze %dma_wait3A_117 : memref<1x128x32xf32, #tpu.memory_space<vmem>> -> memref<128x32xf32, #tpu.memory_space<vmem>>
        %dma_wait3A_119 = arith.constant 0 : i32
        %dma_wait3A_120 = tpu.memref_slice %arg7[%mul3A_70, %dma_wait3A_119] : memref<134x128xi32, #tpu.memory_space<vmem>> -> memref<1x128xi32, #tpu.memory_space<vmem>>
        %dma_wait3A_121 = tpu.memref_squeeze %dma_wait3A_120 : memref<1x128xi32, #tpu.memory_space<vmem>> -> memref<128xi32, #tpu.memory_space<vmem>>
        %dma_wait3A_122 = arith.constant 0 : i32
        %dma_wait3A_123 = arith.constant 0 : i32
        %dma_wait3A_124 = tpu.memref_slice %arg10[%dma_wait3A_122, %dma_wait3A_123] : memref<20480x32xf32, #tpu.memory_space<vmem_shared>> -> memref<20480x32xf32, #tpu.memory_space<vmem_shared>>
        tpu.wait_indirect_dma semaphore(%run_scoped3A_104 : memref<!tpu.dma_semaphore, #tpu.memory_space<semaphore_mem>>) src(%dma_wait3A_118 : memref<128x32xf32, #tpu.memory_space<vmem>>) dst(%dma_wait3A_124 : memref<20480x32xf32, #tpu.memory_space<vmem_shared>>)
        tpu.yield
      }) : () -> ()
      %sub3A = arith.constant 1 : i32
      %sub3A_83 = arith.subi %select_n3A_24, %sub3A : i32
      %lt3A = arith.cmpi slt, %while3A_67, %sub3A_83 : i32
      %convert_element_type3A = arith.extui %lt3A : i1 to i32
      %cond3A = arith.constant 0 : i32
      %cond3A_84 = arith.cmpi ne, %convert_element_type3A, %cond3A : i32
      scf.if %cond3A_84 {
        %add3A_104 = arith.constant 2 : i32
        %add3A_105 = arith.addi %mul3A_70, %add3A_104 : i32
        %dma_start3A_106 = arith.constant 0 : i32
        %dma_start3A_107 = arith.constant 0 : i32
        %dma_start3A_108 = arith.constant 0 : i32
        %dma_start3A_109 = tpu.memref_slice %arg8[%dma_start3A_106, %dma_start3A_107, %dma_start3A_108] : memref<2x128x32xf32, #tpu.memory_space<vmem>> -> memref<1x128x32xf32, #tpu.memory_space<vmem>>
        %dma_start3A_110 = tpu.memref_squeeze %dma_start3A_109 : memref<1x128x32xf32, #tpu.memory_space<vmem>> -> memref<128x32xf32, #tpu.memory_space<vmem>>
        %dma_start3A_111 = arith.constant 0 : i32
        %dma_start3A_112 = tpu.memref_slice %arg6[%add3A_105, %dma_start3A_111] : memref<134x128xi32, #tpu.memory_space<vmem>> -> memref<1x128xi32, #tpu.memory_space<vmem>>
        %dma_start3A_113 = tpu.memref_squeeze %dma_start3A_112 : memref<1x128xi32, #tpu.memory_space<vmem>> -> memref<128xi32, #tpu.memory_space<vmem>>
        %dma_start3A_114 = arith.constant 0 : i32
        %dma_start3A_115 = arith.constant 0 : i32
        %dma_start3A_116 = tpu.memref_slice %arg2[%dma_start3A_114, %dma_start3A_115] : memref<20000x32xf32, #tpu.memory_space<hbm>> -> memref<20000x32xf32, #tpu.memory_space<hbm>>
        tpu.enqueue_indirect_dma source(%dma_start3A_116 : memref<20000x32xf32, #tpu.memory_space<hbm>>) target(%dma_start3A_110 : memref<128x32xf32, #tpu.memory_space<vmem>>) offsets(%dma_start3A_113 : memref<128xi32, #tpu.memory_space<vmem>>) semaphore(%arg11 : memref<!tpu.dma_semaphore, #tpu.memory_space<semaphore_mem>>)
      } else {
      }
      %dma_wait3A_85 = arith.constant 1 : i32
      %dma_wait3A_86 = arith.constant 0 : i32
      %dma_wait3A_87 = arith.constant 0 : i32
      %dma_wait3A_88 = tpu.memref_slice %arg8[%dma_wait3A_85, %dma_wait3A_86, %dma_wait3A_87] : memref<2x128x32xf32, #tpu.memory_space<vmem>> -> memref<1x128x32xf32, #tpu.memory_space<vmem>>
      %dma_wait3A_89 = tpu.memref_squeeze %dma_wait3A_88 : memref<1x128x32xf32, #tpu.memory_space<vmem>> -> memref<128x32xf32, #tpu.memory_space<vmem>>
      %dma_wait3A_90 = arith.constant 0 : i32
      %dma_wait3A_91 = tpu.memref_slice %arg6[%add3A_72, %dma_wait3A_90] : memref<134x128xi32, #tpu.memory_space<vmem>> -> memref<1x128xi32, #tpu.memory_space<vmem>>
      %dma_wait3A_92 = tpu.memref_squeeze %dma_wait3A_91 : memref<1x128xi32, #tpu.memory_space<vmem>> -> memref<128xi32, #tpu.memory_space<vmem>>
      %dma_wait3A_93 = arith.constant 0 : i32
      %dma_wait3A_94 = arith.constant 0 : i32
      %dma_wait3A_95 = tpu.memref_slice %arg2[%dma_wait3A_93, %dma_wait3A_94] : memref<20000x32xf32, #tpu.memory_space<hbm>> -> memref<20000x32xf32, #tpu.memory_space<hbm>>
      tpu.wait_indirect_dma semaphore(%arg12 : memref<!tpu.dma_semaphore, #tpu.memory_space<semaphore_mem>>) src(%dma_wait3A_95 : memref<20000x32xf32, #tpu.memory_space<hbm>>) dst(%dma_wait3A_89 : memref<128x32xf32, #tpu.memory_space<vmem>>)
      %run_scoped3A_96 = arith.constant 1 : i32
      "tpu.region"() ({
        %run_scoped3A_104 = tpu.sem_alloc : memref<!tpu.dma_semaphore, #tpu.memory_space<semaphore_mem>>
        %dma_start3A_105 = arith.constant 0 : i32
        %dma_start3A_106 = arith.constant 0 : i32
        %dma_start3A_107 = tpu.memref_slice %arg8[%run_scoped3A_96, %dma_start3A_105, %dma_start3A_106] : memref<2x128x32xf32, #tpu.memory_space<vmem>> -> memref<1x128x32xf32, #tpu.memory_space<vmem>>
        %dma_start3A_108 = tpu.memref_squeeze %dma_start3A_107 : memref<1x128x32xf32, #tpu.memory_space<vmem>> -> memref<128x32xf32, #tpu.memory_space<vmem>>
        %dma_start3A_109 = arith.constant 0 : i32
        %dma_start3A_110 = tpu.memref_slice %arg7[%add3A_72, %dma_start3A_109] : memref<134x128xi32, #tpu.memory_space<vmem>> -> memref<1x128xi32, #tpu.memory_space<vmem>>
        %dma_start3A_111 = tpu.memref_squeeze %dma_start3A_110 : memref<1x128xi32, #tpu.memory_space<vmem>> -> memref<128xi32, #tpu.memory_space<vmem>>
        %dma_start3A_112 = arith.constant 0 : i32
        %dma_start3A_113 = arith.constant 0 : i32
        %dma_start3A_114 = tpu.memref_slice %arg10[%dma_start3A_112, %dma_start3A_113] : memref<20480x32xf32, #tpu.memory_space<vmem_shared>> -> memref<20480x32xf32, #tpu.memory_space<vmem_shared>>
        tpu.enqueue_indirect_dma source(%dma_start3A_108 : memref<128x32xf32, #tpu.memory_space<vmem>>) target(%dma_start3A_114 : memref<20480x32xf32, #tpu.memory_space<vmem_shared>>) offsets(%dma_start3A_111 : memref<128xi32, #tpu.memory_space<vmem>>) semaphore(%run_scoped3A_104 : memref<!tpu.dma_semaphore, #tpu.memory_space<semaphore_mem>>) {add = true}
        %dma_wait3A_115 = arith.constant 0 : i32
        %dma_wait3A_116 = arith.constant 0 : i32
        %dma_wait3A_117 = tpu.memref_slice %arg8[%run_scoped3A_96, %dma_wait3A_115, %dma_wait3A_116] : memref<2x128x32xf32, #tpu.memory_space<vmem>> -> memref<1x128x32xf32, #tpu.memory_space<vmem>>
        %dma_wait3A_118 = tpu.memref_squeeze %dma_wait3A_117 : memref<1x128x32xf32, #tpu.memory_space<vmem>> -> memref<128x32xf32, #tpu.memory_space<vmem>>
        %dma_wait3A_119 = arith.constant 0 : i32
        %dma_wait3A_120 = tpu.memref_slice %arg7[%add3A_72, %dma_wait3A_119] : memref<134x128xi32, #tpu.memory_space<vmem>> -> memref<1x128xi32, #tpu.memory_space<vmem>>
        %dma_wait3A_121 = tpu.memref_squeeze %dma_wait3A_120 : memref<1x128xi32, #tpu.memory_space<vmem>> -> memref<128xi32, #tpu.memory_space<vmem>>
        %dma_wait3A_122 = arith.constant 0 : i32
        %dma_wait3A_123 = arith.constant 0 : i32
        %dma_wait3A_124 = tpu.memref_slice %arg10[%dma_wait3A_122, %dma_wait3A_123] : memref<20480x32xf32, #tpu.memory_space<vmem_shared>> -> memref<20480x32xf32, #tpu.memory_space<vmem_shared>>
        tpu.wait_indirect_dma semaphore(%run_scoped3A_104 : memref<!tpu.dma_semaphore, #tpu.memory_space<semaphore_mem>>) src(%dma_wait3A_118 : memref<128x32xf32, #tpu.memory_space<vmem>>) dst(%dma_wait3A_124 : memref<20480x32xf32, #tpu.memory_space<vmem_shared>>)
        tpu.yield
      }) : () -> ()
      %sub3A_97 = arith.constant 1 : i32
      %sub3A_98 = arith.subi %select_n3A_24, %sub3A_97 : i32
      %lt3A_99 = arith.cmpi slt, %while3A_67, %sub3A_98 : i32
      %convert_element_type3A_100 = arith.extui %lt3A_99 : i1 to i32
      %cond3A_101 = arith.constant 0 : i32
      %cond3A_102 = arith.cmpi ne, %convert_element_type3A_100, %cond3A_101 : i32
      scf.if %cond3A_102 {
        %add3A_104 = arith.constant 2 : i32
        %add3A_105 = arith.addi %add3A_72, %add3A_104 : i32
        %dma_start3A_106 = arith.constant 1 : i32
        %dma_start3A_107 = arith.constant 0 : i32
        %dma_start3A_108 = arith.constant 0 : i32
        %dma_start3A_109 = tpu.memref_slice %arg8[%dma_start3A_106, %dma_start3A_107, %dma_start3A_108] : memref<2x128x32xf32, #tpu.memory_space<vmem>> -> memref<1x128x32xf32, #tpu.memory_space<vmem>>
        %dma_start3A_110 = tpu.memref_squeeze %dma_start3A_109 : memref<1x128x32xf32, #tpu.memory_space<vmem>> -> memref<128x32xf32, #tpu.memory_space<vmem>>
        %dma_start3A_111 = arith.constant 0 : i32
        %dma_start3A_112 = tpu.memref_slice %arg6[%add3A_105, %dma_start3A_111] : memref<134x128xi32, #tpu.memory_space<vmem>> -> memref<1x128xi32, #tpu.memory_space<vmem>>
        %dma_start3A_113 = tpu.memref_squeeze %dma_start3A_112 : memref<1x128xi32, #tpu.memory_space<vmem>> -> memref<128xi32, #tpu.memory_space<vmem>>
        %dma_start3A_114 = arith.constant 0 : i32
        %dma_start3A_115 = arith.constant 0 : i32
        %dma_start3A_116 = tpu.memref_slice %arg2[%dma_start3A_114, %dma_start3A_115] : memref<20000x32xf32, #tpu.memory_space<hbm>> -> memref<20000x32xf32, #tpu.memory_space<hbm>>
        tpu.enqueue_indirect_dma source(%dma_start3A_116 : memref<20000x32xf32, #tpu.memory_space<hbm>>) target(%dma_start3A_110 : memref<128x32xf32, #tpu.memory_space<vmem>>) offsets(%dma_start3A_113 : memref<128xi32, #tpu.memory_space<vmem>>) semaphore(%arg12 : memref<!tpu.dma_semaphore, #tpu.memory_space<semaphore_mem>>)
      } else {
      }
      %while3A_103 = arith.constant 0 : i32
      scf.yield %while3A_103 : i32
    }
    %barrier3A_59 = arith.constant 0 : index
    tpu.barrier barrier_id(%barrier3A_59)
    %scan3A_60 = arith.constant 0 : i32
    %scan3A_61 = arith.constant 0 : i32
    %scan3A_62 = arith.constant 2 : i32
    %scan3A_63 = arith.addi %scan3A_61, %scan3A_62 : i32
    %scan3A_64 = arith.constant 1 : i32
    %scan3A_65 = scf.for %scan3A_67 = %scan3A_61 to %scan3A_63 step %scan3A_64 iter_args(%scan3A_68 = %scan3A_60) -> (i32)  : i32 {
      %mul3A_69 = arith.constant 1280 : i32
      %mul3A_70 = arith.muli %arg1, %mul3A_69 : i32
      %mul3A_71 = arith.constant 640 : i32
      %mul3A_72 = arith.muli %scan3A_67, %mul3A_71 : i32
      %add3A_73 = arith.addi %mul3A_70, %mul3A_72 : i32
      "tpu.region"() ({
        %run_scoped3A = tpu.sem_alloc : memref<!tpu.dma_semaphore, #tpu.memory_space<semaphore_mem>>
        %dma_start3A_75 = arith.constant 0 : i32
        %dma_start3A_76 = tpu.memref_slice %arg10[%add3A_73, %dma_start3A_75] : memref<20480x32xf32, #tpu.memory_space<vmem_shared>> -> memref<640x32xf32, #tpu.memory_space<vmem_shared>>
        %dma_start3A_77 = arith.constant 0 : i32
        %dma_start3A_78 = tpu.memref_slice %arg10[%add3A_73, %dma_start3A_77] : memref<20480x32xf32, #tpu.memory_space<vmem_shared>> -> memref<640x32xf32, #tpu.memory_space<vmem_shared>>
        tpu.enqueue_dma source(%dma_start3A_78 : memref<640x32xf32, #tpu.memory_space<vmem_shared>>) target(%arg9 : memref<640x32xf32, #tpu.memory_space<vmem>>) target_semaphore(%run_scoped3A : memref<!tpu.dma_semaphore, #tpu.memory_space<semaphore_mem>>)
        %dma_wait3A = arith.constant 0 : i32
        %dma_wait3A_79 = tpu.memref_slice %arg10[%add3A_73, %dma_wait3A] : memref<20480x32xf32, #tpu.memory_space<vmem_shared>> -> memref<640x32xf32, #tpu.memory_space<vmem_shared>>
        %dma_wait3A_80 = arith.constant 0 : i32
        %dma_wait3A_81 = tpu.memref_slice %arg10[%add3A_73, %dma_wait3A_80] : memref<20480x32xf32, #tpu.memory_space<vmem_shared>> -> memref<640x32xf32, #tpu.memory_space<vmem_shared>>
        tpu.wait_dma2 semaphore(%run_scoped3A : memref<!tpu.dma_semaphore, #tpu.memory_space<semaphore_mem>>) src(%dma_wait3A_81 : memref<640x32xf32, #tpu.memory_space<vmem_shared>>) dst(%arg9 : memref<640x32xf32, #tpu.memory_space<vmem>>)
        tpu.yield
      }) : () -> ()
      "tpu.region"() ({
        %run_scoped3A = tpu.sem_alloc : memref<!tpu.dma_semaphore, #tpu.memory_space<semaphore_mem>>
        %dma_start3A_75 = arith.constant 0 : i32
        %dma_start3A_76 = tpu.memref_slice %arg5[%arg0, %add3A_73, %dma_start3A_75] : memref<2x20480x32xf32, #tpu.memory_space<hbm>> -> memref<1x640x32xf32, #tpu.memory_space<hbm>>
        %dma_start3A_77 = tpu.memref_squeeze %dma_start3A_76 : memref<1x640x32xf32, #tpu.memory_space<hbm>> -> memref<640x32xf32, #tpu.memory_space<hbm>>
        %dma_start3A_78 = arith.constant 0 : i32
        %dma_start3A_79 = tpu.memref_slice %arg5[%arg0, %add3A_73, %dma_start3A_78] : memref<2x20480x32xf32, #tpu.memory_space<hbm>> -> memref<1x640x32xf32, #tpu.memory_space<hbm>>
        %dma_start3A_80 = tpu.memref_squeeze %dma_start3A_79 : memref<1x640x32xf32, #tpu.memory_space<hbm>> -> memref<640x32xf32, #tpu.memory_space<hbm>>
        tpu.enqueue_dma source(%arg9 : memref<640x32xf32, #tpu.memory_space<vmem>>) target(%dma_start3A_80 : memref<640x32xf32, #tpu.memory_space<hbm>>) target_semaphore(%run_scoped3A : memref<!tpu.dma_semaphore, #tpu.memory_space<semaphore_mem>>)
        %dma_wait3A = arith.constant 0 : i32
        %dma_wait3A_81 = tpu.memref_slice %arg5[%arg0, %add3A_73, %dma_wait3A] : memref<2x20480x32xf32, #tpu.memory_space<hbm>> -> memref<1x640x32xf32, #tpu.memory_space<hbm>>
        %dma_wait3A_82 = tpu.memref_squeeze %dma_wait3A_81 : memref<1x640x32xf32, #tpu.memory_space<hbm>> -> memref<640x32xf32, #tpu.memory_space<hbm>>
        %dma_wait3A_83 = arith.constant 0 : i32
        %dma_wait3A_84 = tpu.memref_slice %arg5[%arg0, %add3A_73, %dma_wait3A_83] : memref<2x20480x32xf32, #tpu.memory_space<hbm>> -> memref<1x640x32xf32, #tpu.memory_space<hbm>>
        %dma_wait3A_85 = tpu.memref_squeeze %dma_wait3A_84 : memref<1x640x32xf32, #tpu.memory_space<hbm>> -> memref<640x32xf32, #tpu.memory_space<hbm>>
        tpu.wait_dma2 semaphore(%run_scoped3A : memref<!tpu.dma_semaphore, #tpu.memory_space<semaphore_mem>>) src(%arg9 : memref<640x32xf32, #tpu.memory_space<vmem>>) dst(%dma_wait3A_85 : memref<640x32xf32, #tpu.memory_space<hbm>>)
        tpu.yield
      }) : () -> ()
      %scan3A_74 = arith.constant 0 : i32
      scf.yield %scan3A_74 : i32
    }
    %scan3A_66 = arith.constant 2 : i32
    return
  }
}

#map = affine_map<(d0, d1) -> (0, 0)>
#map1 = affine_map<(d0, d1) -> (0, 0, 0)>
module attributes {stable_mosaic.version = 14 : i64} {
  func.func @body(%arg0: i32, %arg1: i32, %arg2: memref<20000x32xf32, #tpu.memory_space<hbm>>, %arg3: memref<2560x128xi32, #tpu.memory_space<hbm>>, %arg4: memref<2560x128xi32, #tpu.memory_space<hbm>>, %arg5: memref<2x20480x32xf32, #tpu.memory_space<hbm>>, %arg6: memref<134x128xi32, #tpu.memory_space<vmem>>, %arg7: memref<134x128xi32, #tpu.memory_space<vmem>>, %arg8: memref<2x128x32xf32, #tpu.memory_space<vmem>>, %arg9: memref<640x32xf32, #tpu.memory_space<vmem>>, %arg10: memref<20480x32xf32, #tpu.memory_space<vmem_shared>>, %arg11: memref<!tpu.dma_semaphore, #tpu.memory_space<semaphore_mem>>, %arg12: memref<!tpu.dma_semaphore, #tpu.memory_space<semaphore_mem>>) attributes {dimension_semantics = [#tpu.dimension_semantics<core_parallel>, #tpu.dimension_semantics<subcore_parallel>], iteration_bounds = array<i64: 2, 16>, scalar_prefetch = 0 : i64, scratch_operands = 7 : i64, tpu.core_type = #tpu.core_type<sc_vector_subcore>, window_params = [{transform_indices = #map}, {transform_indices = #map}, {transform_indices = #map}, {transform_indices = #map1}]} {
    %mul3A = arith.constant 16 : i32
    %mul3A_0 = arith.muli %arg0, %mul3A : i32
    %add3A = arith.addi %mul3A_0, %arg1 : i32
    %scan3A = arith.constant 0 : i32
    %scan3A_1 = arith.constant 0 : i32
    %scan3A_2 = arith.constant 128 : i32
    %scan3A_3 = arith.addi %scan3A_1, %scan3A_2 : i32
    %scan3A_4 = arith.constant 1 : i32
    %scan3A_5 = scf.for %scan3A_67 = %scan3A_1 to %scan3A_3 step %scan3A_4 iter_args(%scan3A_68 = %scan3A) -> (i32)  : i32 {
      %broadcast_in_dim3A = arith.constant 0.000000e+00 : f32
      %broadcast_in_dim3A_69 = vector.broadcast %broadcast_in_dim3A : f32 to vector<16xf32>
      %swap3A = arith.constant 0 : i32
      %swap3A_70 = arith.index_cast %swap3A : i32 to index
      %swap3A_71 = arith.index_cast %scan3A_67 : i32 to index
      %swap3A_72 = arith.constant 0 : index
      %swap3A_73 = tpu.vector_load %arg8[%swap3A_70, %swap3A_71, %swap3A_72] {strides = array<i32>} : memref<2x128x32xf32, #tpu.memory_space<vmem>>, vector<1x1x16xf32>,
      %swap3A_74 = vector.shape_cast %swap3A_73 : vector<1x1x16xf32> to vector<16xf32>
      %swap3A_75 = vector.shape_cast %broadcast_in_dim3A_69 : vector<16xf32> to vector<1x1x16xf32>
      tpu.vector_store %arg8[%swap3A_70, %swap3A_71, %swap3A_72], %swap3A_75 {strides = array<i32>} : memref<2x128x32xf32, #tpu.memory_space<vmem>>, vector<1x1x16xf32>,
      %broadcast_in_dim3A_76 = arith.constant 0.000000e+00 : f32
      %broadcast_in_dim3A_77 = vector.broadcast %broadcast_in_dim3A_76 : f32 to vector<16xf32>
      %swap3A_78 = arith.constant 0 : i32
      %swap3A_79 = arith.index_cast %swap3A_78 : i32 to index
      %swap3A_80 = arith.index_cast %scan3A_67 : i32 to index
      %swap3A_81 = arith.constant 16 : index
      %swap3A_82 = tpu.vector_load %arg8[%swap3A_79, %swap3A_80, %swap3A_81] {strides = array<i32>} : memref<2x128x32xf32, #tpu.memory_space<vmem>>, vector<1x1x16xf32>,
      %swap3A_83 = vector.shape_cast %swap3A_82 : vector<1x1x16xf32> to vector<16xf32>
      %swap3A_84 = vector.shape_cast %broadcast_in_dim3A_77 : vector<16xf32> to vector<1x1x16xf32>
      tpu.vector_store %arg8[%swap3A_79, %swap3A_80, %swap3A_81], %swap3A_84 {strides = array<i32>} : memref<2x128x32xf32, #tpu.memory_space<vmem>>, vector<1x1x16xf32>,
      %scan3A_85 = arith.constant 0 : i32
      scf.yield %scan3A_85 : i32
    }
    %scan3A_6 = arith.constant 128 : i32
    %scan3A_7 = arith.constant 0 : i32
    %scan3A_8 = arith.constant 0 : i32
    %scan3A_9 = arith.constant 10 : i32
    %scan3A_10 = arith.addi %scan3A_8, %scan3A_9 : i32
    %scan3A_11 = arith.constant 1 : i32
    %scan3A_12 = scf.for %scan3A_67 = %scan3A_8 to %scan3A_10 step %scan3A_11 iter_args(%scan3A_68 = %scan3A_7) -> (i32)  : i32 {
      %mul3A_69 = arith.constant 1280 : i32
      %mul3A_70 = arith.muli %arg1, %mul3A_69 : i32
      %mul3A_71 = arith.constant 128 : i32
      %mul3A_72 = arith.muli %scan3A_67, %mul3A_71 : i32
      %add3A_73 = arith.addi %mul3A_70, %mul3A_72 : i32
      %run_scoped3A = arith.constant 0 : i32
      "tpu.region"() ({
        %run_scoped3A_75 = tpu.sem_alloc : memref<!tpu.dma_semaphore, #tpu.memory_space<semaphore_mem>>
        %dma_start3A_76 = arith.constant 0 : i32
        %dma_start3A_77 = arith.constant 0 : i32
        %dma_start3A_78 = tpu.memref_slice %arg8[%run_scoped3A, %dma_start3A_76, %dma_start3A_77] : memref<2x128x32xf32, #tpu.memory_space<vmem>> -> memref<1x128x32xf32, #tpu.memory_space<vmem>>
        %dma_start3A_79 = tpu.memref_squeeze %dma_start3A_78 : memref<1x128x32xf32, #tpu.memory_space<vmem>> -> memref<128x32xf32, #tpu.memory_space<vmem>>
        %dma_start3A_80 = arith.constant 0 : i32
        %dma_start3A_81 = tpu.memref_slice %arg10[%add3A_73, %dma_start3A_80] : memref<20480x32xf32, #tpu.memory_space<vmem_shared>> -> memref<128x32xf32, #tpu.memory_space<vmem_shared>>
        %dma_start3A_82 = arith.constant 0 : i32
        %dma_start3A_83 = tpu.memref_slice %arg10[%add3A_73, %dma_start3A_82] : memref<20480x32xf32, #tpu.memory_space<vmem_shared>> -> memref<128x32xf32, #tpu.memory_space<vmem_shared>>
        %dma_start3A_84 = arith.constant 0 : i32
        %dma_start3A_85 = arith.constant 0 : i32
        %dma_start3A_86 = tpu.memref_slice %arg8[%run_scoped3A, %dma_start3A_84, %dma_start3A_85] : memref<2x128x32xf32, #tpu.memory_space<vmem>> -> memref<1x128x32xf32, #tpu.memory_space<vmem>>
        %dma_start3A_87 = tpu.memref_squeeze %dma_start3A_86 : memref<1x128x32xf32, #tpu.memory_space<vmem>> -> memref<128x32xf32, #tpu.memory_space<vmem>>
        tpu.enqueue_dma source(%dma_start3A_87 : memref<128x32xf32, #tpu.memory_space<vmem>>) target(%dma_start3A_83 : memref<128x32xf32, #tpu.memory_space<vmem_shared>>) target_semaphore(%run_scoped3A_75 : memref<!tpu.dma_semaphore, #tpu.memory_space<semaphore_mem>>)
        %dma_wait3A = arith.constant 0 : i32
        %dma_wait3A_88 = arith.constant 0 : i32
        %dma_wait3A_89 = tpu.memref_slice %arg8[%run_scoped3A, %dma_wait3A, %dma_wait3A_88] : memref<2x128x32xf32, #tpu.memory_space<vmem>> -> memref<1x128x32xf32, #tpu.memory_space<vmem>>
        %dma_wait3A_90 = tpu.memref_squeeze %dma_wait3A_89 : memref<1x128x32xf32, #tpu.memory_space<vmem>> -> memref<128x32xf32, #tpu.memory_space<vmem>>
        %dma_wait3A_91 = arith.constant 0 : i32
        %dma_wait3A_92 = tpu.memref_slice %arg10[%add3A_73, %dma_wait3A_91] : memref<20480x32xf32, #tpu.memory_space<vmem_shared>> -> memref<128x32xf32, #tpu.memory_space<vmem_shared>>
        %dma_wait3A_93 = arith.constant 0 : i32
        %dma_wait3A_94 = tpu.memref_slice %arg10[%add3A_73, %dma_wait3A_93] : memref<20480x32xf32, #tpu.memory_space<vmem_shared>> -> memref<128x32xf32, #tpu.memory_space<vmem_shared>>
        %dma_wait3A_95 = arith.constant 0 : i32
        %dma_wait3A_96 = arith.constant 0 : i32
        %dma_wait3A_97 = tpu.memref_slice %arg8[%run_scoped3A, %dma_wait3A_95, %dma_wait3A_96] : memref<2x128x32xf32, #tpu.memory_space<vmem>> -> memref<1x128x32xf32, #tpu.memory_space<vmem>>
        %dma_wait3A_98 = tpu.memref_squeeze %dma_wait3A_97 : memref<1x128x32xf32, #tpu.memory_space<vmem>> -> memref<128x32xf32, #tpu.memory_space<vmem>>
        tpu.wait_dma2 semaphore(%run_scoped3A_75 : memref<!tpu.dma_semaphore, #tpu.memory_space<semaphore_mem>>) src(%dma_wait3A_98 : memref<128x32xf32, #tpu.memory_space<vmem>>) dst(%dma_wait3A_94 : memref<128x32xf32, #tpu.memory_space<vmem_shared>>)
        tpu.yield
      }) : () -> ()
      %scan3A_74 = arith.constant 0 : i32
      scf.yield %scan3A_74 : i32
    }
    %scan3A_13 = arith.constant 10 : i32
    %eq3A = arith.constant 0 : i32
    %eq3A_14 = arith.cmpi eq, %arg0, %eq3A : i32
    %mul3A_15 = arith.constant 134 : i32
    %mul3A_16 = arith.muli %arg1, %mul3A_15 : i32
    %mul3A_17 = arith.constant 26 : i32
    %mul3A_18 = arith.muli %arg1, %mul3A_17 : i32
    %add3A_19 = arith.constant 2144 : i32
    %add3A_20 = arith.addi %add3A_19, %mul3A_18 : i32
    %select_n3A = arith.select %eq3A_14, %mul3A_16, %add3A_20 : i32
    %eq3A_21 = arith.constant 0 : i32
    %eq3A_22 = arith.cmpi eq, %arg0, %eq3A_21 : i32
    %jit3A = arith.constant 67 : i32
    %jit3A_23 = arith.constant 13 : i32
    %select_n3A_24 = arith.select %eq3A_22, %jit3A, %jit3A_23 : i32
    "tpu.region"() ({
      %run_scoped3A = tpu.sem_alloc : memref<!tpu.dma_semaphore, #tpu.memory_space<semaphore_mem>>
      %dma_start3A_67 = arith.constant 0 : i32
      %dma_start3A_68 = tpu.memref_slice %arg3[%select_n3A, %dma_start3A_67] : memref<2560x128xi32, #tpu.memory_space<hbm>> -> memref<134x128xi32, #tpu.memory_space<hbm>>
      %dma_start3A_69 = arith.constant 0 : i32
      %dma_start3A_70 = tpu.memref_slice %arg3[%select_n3A, %dma_start3A_69] : memref<2560x128xi32, #tpu.memory_space<hbm>> -> memref<134x128xi32, #tpu.memory_space<hbm>>
      tpu.enqueue_dma source(%dma_start3A_70 : memref<134x128xi32, #tpu.memory_space<hbm>>) target(%arg6 : memref<134x128xi32, #tpu.memory_space<vmem>>) target_semaphore(%run_scoped3A : memref<!tpu.dma_semaphore, #tpu.memory_space<semaphore_mem>>)
      %dma_wait3A = arith.constant 0 : i32
      %dma_wait3A_71 = tpu.memref_slice %arg3[%select_n3A, %dma_wait3A] : memref<2560x128xi32, #tpu.memory_space<hbm>> -> memref<134x128xi32, #tpu.memory_space<hbm>>
      %dma_wait3A_72 = arith.constant 0 : i32
      %dma_wait3A_73 = tpu.memref_slice %arg3[%select_n3A, %dma_wait3A_72] : memref<2560x128xi32, #tpu.memory_space<hbm>> -> memref<134x128xi32, #tpu.memory_space<hbm>>
      tpu.wait_dma2 semaphore(%run_scoped3A : memref<!tpu.dma_semaphore, #tpu.memory_space<semaphore_mem>>) src(%dma_wait3A_73 : memref<134x128xi32, #tpu.memory_space<hbm>>) dst(%arg6 : memref<134x128xi32, #tpu.memory_space<vmem>>)
      tpu.yield
    }) : () -> ()
    "tpu.region"() ({
      %run_scoped3A = tpu.sem_alloc : memref<!tpu.dma_semaphore, #tpu.memory_space<semaphore_mem>>
      %dma_start3A_67 = arith.constant 0 : i32
      %dma_start3A_68 = tpu.memref_slice %arg4[%select_n3A, %dma_start3A_67] : memref<2560x128xi32, #tpu.memory_space<hbm>> -> memref<134x128xi32, #tpu.memory_space<hbm>>
      %dma_start3A_69 = arith.constant 0 : i32
      %dma_start3A_70 = tpu.memref_slice %arg4[%select_n3A, %dma_start3A_69] : memref<2560x128xi32, #tpu.memory_space<hbm>> -> memref<134x128xi32, #tpu.memory_space<hbm>>
      tpu.enqueue_dma source(%dma_start3A_70 : memref<134x128xi32, #tpu.memory_space<hbm>>) target(%arg7 : memref<134x128xi32, #tpu.memory_space<vmem>>) target_semaphore(%run_scoped3A : memref<!tpu.dma_semaphore, #tpu.memory_space<semaphore_mem>>)
      %dma_wait3A = arith.constant 0 : i32
      %dma_wait3A_71 = tpu.memref_slice %arg4[%select_n3A, %dma_wait3A] : memref<2560x128xi32, #tpu.memory_space<hbm>> -> memref<134x128xi32, #tpu.memory_space<hbm>>
      %dma_wait3A_72 = arith.constant 0 : i32
      %dma_wait3A_73 = tpu.memref_slice %arg4[%select_n3A, %dma_wait3A_72] : memref<2560x128xi32, #tpu.memory_space<hbm>> -> memref<134x128xi32, #tpu.memory_space<hbm>>
      tpu.wait_dma2 semaphore(%run_scoped3A : memref<!tpu.dma_semaphore, #tpu.memory_space<semaphore_mem>>) src(%dma_wait3A_73 : memref<134x128xi32, #tpu.memory_space<hbm>>) dst(%arg7 : memref<134x128xi32, #tpu.memory_space<vmem>>)
      tpu.yield
    }) : () -> ()
    %barrier3A = arith.constant 0 : index
    tpu.barrier barrier_id(%barrier3A)
    %dma_start3A = arith.constant 0 : i32
    %dma_start3A_25 = arith.constant 0 : i32
    %dma_start3A_26 = arith.constant 0 : i32
    %dma_start3A_27 = arith.constant 0 : i32
    %dma_start3A_28 = tpu.memref_slice %arg8[%dma_start3A_25, %dma_start3A_26, %dma_start3A_27] : memref<2x128x32xf32, #tpu.memory_space<vmem>> -> memref<1x128x32xf32, #tpu.memory_space<vmem>>
    %dma_start3A_29 = tpu.memref_squeeze %dma_start3A_28 : memref<1x128x32xf32, #tpu.memory_space<vmem>> -> memref<128x32xf32, #tpu.memory_space<vmem>>
    %dma_start3A_30 = arith.constant 0 : i32
    %dma_start3A_31 = tpu.memref_slice %arg6[%dma_start3A, %dma_start3A_30] : memref<134x128xi32, #tpu.memory_space<vmem>> -> memref<1x128xi32, #tpu.memory_space<vmem>>
    %dma_start3A_32 = tpu.memref_squeeze %dma_start3A_31 : memref<1x128xi32, #tpu.memory_space<vmem>> -> memref<128xi32, #tpu.memory_space<vmem>>
    %dma_start3A_33 = arith.constant 0 : i32
    %dma_start3A_34 = arith.constant 0 : i32
    %dma_start3A_35 = tpu.memref_slice %arg2[%dma_start3A_33, %dma_start3A_34] : memref<20000x32xf32, #tpu.memory_space<hbm>> -> memref<20000x32xf32, #tpu.memory_space<hbm>>
    tpu.enqueue_indirect_dma source(%dma_start3A_35 : memref<20000x32xf32, #tpu.memory_space<hbm>>) target(%dma_start3A_29 : memref<128x32xf32, #tpu.memory_space<vmem>>) offsets(%dma_start3A_32 : memref<128xi32, #tpu.memory_space<vmem>>) semaphore(%arg11 : memref<!tpu.dma_semaphore, #tpu.memory_space<semaphore_mem>>)
    %dma_start3A_36 = arith.constant 1 : i32
    %dma_start3A_37 = arith.constant 1 : i32
    %dma_start3A_38 = arith.constant 0 : i32
    %dma_start3A_39 = arith.constant 0 : i32
    %dma_start3A_40 = tpu.memref_slice %arg8[%dma_start3A_37, %dma_start3A_38, %dma_start3A_39] : memref<2x128x32xf32, #tpu.memory_space<vmem>> -> memref<1x128x32xf32, #tpu.memory_space<vmem>>
    %dma_start3A_41 = tpu.memref_squeeze %dma_start3A_40 : memref<1x128x32xf32, #tpu.memory_space<vmem>> -> memref<128x32xf32, #tpu.memory_space<vmem>>
    %dma_start3A_42 = arith.constant 0 : i32
    %dma_start3A_43 = tpu.memref_slice %arg6[%dma_start3A_36, %dma_start3A_42] : memref<134x128xi32, #tpu.memory_space<vmem>> -> memref<1x128xi32, #tpu.memory_space<vmem>>
    %dma_start3A_44 = tpu.memref_squeeze %dma_start3A_43 : memref<1x128xi32, #tpu.memory_space<vmem>> -> memref<128xi32, #tpu.memory_space<vmem>>
    %dma_start3A_45 = arith.constant 0 : i32
    %dma_start3A_46 = arith.constant 0 : i32
    %dma_start3A_47 = tpu.memref_slice %arg2[%dma_start3A_45, %dma_start3A_46] : memref<20000x32xf32, #tpu.memory_space<hbm>> -> memref<20000x32xf32, #tpu.memory_space<hbm>>
    tpu.enqueue_indirect_dma source(%dma_start3A_47 : memref<20000x32xf32, #tpu.memory_space<hbm>>) target(%dma_start3A_41 : memref<128x32xf32, #tpu.memory_space<vmem>>) offsets(%dma_start3A_44 : memref<128xi32, #tpu.memory_space<vmem>>) semaphore(%arg12 : memref<!tpu.dma_semaphore, #tpu.memory_space<semaphore_mem>>)
    %while3A = arith.constant 0 : i32
    %while3A_48 = arith.constant 0 : i32
    %while3A_49 = arith.subi %select_n3A_24, %while3A : i32
    %while3A_50 = arith.addi %while3A, %while3A_49 : i32
    %while3A_51 = arith.constant 1 : i32
    %while3A_52 = arith.divsi %while3A_49, %while3A_51 : i32
    %while3A_53 = arith.muli %while3A_52, %while3A_51 : i32
    %while3A_54 = arith.addi %while3A, %while3A_53 : i32
    %while3A_55 = arith.constant 1 : i32
    %while3A_56 = scf.for %while3A_67 = %while3A to %while3A_54 step %while3A_55 iter_args(%while3A_68 = %while3A_48) -> (i32)  : i32 {
      %mul3A_69 = arith.constant 2 : i32
      %mul3A_70 = arith.muli %mul3A_69, %while3A_67 : i32
      %add3A_71 = arith.constant 1 : i32
      %add3A_72 = arith.addi %mul3A_70, %add3A_71 : i32
      %dma_wait3A = arith.constant 0 : i32
      %dma_wait3A_73 = arith.constant 0 : i32
      %dma_wait3A_74 = arith.constant 0 : i32
      %dma_wait3A_75 = tpu.memref_slice %arg8[%dma_wait3A, %dma_wait3A_73, %dma_wait3A_74] : memref<2x128x32xf32, #tpu.memory_space<vmem>> -> memref<1x128x32xf32, #tpu.memory_space<vmem>>
      %dma_wait3A_76 = tpu.memref_squeeze %dma_wait3A_75 : memref<1x128x32xf32, #tpu.memory_space<vmem>> -> memref<128x32xf32, #tpu.memory_space<vmem>>
      %dma_wait3A_77 = arith.constant 0 : i32
      %dma_wait3A_78 = tpu.memref_slice %arg6[%mul3A_70, %dma_wait3A_77] : memref<134x128xi32, #tpu.memory_space<vmem>> -> memref<1x128xi32, #tpu.memory_space<vmem>>
      %dma_wait3A_79 = tpu.memref_squeeze %dma_wait3A_78 : memref<1x128xi32, #tpu.memory_space<vmem>> -> memref<128xi32, #tpu.memory_space<vmem>>
      %dma_wait3A_80 = arith.constant 0 : i32
      %dma_wait3A_81 = arith.constant 0 : i32
      %dma_wait3A_82 = tpu.memref_slice %arg2[%dma_wait3A_80, %dma_wait3A_81] : memref<20000x32xf32, #tpu.memory_space<hbm>> -> memref<20000x32xf32, #tpu.memory_space<hbm>>
      tpu.wait_indirect_dma semaphore(%arg11 : memref<!tpu.dma_semaphore, #tpu.memory_space<semaphore_mem>>) src(%dma_wait3A_82 : memref<20000x32xf32, #tpu.memory_space<hbm>>) dst(%dma_wait3A_76 : memref<128x32xf32, #tpu.memory_space<vmem>>)
      %run_scoped3A = arith.constant 0 : i32
      "tpu.region"() ({
        %run_scoped3A_104 = tpu.sem_alloc : memref<!tpu.dma_semaphore, #tpu.memory_space<semaphore_mem>>
        %dma_start3A_105 = arith.constant 0 : i32
        %dma_start3A_106 = arith.constant 0 : i32
        %dma_start3A_107 = tpu.memref_slice %arg8[%run_scoped3A, %dma_start3A_105, %dma_start3A_106] : memref<2x128x32xf32, #tpu.memory_space<vmem>> -> memref<1x128x32xf32, #tpu.memory_space<vmem>>
        %dma_start3A_108 = tpu.memref_squeeze %dma_start3A_107 : memref<1x128x32xf32, #tpu.memory_space<vmem>> -> memref<128x32xf32, #tpu.memory_space<vmem>>
        %dma_start3A_109 = arith.constant 0 : i32
        %dma_start3A_110 = tpu.memref_slice %arg7[%mul3A_70, %dma_start3A_109] : memref<134x128xi32, #tpu.memory_space<vmem>> -> memref<1x128xi32, #tpu.memory_space<vmem>>
        %dma_start3A_111 = tpu.memref_squeeze %dma_start3A_110 : memref<1x128xi32, #tpu.memory_space<vmem>> -> memref<128xi32, #tpu.memory_space<vmem>>
        %dma_start3A_112 = arith.constant 0 : i32
        %dma_start3A_113 = arith.constant 0 : i32
        %dma_start3A_114 = tpu.memref_slice %arg10[%dma_start3A_112, %dma_start3A_113] : memref<20480x32xf32, #tpu.memory_space<vmem_shared>> -> memref<20480x32xf32, #tpu.memory_space<vmem_shared>>
        tpu.enqueue_indirect_dma source(%dma_start3A_108 : memref<128x32xf32, #tpu.memory_space<vmem>>) target(%dma_start3A_114 : memref<20480x32xf32, #tpu.memory_space<vmem_shared>>) offsets(%dma_start3A_111 : memref<128xi32, #tpu.memory_space<vmem>>) semaphore(%run_scoped3A_104 : memref<!tpu.dma_semaphore, #tpu.memory_space<semaphore_mem>>) {add = true}
        %dma_wait3A_115 = arith.constant 0 : i32
        %dma_wait3A_116 = arith.constant 0 : i32
        %dma_wait3A_117 = tpu.memref_slice %arg8[%run_scoped3A, %dma_wait3A_115, %dma_wait3A_116] : memref<2x128x32xf32, #tpu.memory_space<vmem>> -> memref<1x128x32xf32, #tpu.memory_space<vmem>>
        %dma_wait3A_118 = tpu.memref_squeeze %dma_wait3A_117 : memref<1x128x32xf32, #tpu.memory_space<vmem>> -> memref<128x32xf32, #tpu.memory_space<vmem>>
        %dma_wait3A_119 = arith.constant 0 : i32
        %dma_wait3A_120 = tpu.memref_slice %arg7[%mul3A_70, %dma_wait3A_119] : memref<134x128xi32, #tpu.memory_space<vmem>> -> memref<1x128xi32, #tpu.memory_space<vmem>>
        %dma_wait3A_121 = tpu.memref_squeeze %dma_wait3A_120 : memref<1x128xi32, #tpu.memory_space<vmem>> -> memref<128xi32, #tpu.memory_space<vmem>>
        %dma_wait3A_122 = arith.constant 0 : i32
        %dma_wait3A_123 = arith.constant 0 : i32
        %dma_wait3A_124 = tpu.memref_slice %arg10[%dma_wait3A_122, %dma_wait3A_123] : memref<20480x32xf32, #tpu.memory_space<vmem_shared>> -> memref<20480x32xf32, #tpu.memory_space<vmem_shared>>
        tpu.wait_indirect_dma semaphore(%run_scoped3A_104 : memref<!tpu.dma_semaphore, #tpu.memory_space<semaphore_mem>>) src(%dma_wait3A_118 : memref<128x32xf32, #tpu.memory_space<vmem>>) dst(%dma_wait3A_124 : memref<20480x32xf32, #tpu.memory_space<vmem_shared>>)
        tpu.yield
      }) : () -> ()
      %sub3A = arith.constant 1 : i32
      %sub3A_83 = arith.subi %select_n3A_24, %sub3A : i32
      %lt3A = arith.cmpi slt, %while3A_67, %sub3A_83 : i32
      %convert_element_type3A = arith.extui %lt3A : i1 to i32
      %cond3A = arith.constant 0 : i32
      %cond3A_84 = arith.cmpi ne, %convert_element_type3A, %cond3A : i32
      scf.if %cond3A_84 {
        %add3A_104 = arith.constant 2 : i32
        %add3A_105 = arith.addi %mul3A_70, %add3A_104 : i32
        %dma_start3A_106 = arith.constant 0 : i32
        %dma_start3A_107 = arith.constant 0 : i32
        %dma_start3A_108 = arith.constant 0 : i32
        %dma_start3A_109 = tpu.memref_slice %arg8[%dma_start3A_106, %dma_start3A_107, %dma_start3A_108] : memref<2x128x32xf32, #tpu.memory_space<vmem>> -> memref<1x128x32xf32, #tpu.memory_space<vmem>>
        %dma_start3A_110 = tpu.memref_squeeze %dma_start3A_109 : memref<1x128x32xf32, #tpu.memory_space<vmem>> -> memref<128x32xf32, #tpu.memory_space<vmem>>
        %dma_start3A_111 = arith.constant 0 : i32
        %dma_start3A_112 = tpu.memref_slice %arg6[%add3A_105, %dma_start3A_111] : memref<134x128xi32, #tpu.memory_space<vmem>> -> memref<1x128xi32, #tpu.memory_space<vmem>>
        %dma_start3A_113 = tpu.memref_squeeze %dma_start3A_112 : memref<1x128xi32, #tpu.memory_space<vmem>> -> memref<128xi32, #tpu.memory_space<vmem>>
        %dma_start3A_114 = arith.constant 0 : i32
        %dma_start3A_115 = arith.constant 0 : i32
        %dma_start3A_116 = tpu.memref_slice %arg2[%dma_start3A_114, %dma_start3A_115] : memref<20000x32xf32, #tpu.memory_space<hbm>> -> memref<20000x32xf32, #tpu.memory_space<hbm>>
        tpu.enqueue_indirect_dma source(%dma_start3A_116 : memref<20000x32xf32, #tpu.memory_space<hbm>>) target(%dma_start3A_110 : memref<128x32xf32, #tpu.memory_space<vmem>>) offsets(%dma_start3A_113 : memref<128xi32, #tpu.memory_space<vmem>>) semaphore(%arg11 : memref<!tpu.dma_semaphore, #tpu.memory_space<semaphore_mem>>)
      } else {
      }
      %dma_wait3A_85 = arith.constant 1 : i32
      %dma_wait3A_86 = arith.constant 0 : i32
      %dma_wait3A_87 = arith.constant 0 : i32
      %dma_wait3A_88 = tpu.memref_slice %arg8[%dma_wait3A_85, %dma_wait3A_86, %dma_wait3A_87] : memref<2x128x32xf32, #tpu.memory_space<vmem>> -> memref<1x128x32xf32, #tpu.memory_space<vmem>>
      %dma_wait3A_89 = tpu.memref_squeeze %dma_wait3A_88 : memref<1x128x32xf32, #tpu.memory_space<vmem>> -> memref<128x32xf32, #tpu.memory_space<vmem>>
      %dma_wait3A_90 = arith.constant 0 : i32
      %dma_wait3A_91 = tpu.memref_slice %arg6[%add3A_72, %dma_wait3A_90] : memref<134x128xi32, #tpu.memory_space<vmem>> -> memref<1x128xi32, #tpu.memory_space<vmem>>
      %dma_wait3A_92 = tpu.memref_squeeze %dma_wait3A_91 : memref<1x128xi32, #tpu.memory_space<vmem>> -> memref<128xi32, #tpu.memory_space<vmem>>
      %dma_wait3A_93 = arith.constant 0 : i32
      %dma_wait3A_94 = arith.constant 0 : i32
      %dma_wait3A_95 = tpu.memref_slice %arg2[%dma_wait3A_93, %dma_wait3A_94] : memref<20000x32xf32, #tpu.memory_space<hbm>> -> memref<20000x32xf32, #tpu.memory_space<hbm>>
      tpu.wait_indirect_dma semaphore(%arg12 : memref<!tpu.dma_semaphore, #tpu.memory_space<semaphore_mem>>) src(%dma_wait3A_95 : memref<20000x32xf32, #tpu.memory_space<hbm>>) dst(%dma_wait3A_89 : memref<128x32xf32, #tpu.memory_space<vmem>>)
      %run_scoped3A_96 = arith.constant 1 : i32
      "tpu.region"() ({
        %run_scoped3A_104 = tpu.sem_alloc : memref<!tpu.dma_semaphore, #tpu.memory_space<semaphore_mem>>
        %dma_start3A_105 = arith.constant 0 : i32
        %dma_start3A_106 = arith.constant 0 : i32
        %dma_start3A_107 = tpu.memref_slice %arg8[%run_scoped3A_96, %dma_start3A_105, %dma_start3A_106] : memref<2x128x32xf32, #tpu.memory_space<vmem>> -> memref<1x128x32xf32, #tpu.memory_space<vmem>>
        %dma_start3A_108 = tpu.memref_squeeze %dma_start3A_107 : memref<1x128x32xf32, #tpu.memory_space<vmem>> -> memref<128x32xf32, #tpu.memory_space<vmem>>
        %dma_start3A_109 = arith.constant 0 : i32
        %dma_start3A_110 = tpu.memref_slice %arg7[%add3A_72, %dma_start3A_109] : memref<134x128xi32, #tpu.memory_space<vmem>> -> memref<1x128xi32, #tpu.memory_space<vmem>>
        %dma_start3A_111 = tpu.memref_squeeze %dma_start3A_110 : memref<1x128xi32, #tpu.memory_space<vmem>> -> memref<128xi32, #tpu.memory_space<vmem>>
        %dma_start3A_112 = arith.constant 0 : i32
        %dma_start3A_113 = arith.constant 0 : i32
        %dma_start3A_114 = tpu.memref_slice %arg10[%dma_start3A_112, %dma_start3A_113] : memref<20480x32xf32, #tpu.memory_space<vmem_shared>> -> memref<20480x32xf32, #tpu.memory_space<vmem_shared>>
        tpu.enqueue_indirect_dma source(%dma_start3A_108 : memref<128x32xf32, #tpu.memory_space<vmem>>) target(%dma_start3A_114 : memref<20480x32xf32, #tpu.memory_space<vmem_shared>>) offsets(%dma_start3A_111 : memref<128xi32, #tpu.memory_space<vmem>>) semaphore(%run_scoped3A_104 : memref<!tpu.dma_semaphore, #tpu.memory_space<semaphore_mem>>) {add = true}
        %dma_wait3A_115 = arith.constant 0 : i32
        %dma_wait3A_116 = arith.constant 0 : i32
        %dma_wait3A_117 = tpu.memref_slice %arg8[%run_scoped3A_96, %dma_wait3A_115, %dma_wait3A_116] : memref<2x128x32xf32, #tpu.memory_space<vmem>> -> memref<1x128x32xf32, #tpu.memory_space<vmem>>
        %dma_wait3A_118 = tpu.memref_squeeze %dma_wait3A_117 : memref<1x128x32xf32, #tpu.memory_space<vmem>> -> memref<128x32xf32, #tpu.memory_space<vmem>>
        %dma_wait3A_119 = arith.constant 0 : i32
        %dma_wait3A_120 = tpu.memref_slice %arg7[%add3A_72, %dma_wait3A_119] : memref<134x128xi32, #tpu.memory_space<vmem>> -> memref<1x128xi32, #tpu.memory_space<vmem>>
        %dma_wait3A_121 = tpu.memref_squeeze %dma_wait3A_120 : memref<1x128xi32, #tpu.memory_space<vmem>> -> memref<128xi32, #tpu.memory_space<vmem>>
        %dma_wait3A_122 = arith.constant 0 : i32
        %dma_wait3A_123 = arith.constant 0 : i32
        %dma_wait3A_124 = tpu.memref_slice %arg10[%dma_wait3A_122, %dma_wait3A_123] : memref<20480x32xf32, #tpu.memory_space<vmem_shared>> -> memref<20480x32xf32, #tpu.memory_space<vmem_shared>>
        tpu.wait_indirect_dma semaphore(%run_scoped3A_104 : memref<!tpu.dma_semaphore, #tpu.memory_space<semaphore_mem>>) src(%dma_wait3A_118 : memref<128x32xf32, #tpu.memory_space<vmem>>) dst(%dma_wait3A_124 : memref<20480x32xf32, #tpu.memory_space<vmem_shared>>)
        tpu.yield
      }) : () -> ()
      %sub3A_97 = arith.constant 1 : i32
      %sub3A_98 = arith.subi %select_n3A_24, %sub3A_97 : i32
      %lt3A_99 = arith.cmpi slt, %while3A_67, %sub3A_98 : i32
      %convert_element_type3A_100 = arith.extui %lt3A_99 : i1 to i32
      %cond3A_101 = arith.constant 0 : i32
      %cond3A_102 = arith.cmpi ne, %convert_element_type3A_100, %cond3A_101 : i32
      scf.if %cond3A_102 {
        %add3A_104 = arith.constant 2 : i32
        %add3A_105 = arith.addi %add3A_72, %add3A_104 : i32
        %dma_start3A_106 = arith.constant 1 : i32
        %dma_start3A_107 = arith.constant 0 : i32
        %dma_start3A_108 = arith.constant 0 : i32
        %dma_start3A_109 = tpu.memref_slice %arg8[%dma_start3A_106, %dma_start3A_107, %dma_start3A_108] : memref<2x128x32xf32, #tpu.memory_space<vmem>> -> memref<1x128x32xf32, #tpu.memory_space<vmem>>
        %dma_start3A_110 = tpu.memref_squeeze %dma_start3A_109 : memref<1x128x32xf32, #tpu.memory_space<vmem>> -> memref<128x32xf32, #tpu.memory_space<vmem>>
        %dma_start3A_111 = arith.constant 0 : i32
        %dma_start3A_112 = tpu.memref_slice %arg6[%add3A_105, %dma_start3A_111] : memref<134x128xi32, #tpu.memory_space<vmem>> -> memref<1x128xi32, #tpu.memory_space<vmem>>
        %dma_start3A_113 = tpu.memref_squeeze %dma_start3A_112 : memref<1x128xi32, #tpu.memory_space<vmem>> -> memref<128xi32, #tpu.memory_space<vmem>>
        %dma_start3A_114 = arith.constant 0 : i32
        %dma_start3A_115 = arith.constant 0 : i32
        %dma_start3A_116 = tpu.memref_slice %arg2[%dma_start3A_114, %dma_start3A_115] : memref<20000x32xf32, #tpu.memory_space<hbm>> -> memref<20000x32xf32, #tpu.memory_space<hbm>>
        tpu.enqueue_indirect_dma source(%dma_start3A_116 : memref<20000x32xf32, #tpu.memory_space<hbm>>) target(%dma_start3A_110 : memref<128x32xf32, #tpu.memory_space<vmem>>) offsets(%dma_start3A_113 : memref<128xi32, #tpu.memory_space<vmem>>) semaphore(%arg12 : memref<!tpu.dma_semaphore, #tpu.memory_space<semaphore_mem>>)
      } else {
      }
      %while3A_103 = arith.constant 0 : i32
      scf.yield %while3A_103 : i32
    }
    %while3A_57 = arith.constant 1 : i32
    %while3A_58 = scf.for %while3A_67 = %while3A_54 to %while3A_50 step %while3A_57 iter_args(%while3A_68 = %while3A_56) -> (i32)  : i32 {
      %mul3A_69 = arith.constant 2 : i32
      %mul3A_70 = arith.muli %mul3A_69, %while3A_67 : i32
      %add3A_71 = arith.constant 1 : i32
      %add3A_72 = arith.addi %mul3A_70, %add3A_71 : i32
      %dma_wait3A = arith.constant 0 : i32
      %dma_wait3A_73 = arith.constant 0 : i32
      %dma_wait3A_74 = arith.constant 0 : i32
      %dma_wait3A_75 = tpu.memref_slice %arg8[%dma_wait3A, %dma_wait3A_73, %dma_wait3A_74] : memref<2x128x32xf32, #tpu.memory_space<vmem>> -> memref<1x128x32xf32, #tpu.memory_space<vmem>>
      %dma_wait3A_76 = tpu.memref_squeeze %dma_wait3A_75 : memref<1x128x32xf32, #tpu.memory_space<vmem>> -> memref<128x32xf32, #tpu.memory_space<vmem>>
      %dma_wait3A_77 = arith.constant 0 : i32
      %dma_wait3A_78 = tpu.memref_slice %arg6[%mul3A_70, %dma_wait3A_77] : memref<134x128xi32, #tpu.memory_space<vmem>> -> memref<1x128xi32, #tpu.memory_space<vmem>>
      %dma_wait3A_79 = tpu.memref_squeeze %dma_wait3A_78 : memref<1x128xi32, #tpu.memory_space<vmem>> -> memref<128xi32, #tpu.memory_space<vmem>>
      %dma_wait3A_80 = arith.constant 0 : i32
      %dma_wait3A_81 = arith.constant 0 : i32
      %dma_wait3A_82 = tpu.memref_slice %arg2[%dma_wait3A_80, %dma_wait3A_81] : memref<20000x32xf32, #tpu.memory_space<hbm>> -> memref<20000x32xf32, #tpu.memory_space<hbm>>
      tpu.wait_indirect_dma semaphore(%arg11 : memref<!tpu.dma_semaphore, #tpu.memory_space<semaphore_mem>>) src(%dma_wait3A_82 : memref<20000x32xf32, #tpu.memory_space<hbm>>) dst(%dma_wait3A_76 : memref<128x32xf32, #tpu.memory_space<vmem>>)
      %run_scoped3A = arith.constant 0 : i32
      "tpu.region"() ({
        %run_scoped3A_104 = tpu.sem_alloc : memref<!tpu.dma_semaphore, #tpu.memory_space<semaphore_mem>>
        %dma_start3A_105 = arith.constant 0 : i32
        %dma_start3A_106 = arith.constant 0 : i32
        %dma_start3A_107 = tpu.memref_slice %arg8[%run_scoped3A, %dma_start3A_105, %dma_start3A_106] : memref<2x128x32xf32, #tpu.memory_space<vmem>> -> memref<1x128x32xf32, #tpu.memory_space<vmem>>
        %dma_start3A_108 = tpu.memref_squeeze %dma_start3A_107 : memref<1x128x32xf32, #tpu.memory_space<vmem>> -> memref<128x32xf32, #tpu.memory_space<vmem>>
        %dma_start3A_109 = arith.constant 0 : i32
        %dma_start3A_110 = tpu.memref_slice %arg7[%mul3A_70, %dma_start3A_109] : memref<134x128xi32, #tpu.memory_space<vmem>> -> memref<1x128xi32, #tpu.memory_space<vmem>>
        %dma_start3A_111 = tpu.memref_squeeze %dma_start3A_110 : memref<1x128xi32, #tpu.memory_space<vmem>> -> memref<128xi32, #tpu.memory_space<vmem>>
        %dma_start3A_112 = arith.constant 0 : i32
        %dma_start3A_113 = arith.constant 0 : i32
        %dma_start3A_114 = tpu.memref_slice %arg10[%dma_start3A_112, %dma_start3A_113] : memref<20480x32xf32, #tpu.memory_space<vmem_shared>> -> memref<20480x32xf32, #tpu.memory_space<vmem_shared>>
        tpu.enqueue_indirect_dma source(%dma_start3A_108 : memref<128x32xf32, #tpu.memory_space<vmem>>) target(%dma_start3A_114 : memref<20480x32xf32, #tpu.memory_space<vmem_shared>>) offsets(%dma_start3A_111 : memref<128xi32, #tpu.memory_space<vmem>>) semaphore(%run_scoped3A_104 : memref<!tpu.dma_semaphore, #tpu.memory_space<semaphore_mem>>) {add = true}
        %dma_wait3A_115 = arith.constant 0 : i32
        %dma_wait3A_116 = arith.constant 0 : i32
        %dma_wait3A_117 = tpu.memref_slice %arg8[%run_scoped3A, %dma_wait3A_115, %dma_wait3A_116] : memref<2x128x32xf32, #tpu.memory_space<vmem>> -> memref<1x128x32xf32, #tpu.memory_space<vmem>>
        %dma_wait3A_118 = tpu.memref_squeeze %dma_wait3A_117 : memref<1x128x32xf32, #tpu.memory_space<vmem>> -> memref<128x32xf32, #tpu.memory_space<vmem>>
        %dma_wait3A_119 = arith.constant 0 : i32
        %dma_wait3A_120 = tpu.memref_slice %arg7[%mul3A_70, %dma_wait3A_119] : memref<134x128xi32, #tpu.memory_space<vmem>> -> memref<1x128xi32, #tpu.memory_space<vmem>>
        %dma_wait3A_121 = tpu.memref_squeeze %dma_wait3A_120 : memref<1x128xi32, #tpu.memory_space<vmem>> -> memref<128xi32, #tpu.memory_space<vmem>>
        %dma_wait3A_122 = arith.constant 0 : i32
        %dma_wait3A_123 = arith.constant 0 : i32
        %dma_wait3A_124 = tpu.memref_slice %arg10[%dma_wait3A_122, %dma_wait3A_123] : memref<20480x32xf32, #tpu.memory_space<vmem_shared>> -> memref<20480x32xf32, #tpu.memory_space<vmem_shared>>
        tpu.wait_indirect_dma semaphore(%run_scoped3A_104 : memref<!tpu.dma_semaphore, #tpu.memory_space<semaphore_mem>>) src(%dma_wait3A_118 : memref<128x32xf32, #tpu.memory_space<vmem>>) dst(%dma_wait3A_124 : memref<20480x32xf32, #tpu.memory_space<vmem_shared>>)
        tpu.yield
      }) : () -> ()
      %sub3A = arith.constant 1 : i32
      %sub3A_83 = arith.subi %select_n3A_24, %sub3A : i32
      %lt3A = arith.cmpi slt, %while3A_67, %sub3A_83 : i32
      %convert_element_type3A = arith.extui %lt3A : i1 to i32
      %cond3A = arith.constant 0 : i32
      %cond3A_84 = arith.cmpi ne, %convert_element_type3A, %cond3A : i32
      scf.if %cond3A_84 {
        %add3A_104 = arith.constant 2 : i32
        %add3A_105 = arith.addi %mul3A_70, %add3A_104 : i32
        %dma_start3A_106 = arith.constant 0 : i32
        %dma_start3A_107 = arith.constant 0 : i32
        %dma_start3A_108 = arith.constant 0 : i32
        %dma_start3A_109 = tpu.memref_slice %arg8[%dma_start3A_106, %dma_start3A_107, %dma_start3A_108] : memref<2x128x32xf32, #tpu.memory_space<vmem>> -> memref<1x128x32xf32, #tpu.memory_space<vmem>>
        %dma_start3A_110 = tpu.memref_squeeze %dma_start3A_109 : memref<1x128x32xf32, #tpu.memory_space<vmem>> -> memref<128x32xf32, #tpu.memory_space<vmem>>
        %dma_start3A_111 = arith.constant 0 : i32
        %dma_start3A_112 = tpu.memref_slice %arg6[%add3A_105, %dma_start3A_111] : memref<134x128xi32, #tpu.memory_space<vmem>> -> memref<1x128xi32, #tpu.memory_space<vmem>>
        %dma_start3A_113 = tpu.memref_squeeze %dma_start3A_112 : memref<1x128xi32, #tpu.memory_space<vmem>> -> memref<128xi32, #tpu.memory_space<vmem>>
        %dma_start3A_114 = arith.constant 0 : i32
        %dma_start3A_115 = arith.constant 0 : i32
        %dma_start3A_116 = tpu.memref_slice %arg2[%dma_start3A_114, %dma_start3A_115] : memref<20000x32xf32, #tpu.memory_space<hbm>> -> memref<20000x32xf32, #tpu.memory_space<hbm>>
        tpu.enqueue_indirect_dma source(%dma_start3A_116 : memref<20000x32xf32, #tpu.memory_space<hbm>>) target(%dma_start3A_110 : memref<128x32xf32, #tpu.memory_space<vmem>>) offsets(%dma_start3A_113 : memref<128xi32, #tpu.memory_space<vmem>>) semaphore(%arg11 : memref<!tpu.dma_semaphore, #tpu.memory_space<semaphore_mem>>)
      } else {
      }
      %dma_wait3A_85 = arith.constant 1 : i32
      %dma_wait3A_86 = arith.constant 0 : i32
      %dma_wait3A_87 = arith.constant 0 : i32
      %dma_wait3A_88 = tpu.memref_slice %arg8[%dma_wait3A_85, %dma_wait3A_86, %dma_wait3A_87] : memref<2x128x32xf32, #tpu.memory_space<vmem>> -> memref<1x128x32xf32, #tpu.memory_space<vmem>>
      %dma_wait3A_89 = tpu.memref_squeeze %dma_wait3A_88 : memref<1x128x32xf32, #tpu.memory_space<vmem>> -> memref<128x32xf32, #tpu.memory_space<vmem>>
      %dma_wait3A_90 = arith.constant 0 : i32
      %dma_wait3A_91 = tpu.memref_slice %arg6[%add3A_72, %dma_wait3A_90] : memref<134x128xi32, #tpu.memory_space<vmem>> -> memref<1x128xi32, #tpu.memory_space<vmem>>
      %dma_wait3A_92 = tpu.memref_squeeze %dma_wait3A_91 : memref<1x128xi32, #tpu.memory_space<vmem>> -> memref<128xi32, #tpu.memory_space<vmem>>
      %dma_wait3A_93 = arith.constant 0 : i32
      %dma_wait3A_94 = arith.constant 0 : i32
      %dma_wait3A_95 = tpu.memref_slice %arg2[%dma_wait3A_93, %dma_wait3A_94] : memref<20000x32xf32, #tpu.memory_space<hbm>> -> memref<20000x32xf32, #tpu.memory_space<hbm>>
      tpu.wait_indirect_dma semaphore(%arg12 : memref<!tpu.dma_semaphore, #tpu.memory_space<semaphore_mem>>) src(%dma_wait3A_95 : memref<20000x32xf32, #tpu.memory_space<hbm>>) dst(%dma_wait3A_89 : memref<128x32xf32, #tpu.memory_space<vmem>>)
      %run_scoped3A_96 = arith.constant 1 : i32
      "tpu.region"() ({
        %run_scoped3A_104 = tpu.sem_alloc : memref<!tpu.dma_semaphore, #tpu.memory_space<semaphore_mem>>
        %dma_start3A_105 = arith.constant 0 : i32
        %dma_start3A_106 = arith.constant 0 : i32
        %dma_start3A_107 = tpu.memref_slice %arg8[%run_scoped3A_96, %dma_start3A_105, %dma_start3A_106] : memref<2x128x32xf32, #tpu.memory_space<vmem>> -> memref<1x128x32xf32, #tpu.memory_space<vmem>>
        %dma_start3A_108 = tpu.memref_squeeze %dma_start3A_107 : memref<1x128x32xf32, #tpu.memory_space<vmem>> -> memref<128x32xf32, #tpu.memory_space<vmem>>
        %dma_start3A_109 = arith.constant 0 : i32
        %dma_start3A_110 = tpu.memref_slice %arg7[%add3A_72, %dma_start3A_109] : memref<134x128xi32, #tpu.memory_space<vmem>> -> memref<1x128xi32, #tpu.memory_space<vmem>>
        %dma_start3A_111 = tpu.memref_squeeze %dma_start3A_110 : memref<1x128xi32, #tpu.memory_space<vmem>> -> memref<128xi32, #tpu.memory_space<vmem>>
        %dma_start3A_112 = arith.constant 0 : i32
        %dma_start3A_113 = arith.constant 0 : i32
        %dma_start3A_114 = tpu.memref_slice %arg10[%dma_start3A_112, %dma_start3A_113] : memref<20480x32xf32, #tpu.memory_space<vmem_shared>> -> memref<20480x32xf32, #tpu.memory_space<vmem_shared>>
        tpu.enqueue_indirect_dma source(%dma_start3A_108 : memref<128x32xf32, #tpu.memory_space<vmem>>) target(%dma_start3A_114 : memref<20480x32xf32, #tpu.memory_space<vmem_shared>>) offsets(%dma_start3A_111 : memref<128xi32, #tpu.memory_space<vmem>>) semaphore(%run_scoped3A_104 : memref<!tpu.dma_semaphore, #tpu.memory_space<semaphore_mem>>) {add = true}
        %dma_wait3A_115 = arith.constant 0 : i32
        %dma_wait3A_116 = arith.constant 0 : i32
        %dma_wait3A_117 = tpu.memref_slice %arg8[%run_scoped3A_96, %dma_wait3A_115, %dma_wait3A_116] : memref<2x128x32xf32, #tpu.memory_space<vmem>> -> memref<1x128x32xf32, #tpu.memory_space<vmem>>
        %dma_wait3A_118 = tpu.memref_squeeze %dma_wait3A_117 : memref<1x128x32xf32, #tpu.memory_space<vmem>> -> memref<128x32xf32, #tpu.memory_space<vmem>>
        %dma_wait3A_119 = arith.constant 0 : i32
        %dma_wait3A_120 = tpu.memref_slice %arg7[%add3A_72, %dma_wait3A_119] : memref<134x128xi32, #tpu.memory_space<vmem>> -> memref<1x128xi32, #tpu.memory_space<vmem>>
        %dma_wait3A_121 = tpu.memref_squeeze %dma_wait3A_120 : memref<1x128xi32, #tpu.memory_space<vmem>> -> memref<128xi32, #tpu.memory_space<vmem>>
        %dma_wait3A_122 = arith.constant 0 : i32
        %dma_wait3A_123 = arith.constant 0 : i32
        %dma_wait3A_124 = tpu.memref_slice %arg10[%dma_wait3A_122, %dma_wait3A_123] : memref<20480x32xf32, #tpu.memory_space<vmem_shared>> -> memref<20480x32xf32, #tpu.memory_space<vmem_shared>>
        tpu.wait_indirect_dma semaphore(%run_scoped3A_104 : memref<!tpu.dma_semaphore, #tpu.memory_space<semaphore_mem>>) src(%dma_wait3A_118 : memref<128x32xf32, #tpu.memory_space<vmem>>) dst(%dma_wait3A_124 : memref<20480x32xf32, #tpu.memory_space<vmem_shared>>)
        tpu.yield
      }) : () -> ()
      %sub3A_97 = arith.constant 1 : i32
      %sub3A_98 = arith.subi %select_n3A_24, %sub3A_97 : i32
      %lt3A_99 = arith.cmpi slt, %while3A_67, %sub3A_98 : i32
      %convert_element_type3A_100 = arith.extui %lt3A_99 : i1 to i32
      %cond3A_101 = arith.constant 0 : i32
      %cond3A_102 = arith.cmpi ne, %convert_element_type3A_100, %cond3A_101 : i32
      scf.if %cond3A_102 {
        %add3A_104 = arith.constant 2 : i32
        %add3A_105 = arith.addi %add3A_72, %add3A_104 : i32
        %dma_start3A_106 = arith.constant 1 : i32
        %dma_start3A_107 = arith.constant 0 : i32
        %dma_start3A_108 = arith.constant 0 : i32
        %dma_start3A_109 = tpu.memref_slice %arg8[%dma_start3A_106, %dma_start3A_107, %dma_start3A_108] : memref<2x128x32xf32, #tpu.memory_space<vmem>> -> memref<1x128x32xf32, #tpu.memory_space<vmem>>
        %dma_start3A_110 = tpu.memref_squeeze %dma_start3A_109 : memref<1x128x32xf32, #tpu.memory_space<vmem>> -> memref<128x32xf32, #tpu.memory_space<vmem>>
        %dma_start3A_111 = arith.constant 0 : i32
        %dma_start3A_112 = tpu.memref_slice %arg6[%add3A_105, %dma_start3A_111] : memref<134x128xi32, #tpu.memory_space<vmem>> -> memref<1x128xi32, #tpu.memory_space<vmem>>
        %dma_start3A_113 = tpu.memref_squeeze %dma_start3A_112 : memref<1x128xi32, #tpu.memory_space<vmem>> -> memref<128xi32, #tpu.memory_space<vmem>>
        %dma_start3A_114 = arith.constant 0 : i32
        %dma_start3A_115 = arith.constant 0 : i32
        %dma_start3A_116 = tpu.memref_slice %arg2[%dma_start3A_114, %dma_start3A_115] : memref<20000x32xf32, #tpu.memory_space<hbm>> -> memref<20000x32xf32, #tpu.memory_space<hbm>>
        tpu.enqueue_indirect_dma source(%dma_start3A_116 : memref<20000x32xf32, #tpu.memory_space<hbm>>) target(%dma_start3A_110 : memref<128x32xf32, #tpu.memory_space<vmem>>) offsets(%dma_start3A_113 : memref<128xi32, #tpu.memory_space<vmem>>) semaphore(%arg12 : memref<!tpu.dma_semaphore, #tpu.memory_space<semaphore_mem>>)
      } else {
      }
      %while3A_103 = arith.constant 0 : i32
      scf.yield %while3A_103 : i32
    }
    %barrier3A_59 = arith.constant 0 : index
    tpu.barrier barrier_id(%barrier3A_59)
    %scan3A_60 = arith.constant 0 : i32
    %scan3A_61 = arith.constant 0 : i32
    %scan3A_62 = arith.constant 2 : i32
    %scan3A_63 = arith.addi %scan3A_61, %scan3A_62 : i32
    %scan3A_64 = arith.constant 1 : i32
    %scan3A_65 = scf.for %scan3A_67 = %scan3A_61 to %scan3A_63 step %scan3A_64 iter_args(%scan3A_68 = %scan3A_60) -> (i32)  : i32 {
      %mul3A_69 = arith.constant 1280 : i32
      %mul3A_70 = arith.muli %arg1, %mul3A_69 : i32
      %mul3A_71 = arith.constant 640 : i32
      %mul3A_72 = arith.muli %scan3A_67, %mul3A_71 : i32
      %add3A_73 = arith.addi %mul3A_70, %mul3A_72 : i32
      "tpu.region"() ({
        %run_scoped3A = tpu.sem_alloc : memref<!tpu.dma_semaphore, #tpu.memory_space<semaphore_mem>>
        %dma_start3A_75 = arith.constant 0 : i32
        %dma_start3A_76 = tpu.memref_slice %arg10[%add3A_73, %dma_start3A_75] : memref<20480x32xf32, #tpu.memory_space<vmem_shared>> -> memref<640x32xf32, #tpu.memory_space<vmem_shared>>
        %dma_start3A_77 = arith.constant 0 : i32
        %dma_start3A_78 = tpu.memref_slice %arg10[%add3A_73, %dma_start3A_77] : memref<20480x32xf32, #tpu.memory_space<vmem_shared>> -> memref<640x32xf32, #tpu.memory_space<vmem_shared>>
        tpu.enqueue_dma source(%dma_start3A_78 : memref<640x32xf32, #tpu.memory_space<vmem_shared>>) target(%arg9 : memref<640x32xf32, #tpu.memory_space<vmem>>) target_semaphore(%run_scoped3A : memref<!tpu.dma_semaphore, #tpu.memory_space<semaphore_mem>>)
        %dma_wait3A = arith.constant 0 : i32
        %dma_wait3A_79 = tpu.memref_slice %arg10[%add3A_73, %dma_wait3A] : memref<20480x32xf32, #tpu.memory_space<vmem_shared>> -> memref<640x32xf32, #tpu.memory_space<vmem_shared>>
        %dma_wait3A_80 = arith.constant 0 : i32
        %dma_wait3A_81 = tpu.memref_slice %arg10[%add3A_73, %dma_wait3A_80] : memref<20480x32xf32, #tpu.memory_space<vmem_shared>> -> memref<640x32xf32, #tpu.memory_space<vmem_shared>>
        tpu.wait_dma2 semaphore(%run_scoped3A : memref<!tpu.dma_semaphore, #tpu.memory_space<semaphore_mem>>) src(%dma_wait3A_81 : memref<640x32xf32, #tpu.memory_space<vmem_shared>>) dst(%arg9 : memref<640x32xf32, #tpu.memory_space<vmem>>)
        tpu.yield
      }) : () -> ()
      "tpu.region"() ({
        %run_scoped3A = tpu.sem_alloc : memref<!tpu.dma_semaphore, #tpu.memory_space<semaphore_mem>>
        %dma_start3A_75 = arith.constant 0 : i32
        %dma_start3A_76 = tpu.memref_slice %arg5[%arg0, %add3A_73, %dma_start3A_75] : memref<2x20480x32xf32, #tpu.memory_space<hbm>> -> memref<1x640x32xf32, #tpu.memory_space<hbm>>
        %dma_start3A_77 = tpu.memref_squeeze %dma_start3A_76 : memref<1x640x32xf32, #tpu.memory_space<hbm>> -> memref<640x32xf32, #tpu.memory_space<hbm>>
        %dma_start3A_78 = arith.constant 0 : i32
        %dma_start3A_79 = tpu.memref_slice %arg5[%arg0, %add3A_73, %dma_start3A_78] : memref<2x20480x32xf32, #tpu.memory_space<hbm>> -> memref<1x640x32xf32, #tpu.memory_space<hbm>>
        %dma_start3A_80 = tpu.memref_squeeze %dma_start3A_79 : memref<1x640x32xf32, #tpu.memory_space<hbm>> -> memref<640x32xf32, #tpu.memory_space<hbm>>
        tpu.enqueue_dma source(%arg9 : memref<640x32xf32, #tpu.memory_space<vmem>>) target(%dma_start3A_80 : memref<640x32xf32, #tpu.memory_space<hbm>>) target_semaphore(%run_scoped3A : memref<!tpu.dma_semaphore, #tpu.memory_space<semaphore_mem>>)
        %dma_wait3A = arith.constant 0 : i32
        %dma_wait3A_81 = tpu.memref_slice %arg5[%arg0, %add3A_73, %dma_wait3A] : memref<2x20480x32xf32, #tpu.memory_space<hbm>> -> memref<1x640x32xf32, #tpu.memory_space<hbm>>
        %dma_wait3A_82 = tpu.memref_squeeze %dma_wait3A_81 : memref<1x640x32xf32, #tpu.memory_space<hbm>> -> memref<640x32xf32, #tpu.memory_space<hbm>>
        %dma_wait3A_83 = arith.constant 0 : i32
        %dma_wait3A_84 = tpu.memref_slice %arg5[%arg0, %add3A_73, %dma_wait3A_83] : memref<2x20480x32xf32, #tpu.memory_space<hbm>> -> memref<1x640x32xf32, #tpu.memory_space<hbm>>
        %dma_wait3A_85 = tpu.memref_squeeze %dma_wait3A_84 : memref<1x640x32xf32, #tpu.memory_space<hbm>> -> memref<640x32xf32, #tpu.memory_space<hbm>>
        tpu.wait_dma2 semaphore(%run_scoped3A : memref<!tpu.dma_semaphore, #tpu.memory_space<semaphore_mem>>) src(%arg9 : memref<640x32xf32, #tpu.memory_space<vmem>>) dst(%dma_wait3A_85 : memref<640x32xf32, #tpu.memory_space<hbm>>)
        tpu.yield
      }) : () -> ()
      %scan3A_74 = arith.constant 0 : i32
      scf.yield %scan3A_74 : i32
    }
    %scan3A_66 = arith.constant 2 : i32
    return
  }
}

#map = affine_map<(d0, d1) -> (0, 0)>
#map1 = affine_map<(d0, d1) -> (0, 0, 0)>
module attributes {stable_mosaic.version = 14 : i64} {
  func.func @body(%arg0: i32, %arg1: i32, %arg2: memref<20000x32xf32, #tpu.memory_space<hbm>>, %arg3: memref<2560x128xi32, #tpu.memory_space<hbm>>, %arg4: memref<2560x128xi32, #tpu.memory_space<hbm>>, %arg5: memref<2x20480x32xf32, #tpu.memory_space<hbm>>, %arg6: memref<134x128xi32, #tpu.memory_space<vmem>>, %arg7: memref<134x128xi32, #tpu.memory_space<vmem>>, %arg8: memref<2x128x32xf32, #tpu.memory_space<vmem>>, %arg9: memref<640x32xf32, #tpu.memory_space<vmem>>, %arg10: memref<20480x32xf32, #tpu.memory_space<vmem_shared>>, %arg11: memref<!tpu.dma_semaphore, #tpu.memory_space<semaphore_mem>>, %arg12: memref<!tpu.dma_semaphore, #tpu.memory_space<semaphore_mem>>) attributes {dimension_semantics = [#tpu.dimension_semantics<core_parallel>, #tpu.dimension_semantics<subcore_parallel>], iteration_bounds = array<i64: 2, 16>, scalar_prefetch = 0 : i64, scratch_operands = 7 : i64, tpu.core_type = #tpu.core_type<sc_vector_subcore>, window_params = [{transform_indices = #map}, {transform_indices = #map}, {transform_indices = #map}, {transform_indices = #map1}]} {
    %mul3A = arith.constant 16 : i32
    %mul3A_0 = arith.muli %arg0, %mul3A : i32
    %add3A = arith.addi %mul3A_0, %arg1 : i32
    %scan3A = arith.constant 0 : i32
    %scan3A_1 = arith.constant 0 : i32
    %scan3A_2 = arith.constant 128 : i32
    %scan3A_3 = arith.addi %scan3A_1, %scan3A_2 : i32
    %scan3A_4 = arith.constant 1 : i32
    %scan3A_5 = scf.for %scan3A_67 = %scan3A_1 to %scan3A_3 step %scan3A_4 iter_args(%scan3A_68 = %scan3A) -> (i32)  : i32 {
      %broadcast_in_dim3A = arith.constant 0.000000e+00 : f32
      %broadcast_in_dim3A_69 = vector.broadcast %broadcast_in_dim3A : f32 to vector<16xf32>
      %swap3A = arith.constant 0 : i32
      %swap3A_70 = arith.index_cast %swap3A : i32 to index
      %swap3A_71 = arith.index_cast %scan3A_67 : i32 to index
      %swap3A_72 = arith.constant 0 : index
      %swap3A_73 = tpu.vector_load %arg8[%swap3A_70, %swap3A_71, %swap3A_72] {strides = array<i32>} : memref<2x128x32xf32, #tpu.memory_space<vmem>>, vector<1x1x16xf32>,
      %swap3A_74 = vector.shape_cast %swap3A_73 : vector<1x1x16xf32> to vector<16xf32>
      %swap3A_75 = vector.shape_cast %broadcast_in_dim3A_69 : vector<16xf32> to vector<1x1x16xf32>
      tpu.vector_store %arg8[%swap3A_70, %swap3A_71, %swap3A_72], %swap3A_75 {strides = array<i32>} : memref<2x128x32xf32, #tpu.memory_space<vmem>>, vector<1x1x16xf32>,
      %broadcast_in_dim3A_76 = arith.constant 0.000000e+00 : f32
      %broadcast_in_dim3A_77 = vector.broadcast %broadcast_in_dim3A_76 : f32 to vector<16xf32>
      %swap3A_78 = arith.constant 0 : i32
      %swap3A_79 = arith.index_cast %swap3A_78 : i32 to index
      %swap3A_80 = arith.index_cast %scan3A_67 : i32 to index
      %swap3A_81 = arith.constant 16 : index
      %swap3A_82 = tpu.vector_load %arg8[%swap3A_79, %swap3A_80, %swap3A_81] {strides = array<i32>} : memref<2x128x32xf32, #tpu.memory_space<vmem>>, vector<1x1x16xf32>,
      %swap3A_83 = vector.shape_cast %swap3A_82 : vector<1x1x16xf32> to vector<16xf32>
      %swap3A_84 = vector.shape_cast %broadcast_in_dim3A_77 : vector<16xf32> to vector<1x1x16xf32>
      tpu.vector_store %arg8[%swap3A_79, %swap3A_80, %swap3A_81], %swap3A_84 {strides = array<i32>} : memref<2x128x32xf32, #tpu.memory_space<vmem>>, vector<1x1x16xf32>,
      %scan3A_85 = arith.constant 0 : i32
      scf.yield %scan3A_85 : i32
    }
    %scan3A_6 = arith.constant 128 : i32
    %scan3A_7 = arith.constant 0 : i32
    %scan3A_8 = arith.constant 0 : i32
    %scan3A_9 = arith.constant 10 : i32
    %scan3A_10 = arith.addi %scan3A_8, %scan3A_9 : i32
    %scan3A_11 = arith.constant 1 : i32
    %scan3A_12 = scf.for %scan3A_67 = %scan3A_8 to %scan3A_10 step %scan3A_11 iter_args(%scan3A_68 = %scan3A_7) -> (i32)  : i32 {
      %mul3A_69 = arith.constant 1280 : i32
      %mul3A_70 = arith.muli %arg1, %mul3A_69 : i32
      %mul3A_71 = arith.constant 128 : i32
      %mul3A_72 = arith.muli %scan3A_67, %mul3A_71 : i32
      %add3A_73 = arith.addi %mul3A_70, %mul3A_72 : i32
      %run_scoped3A = arith.constant 0 : i32
      "tpu.region"() ({
        %run_scoped3A_75 = tpu.sem_alloc : memref<!tpu.dma_semaphore, #tpu.memory_space<semaphore_mem>>
        %dma_start3A_76 = arith.constant 0 : i32
        %dma_start3A_77 = arith.constant 0 : i32
        %dma_start3A_78 = tpu.memref_slice %arg8[%run_scoped3A, %dma_start3A_76, %dma_start3A_77] : memref<2x128x32xf32, #tpu.memory_space<vmem>> -> memref<1x128x32xf32, #tpu.memory_space<vmem>>
        %dma_start3A_79 = tpu.memref_squeeze %dma_start3A_78 : memref<1x128x32xf32, #tpu.memory_space<vmem>> -> memref<128x32xf32, #tpu.memory_space<vmem>>
        %dma_start3A_80 = arith.constant 0 : i32
        %dma_start3A_81 = tpu.memref_slice %arg10[%add3A_73, %dma_start3A_80] : memref<20480x32xf32, #tpu.memory_space<vmem_shared>> -> memref<128x32xf32, #tpu.memory_space<vmem_shared>>
        %dma_start3A_82 = arith.constant 0 : i32
        %dma_start3A_83 = tpu.memref_slice %arg10[%add3A_73, %dma_start3A_82] : memref<20480x32xf32, #tpu.memory_space<vmem_shared>> -> memref<128x32xf32, #tpu.memory_space<vmem_shared>>
        %dma_start3A_84 = arith.constant 0 : i32
        %dma_start3A_85 = arith.constant 0 : i32
        %dma_start3A_86 = tpu.memref_slice %arg8[%run_scoped3A, %dma_start3A_84, %dma_start3A_85] : memref<2x128x32xf32, #tpu.memory_space<vmem>> -> memref<1x128x32xf32, #tpu.memory_space<vmem>>
        %dma_start3A_87 = tpu.memref_squeeze %dma_start3A_86 : memref<1x128x32xf32, #tpu.memory_space<vmem>> -> memref<128x32xf32, #tpu.memory_space<vmem>>
        tpu.enqueue_dma source(%dma_start3A_87 : memref<128x32xf32, #tpu.memory_space<vmem>>) target(%dma_start3A_83 : memref<128x32xf32, #tpu.memory_space<vmem_shared>>) target_semaphore(%run_scoped3A_75 : memref<!tpu.dma_semaphore, #tpu.memory_space<semaphore_mem>>)
        %dma_wait3A = arith.constant 0 : i32
        %dma_wait3A_88 = arith.constant 0 : i32
        %dma_wait3A_89 = tpu.memref_slice %arg8[%run_scoped3A, %dma_wait3A, %dma_wait3A_88] : memref<2x128x32xf32, #tpu.memory_space<vmem>> -> memref<1x128x32xf32, #tpu.memory_space<vmem>>
        %dma_wait3A_90 = tpu.memref_squeeze %dma_wait3A_89 : memref<1x128x32xf32, #tpu.memory_space<vmem>> -> memref<128x32xf32, #tpu.memory_space<vmem>>
        %dma_wait3A_91 = arith.constant 0 : i32
        %dma_wait3A_92 = tpu.memref_slice %arg10[%add3A_73, %dma_wait3A_91] : memref<20480x32xf32, #tpu.memory_space<vmem_shared>> -> memref<128x32xf32, #tpu.memory_space<vmem_shared>>
        %dma_wait3A_93 = arith.constant 0 : i32
        %dma_wait3A_94 = tpu.memref_slice %arg10[%add3A_73, %dma_wait3A_93] : memref<20480x32xf32, #tpu.memory_space<vmem_shared>> -> memref<128x32xf32, #tpu.memory_space<vmem_shared>>
        %dma_wait3A_95 = arith.constant 0 : i32
        %dma_wait3A_96 = arith.constant 0 : i32
        %dma_wait3A_97 = tpu.memref_slice %arg8[%run_scoped3A, %dma_wait3A_95, %dma_wait3A_96] : memref<2x128x32xf32, #tpu.memory_space<vmem>> -> memref<1x128x32xf32, #tpu.memory_space<vmem>>
        %dma_wait3A_98 = tpu.memref_squeeze %dma_wait3A_97 : memref<1x128x32xf32, #tpu.memory_space<vmem>> -> memref<128x32xf32, #tpu.memory_space<vmem>>
        tpu.wait_dma2 semaphore(%run_scoped3A_75 : memref<!tpu.dma_semaphore, #tpu.memory_space<semaphore_mem>>) src(%dma_wait3A_98 : memref<128x32xf32, #tpu.memory_space<vmem>>) dst(%dma_wait3A_94 : memref<128x32xf32, #tpu.memory_space<vmem_shared>>)
        tpu.yield
      }) : () -> ()
      %scan3A_74 = arith.constant 0 : i32
      scf.yield %scan3A_74 : i32
    }
    %scan3A_13 = arith.constant 10 : i32
    %eq3A = arith.constant 0 : i32
    %eq3A_14 = arith.cmpi eq, %arg0, %eq3A : i32
    %mul3A_15 = arith.constant 134 : i32
    %mul3A_16 = arith.muli %arg1, %mul3A_15 : i32
    %mul3A_17 = arith.constant 26 : i32
    %mul3A_18 = arith.muli %arg1, %mul3A_17 : i32
    %add3A_19 = arith.constant 2144 : i32
    %add3A_20 = arith.addi %add3A_19, %mul3A_18 : i32
    %select_n3A = arith.select %eq3A_14, %mul3A_16, %add3A_20 : i32
    %eq3A_21 = arith.constant 0 : i32
    %eq3A_22 = arith.cmpi eq, %arg0, %eq3A_21 : i32
    %jit3A = arith.constant 67 : i32
    %jit3A_23 = arith.constant 13 : i32
    %select_n3A_24 = arith.select %eq3A_22, %jit3A, %jit3A_23 : i32
    "tpu.region"() ({
      %run_scoped3A = tpu.sem_alloc : memref<!tpu.dma_semaphore, #tpu.memory_space<semaphore_mem>>
      %dma_start3A_67 = arith.constant 0 : i32
      %dma_start3A_68 = tpu.memref_slice %arg3[%select_n3A, %dma_start3A_67] : memref<2560x128xi32, #tpu.memory_space<hbm>> -> memref<134x128xi32, #tpu.memory_space<hbm>>
      %dma_start3A_69 = arith.constant 0 : i32
      %dma_start3A_70 = tpu.memref_slice %arg3[%select_n3A, %dma_start3A_69] : memref<2560x128xi32, #tpu.memory_space<hbm>> -> memref<134x128xi32, #tpu.memory_space<hbm>>
      tpu.enqueue_dma source(%dma_start3A_70 : memref<134x128xi32, #tpu.memory_space<hbm>>) target(%arg6 : memref<134x128xi32, #tpu.memory_space<vmem>>) target_semaphore(%run_scoped3A : memref<!tpu.dma_semaphore, #tpu.memory_space<semaphore_mem>>)
      %dma_wait3A = arith.constant 0 : i32
      %dma_wait3A_71 = tpu.memref_slice %arg3[%select_n3A, %dma_wait3A] : memref<2560x128xi32, #tpu.memory_space<hbm>> -> memref<134x128xi32, #tpu.memory_space<hbm>>
      %dma_wait3A_72 = arith.constant 0 : i32
      %dma_wait3A_73 = tpu.memref_slice %arg3[%select_n3A, %dma_wait3A_72] : memref<2560x128xi32, #tpu.memory_space<hbm>> -> memref<134x128xi32, #tpu.memory_space<hbm>>
      tpu.wait_dma2 semaphore(%run_scoped3A : memref<!tpu.dma_semaphore, #tpu.memory_space<semaphore_mem>>) src(%dma_wait3A_73 : memref<134x128xi32, #tpu.memory_space<hbm>>) dst(%arg6 : memref<134x128xi32, #tpu.memory_space<vmem>>)
      tpu.yield
    }) : () -> ()
    "tpu.region"() ({
      %run_scoped3A = tpu.sem_alloc : memref<!tpu.dma_semaphore, #tpu.memory_space<semaphore_mem>>
      %dma_start3A_67 = arith.constant 0 : i32
      %dma_start3A_68 = tpu.memref_slice %arg4[%select_n3A, %dma_start3A_67] : memref<2560x128xi32, #tpu.memory_space<hbm>> -> memref<134x128xi32, #tpu.memory_space<hbm>>
      %dma_start3A_69 = arith.constant 0 : i32
      %dma_start3A_70 = tpu.memref_slice %arg4[%select_n3A, %dma_start3A_69] : memref<2560x128xi32, #tpu.memory_space<hbm>> -> memref<134x128xi32, #tpu.memory_space<hbm>>
      tpu.enqueue_dma source(%dma_start3A_70 : memref<134x128xi32, #tpu.memory_space<hbm>>) target(%arg7 : memref<134x128xi32, #tpu.memory_space<vmem>>) target_semaphore(%run_scoped3A : memref<!tpu.dma_semaphore, #tpu.memory_space<semaphore_mem>>)
      %dma_wait3A = arith.constant 0 : i32
      %dma_wait3A_71 = tpu.memref_slice %arg4[%select_n3A, %dma_wait3A] : memref<2560x128xi32, #tpu.memory_space<hbm>> -> memref<134x128xi32, #tpu.memory_space<hbm>>
      %dma_wait3A_72 = arith.constant 0 : i32
      %dma_wait3A_73 = tpu.memref_slice %arg4[%select_n3A, %dma_wait3A_72] : memref<2560x128xi32, #tpu.memory_space<hbm>> -> memref<134x128xi32, #tpu.memory_space<hbm>>
      tpu.wait_dma2 semaphore(%run_scoped3A : memref<!tpu.dma_semaphore, #tpu.memory_space<semaphore_mem>>) src(%dma_wait3A_73 : memref<134x128xi32, #tpu.memory_space<hbm>>) dst(%arg7 : memref<134x128xi32, #tpu.memory_space<vmem>>)
      tpu.yield
    }) : () -> ()
    %barrier3A = arith.constant 0 : index
    tpu.barrier barrier_id(%barrier3A)
    %dma_start3A = arith.constant 0 : i32
    %dma_start3A_25 = arith.constant 0 : i32
    %dma_start3A_26 = arith.constant 0 : i32
    %dma_start3A_27 = arith.constant 0 : i32
    %dma_start3A_28 = tpu.memref_slice %arg8[%dma_start3A_25, %dma_start3A_26, %dma_start3A_27] : memref<2x128x32xf32, #tpu.memory_space<vmem>> -> memref<1x128x32xf32, #tpu.memory_space<vmem>>
    %dma_start3A_29 = tpu.memref_squeeze %dma_start3A_28 : memref<1x128x32xf32, #tpu.memory_space<vmem>> -> memref<128x32xf32, #tpu.memory_space<vmem>>
    %dma_start3A_30 = arith.constant 0 : i32
    %dma_start3A_31 = tpu.memref_slice %arg6[%dma_start3A, %dma_start3A_30] : memref<134x128xi32, #tpu.memory_space<vmem>> -> memref<1x128xi32, #tpu.memory_space<vmem>>
    %dma_start3A_32 = tpu.memref_squeeze %dma_start3A_31 : memref<1x128xi32, #tpu.memory_space<vmem>> -> memref<128xi32, #tpu.memory_space<vmem>>
    %dma_start3A_33 = arith.constant 0 : i32
    %dma_start3A_34 = arith.constant 0 : i32
    %dma_start3A_35 = tpu.memref_slice %arg2[%dma_start3A_33, %dma_start3A_34] : memref<20000x32xf32, #tpu.memory_space<hbm>> -> memref<20000x32xf32, #tpu.memory_space<hbm>>
    tpu.enqueue_indirect_dma source(%dma_start3A_35 : memref<20000x32xf32, #tpu.memory_space<hbm>>) target(%dma_start3A_29 : memref<128x32xf32, #tpu.memory_space<vmem>>) offsets(%dma_start3A_32 : memref<128xi32, #tpu.memory_space<vmem>>) semaphore(%arg11 : memref<!tpu.dma_semaphore, #tpu.memory_space<semaphore_mem>>)
    %dma_start3A_36 = arith.constant 1 : i32
    %dma_start3A_37 = arith.constant 1 : i32
    %dma_start3A_38 = arith.constant 0 : i32
    %dma_start3A_39 = arith.constant 0 : i32
    %dma_start3A_40 = tpu.memref_slice %arg8[%dma_start3A_37, %dma_start3A_38, %dma_start3A_39] : memref<2x128x32xf32, #tpu.memory_space<vmem>> -> memref<1x128x32xf32, #tpu.memory_space<vmem>>
    %dma_start3A_41 = tpu.memref_squeeze %dma_start3A_40 : memref<1x128x32xf32, #tpu.memory_space<vmem>> -> memref<128x32xf32, #tpu.memory_space<vmem>>
    %dma_start3A_42 = arith.constant 0 : i32
    %dma_start3A_43 = tpu.memref_slice %arg6[%dma_start3A_36, %dma_start3A_42] : memref<134x128xi32, #tpu.memory_space<vmem>> -> memref<1x128xi32, #tpu.memory_space<vmem>>
    %dma_start3A_44 = tpu.memref_squeeze %dma_start3A_43 : memref<1x128xi32, #tpu.memory_space<vmem>> -> memref<128xi32, #tpu.memory_space<vmem>>
    %dma_start3A_45 = arith.constant 0 : i32
    %dma_start3A_46 = arith.constant 0 : i32
    %dma_start3A_47 = tpu.memref_slice %arg2[%dma_start3A_45, %dma_start3A_46] : memref<20000x32xf32, #tpu.memory_space<hbm>> -> memref<20000x32xf32, #tpu.memory_space<hbm>>
    tpu.enqueue_indirect_dma source(%dma_start3A_47 : memref<20000x32xf32, #tpu.memory_space<hbm>>) target(%dma_start3A_41 : memref<128x32xf32, #tpu.memory_space<vmem>>) offsets(%dma_start3A_44 : memref<128xi32, #tpu.memory_space<vmem>>) semaphore(%arg12 : memref<!tpu.dma_semaphore, #tpu.memory_space<semaphore_mem>>)
    %while3A = arith.constant 0 : i32
    %while3A_48 = arith.constant 0 : i32
    %while3A_49 = arith.subi %select_n3A_24, %while3A : i32
    %while3A_50 = arith.addi %while3A, %while3A_49 : i32
    %while3A_51 = arith.constant 1 : i32
    %while3A_52 = arith.divsi %while3A_49, %while3A_51 : i32
    %while3A_53 = arith.muli %while3A_52, %while3A_51 : i32
    %while3A_54 = arith.addi %while3A, %while3A_53 : i32
    %while3A_55 = arith.constant 1 : i32
    %while3A_56 = scf.for %while3A_67 = %while3A to %while3A_54 step %while3A_55 iter_args(%while3A_68 = %while3A_48) -> (i32)  : i32 {
      %mul3A_69 = arith.constant 2 : i32
      %mul3A_70 = arith.muli %mul3A_69, %while3A_67 : i32
      %add3A_71 = arith.constant 1 : i32
      %add3A_72 = arith.addi %mul3A_70, %add3A_71 : i32
      %dma_wait3A = arith.constant 0 : i32
      %dma_wait3A_73 = arith.constant 0 : i32
      %dma_wait3A_74 = arith.constant 0 : i32
      %dma_wait3A_75 = tpu.memref_slice %arg8[%dma_wait3A, %dma_wait3A_73, %dma_wait3A_74] : memref<2x128x32xf32, #tpu.memory_space<vmem>> -> memref<1x128x32xf32, #tpu.memory_space<vmem>>
      %dma_wait3A_76 = tpu.memref_squeeze %dma_wait3A_75 : memref<1x128x32xf32, #tpu.memory_space<vmem>> -> memref<128x32xf32, #tpu.memory_space<vmem>>
      %dma_wait3A_77 = arith.constant 0 : i32
      %dma_wait3A_78 = tpu.memref_slice %arg6[%mul3A_70, %dma_wait3A_77] : memref<134x128xi32, #tpu.memory_space<vmem>> -> memref<1x128xi32, #tpu.memory_space<vmem>>
      %dma_wait3A_79 = tpu.memref_squeeze %dma_wait3A_78 : memref<1x128xi32, #tpu.memory_space<vmem>> -> memref<128xi32, #tpu.memory_space<vmem>>
      %dma_wait3A_80 = arith.constant 0 : i32
      %dma_wait3A_81 = arith.constant 0 : i32
      %dma_wait3A_82 = tpu.memref_slice %arg2[%dma_wait3A_80, %dma_wait3A_81] : memref<20000x32xf32, #tpu.memory_space<hbm>> -> memref<20000x32xf32, #tpu.memory_space<hbm>>
      tpu.wait_indirect_dma semaphore(%arg11 : memref<!tpu.dma_semaphore, #tpu.memory_space<semaphore_mem>>) src(%dma_wait3A_82 : memref<20000x32xf32, #tpu.memory_space<hbm>>) dst(%dma_wait3A_76 : memref<128x32xf32, #tpu.memory_space<vmem>>)
      %run_scoped3A = arith.constant 0 : i32
      "tpu.region"() ({
        %run_scoped3A_104 = tpu.sem_alloc : memref<!tpu.dma_semaphore, #tpu.memory_space<semaphore_mem>>
        %dma_start3A_105 = arith.constant 0 : i32
        %dma_start3A_106 = arith.constant 0 : i32
        %dma_start3A_107 = tpu.memref_slice %arg8[%run_scoped3A, %dma_start3A_105, %dma_start3A_106] : memref<2x128x32xf32, #tpu.memory_space<vmem>> -> memref<1x128x32xf32, #tpu.memory_space<vmem>>
        %dma_start3A_108 = tpu.memref_squeeze %dma_start3A_107 : memref<1x128x32xf32, #tpu.memory_space<vmem>> -> memref<128x32xf32, #tpu.memory_space<vmem>>
        %dma_start3A_109 = arith.constant 0 : i32
        %dma_start3A_110 = tpu.memref_slice %arg7[%mul3A_70, %dma_start3A_109] : memref<134x128xi32, #tpu.memory_space<vmem>> -> memref<1x128xi32, #tpu.memory_space<vmem>>
        %dma_start3A_111 = tpu.memref_squeeze %dma_start3A_110 : memref<1x128xi32, #tpu.memory_space<vmem>> -> memref<128xi32, #tpu.memory_space<vmem>>
        %dma_start3A_112 = arith.constant 0 : i32
        %dma_start3A_113 = arith.constant 0 : i32
        %dma_start3A_114 = tpu.memref_slice %arg10[%dma_start3A_112, %dma_start3A_113] : memref<20480x32xf32, #tpu.memory_space<vmem_shared>> -> memref<20480x32xf32, #tpu.memory_space<vmem_shared>>
        tpu.enqueue_indirect_dma source(%dma_start3A_108 : memref<128x32xf32, #tpu.memory_space<vmem>>) target(%dma_start3A_114 : memref<20480x32xf32, #tpu.memory_space<vmem_shared>>) offsets(%dma_start3A_111 : memref<128xi32, #tpu.memory_space<vmem>>) semaphore(%run_scoped3A_104 : memref<!tpu.dma_semaphore, #tpu.memory_space<semaphore_mem>>) {add = true}
        %dma_wait3A_115 = arith.constant 0 : i32
        %dma_wait3A_116 = arith.constant 0 : i32
        %dma_wait3A_117 = tpu.memref_slice %arg8[%run_scoped3A, %dma_wait3A_115, %dma_wait3A_116] : memref<2x128x32xf32, #tpu.memory_space<vmem>> -> memref<1x128x32xf32, #tpu.memory_space<vmem>>
        %dma_wait3A_118 = tpu.memref_squeeze %dma_wait3A_117 : memref<1x128x32xf32, #tpu.memory_space<vmem>> -> memref<128x32xf32, #tpu.memory_space<vmem>>
        %dma_wait3A_119 = arith.constant 0 : i32
        %dma_wait3A_120 = tpu.memref_slice %arg7[%mul3A_70, %dma_wait3A_119] : memref<134x128xi32, #tpu.memory_space<vmem>> -> memref<1x128xi32, #tpu.memory_space<vmem>>
        %dma_wait3A_121 = tpu.memref_squeeze %dma_wait3A_120 : memref<1x128xi32, #tpu.memory_space<vmem>> -> memref<128xi32, #tpu.memory_space<vmem>>
        %dma_wait3A_122 = arith.constant 0 : i32
        %dma_wait3A_123 = arith.constant 0 : i32
        %dma_wait3A_124 = tpu.memref_slice %arg10[%dma_wait3A_122, %dma_wait3A_123] : memref<20480x32xf32, #tpu.memory_space<vmem_shared>> -> memref<20480x32xf32, #tpu.memory_space<vmem_shared>>
        tpu.wait_indirect_dma semaphore(%run_scoped3A_104 : memref<!tpu.dma_semaphore, #tpu.memory_space<semaphore_mem>>) src(%dma_wait3A_118 : memref<128x32xf32, #tpu.memory_space<vmem>>) dst(%dma_wait3A_124 : memref<20480x32xf32, #tpu.memory_space<vmem_shared>>)
        tpu.yield
      }) : () -> ()
      %sub3A = arith.constant 1 : i32
      %sub3A_83 = arith.subi %select_n3A_24, %sub3A : i32
      %lt3A = arith.cmpi slt, %while3A_67, %sub3A_83 : i32
      %convert_element_type3A = arith.extui %lt3A : i1 to i32
      %cond3A = arith.constant 0 : i32
      %cond3A_84 = arith.cmpi ne, %convert_element_type3A, %cond3A : i32
      scf.if %cond3A_84 {
        %add3A_104 = arith.constant 2 : i32
        %add3A_105 = arith.addi %mul3A_70, %add3A_104 : i32
        %dma_start3A_106 = arith.constant 0 : i32
        %dma_start3A_107 = arith.constant 0 : i32
        %dma_start3A_108 = arith.constant 0 : i32
        %dma_start3A_109 = tpu.memref_slice %arg8[%dma_start3A_106, %dma_start3A_107, %dma_start3A_108] : memref<2x128x32xf32, #tpu.memory_space<vmem>> -> memref<1x128x32xf32, #tpu.memory_space<vmem>>
        %dma_start3A_110 = tpu.memref_squeeze %dma_start3A_109 : memref<1x128x32xf32, #tpu.memory_space<vmem>> -> memref<128x32xf32, #tpu.memory_space<vmem>>
        %dma_start3A_111 = arith.constant 0 : i32
        %dma_start3A_112 = tpu.memref_slice %arg6[%add3A_105, %dma_start3A_111] : memref<134x128xi32, #tpu.memory_space<vmem>> -> memref<1x128xi32, #tpu.memory_space<vmem>>
        %dma_start3A_113 = tpu.memref_squeeze %dma_start3A_112 : memref<1x128xi32, #tpu.memory_space<vmem>> -> memref<128xi32, #tpu.memory_space<vmem>>
        %dma_start3A_114 = arith.constant 0 : i32
        %dma_start3A_115 = arith.constant 0 : i32
        %dma_start3A_116 = tpu.memref_slice %arg2[%dma_start3A_114, %dma_start3A_115] : memref<20000x32xf32, #tpu.memory_space<hbm>> -> memref<20000x32xf32, #tpu.memory_space<hbm>>
        tpu.enqueue_indirect_dma source(%dma_start3A_116 : memref<20000x32xf32, #tpu.memory_space<hbm>>) target(%dma_start3A_110 : memref<128x32xf32, #tpu.memory_space<vmem>>) offsets(%dma_start3A_113 : memref<128xi32, #tpu.memory_space<vmem>>) semaphore(%arg11 : memref<!tpu.dma_semaphore, #tpu.memory_space<semaphore_mem>>)
      } else {
      }
      %dma_wait3A_85 = arith.constant 1 : i32
      %dma_wait3A_86 = arith.constant 0 : i32
      %dma_wait3A_87 = arith.constant 0 : i32
      %dma_wait3A_88 = tpu.memref_slice %arg8[%dma_wait3A_85, %dma_wait3A_86, %dma_wait3A_87] : memref<2x128x32xf32, #tpu.memory_space<vmem>> -> memref<1x128x32xf32, #tpu.memory_space<vmem>>
      %dma_wait3A_89 = tpu.memref_squeeze %dma_wait3A_88 : memref<1x128x32xf32, #tpu.memory_space<vmem>> -> memref<128x32xf32, #tpu.memory_space<vmem>>
      %dma_wait3A_90 = arith.constant 0 : i32
      %dma_wait3A_91 = tpu.memref_slice %arg6[%add3A_72, %dma_wait3A_90] : memref<134x128xi32, #tpu.memory_space<vmem>> -> memref<1x128xi32, #tpu.memory_space<vmem>>
      %dma_wait3A_92 = tpu.memref_squeeze %dma_wait3A_91 : memref<1x128xi32, #tpu.memory_space<vmem>> -> memref<128xi32, #tpu.memory_space<vmem>>
      %dma_wait3A_93 = arith.constant 0 : i32
      %dma_wait3A_94 = arith.constant 0 : i32
      %dma_wait3A_95 = tpu.memref_slice %arg2[%dma_wait3A_93, %dma_wait3A_94] : memref<20000x32xf32, #tpu.memory_space<hbm>> -> memref<20000x32xf32, #tpu.memory_space<hbm>>
      tpu.wait_indirect_dma semaphore(%arg12 : memref<!tpu.dma_semaphore, #tpu.memory_space<semaphore_mem>>) src(%dma_wait3A_95 : memref<20000x32xf32, #tpu.memory_space<hbm>>) dst(%dma_wait3A_89 : memref<128x32xf32, #tpu.memory_space<vmem>>)
      %run_scoped3A_96 = arith.constant 1 : i32
      "tpu.region"() ({
        %run_scoped3A_104 = tpu.sem_alloc : memref<!tpu.dma_semaphore, #tpu.memory_space<semaphore_mem>>
        %dma_start3A_105 = arith.constant 0 : i32
        %dma_start3A_106 = arith.constant 0 : i32
        %dma_start3A_107 = tpu.memref_slice %arg8[%run_scoped3A_96, %dma_start3A_105, %dma_start3A_106] : memref<2x128x32xf32, #tpu.memory_space<vmem>> -> memref<1x128x32xf32, #tpu.memory_space<vmem>>
        %dma_start3A_108 = tpu.memref_squeeze %dma_start3A_107 : memref<1x128x32xf32, #tpu.memory_space<vmem>> -> memref<128x32xf32, #tpu.memory_space<vmem>>
        %dma_start3A_109 = arith.constant 0 : i32
        %dma_start3A_110 = tpu.memref_slice %arg7[%add3A_72, %dma_start3A_109] : memref<134x128xi32, #tpu.memory_space<vmem>> -> memref<1x128xi32, #tpu.memory_space<vmem>>
        %dma_start3A_111 = tpu.memref_squeeze %dma_start3A_110 : memref<1x128xi32, #tpu.memory_space<vmem>> -> memref<128xi32, #tpu.memory_space<vmem>>
        %dma_start3A_112 = arith.constant 0 : i32
        %dma_start3A_113 = arith.constant 0 : i32
        %dma_start3A_114 = tpu.memref_slice %arg10[%dma_start3A_112, %dma_start3A_113] : memref<20480x32xf32, #tpu.memory_space<vmem_shared>> -> memref<20480x32xf32, #tpu.memory_space<vmem_shared>>
        tpu.enqueue_indirect_dma source(%dma_start3A_108 : memref<128x32xf32, #tpu.memory_space<vmem>>) target(%dma_start3A_114 : memref<20480x32xf32, #tpu.memory_space<vmem_shared>>) offsets(%dma_start3A_111 : memref<128xi32, #tpu.memory_space<vmem>>) semaphore(%run_scoped3A_104 : memref<!tpu.dma_semaphore, #tpu.memory_space<semaphore_mem>>) {add = true}
        %dma_wait3A_115 = arith.constant 0 : i32
        %dma_wait3A_116 = arith.constant 0 : i32
        %dma_wait3A_117 = tpu.memref_slice %arg8[%run_scoped3A_96, %dma_wait3A_115, %dma_wait3A_116] : memref<2x128x32xf32, #tpu.memory_space<vmem>> -> memref<1x128x32xf32, #tpu.memory_space<vmem>>
        %dma_wait3A_118 = tpu.memref_squeeze %dma_wait3A_117 : memref<1x128x32xf32, #tpu.memory_space<vmem>> -> memref<128x32xf32, #tpu.memory_space<vmem>>
        %dma_wait3A_119 = arith.constant 0 : i32
        %dma_wait3A_120 = tpu.memref_slice %arg7[%add3A_72, %dma_wait3A_119] : memref<134x128xi32, #tpu.memory_space<vmem>> -> memref<1x128xi32, #tpu.memory_space<vmem>>
        %dma_wait3A_121 = tpu.memref_squeeze %dma_wait3A_120 : memref<1x128xi32, #tpu.memory_space<vmem>> -> memref<128xi32, #tpu.memory_space<vmem>>
        %dma_wait3A_122 = arith.constant 0 : i32
        %dma_wait3A_123 = arith.constant 0 : i32
        %dma_wait3A_124 = tpu.memref_slice %arg10[%dma_wait3A_122, %dma_wait3A_123] : memref<20480x32xf32, #tpu.memory_space<vmem_shared>> -> memref<20480x32xf32, #tpu.memory_space<vmem_shared>>
        tpu.wait_indirect_dma semaphore(%run_scoped3A_104 : memref<!tpu.dma_semaphore, #tpu.memory_space<semaphore_mem>>) src(%dma_wait3A_118 : memref<128x32xf32, #tpu.memory_space<vmem>>) dst(%dma_wait3A_124 : memref<20480x32xf32, #tpu.memory_space<vmem_shared>>)
        tpu.yield
      }) : () -> ()
      %sub3A_97 = arith.constant 1 : i32
      %sub3A_98 = arith.subi %select_n3A_24, %sub3A_97 : i32
      %lt3A_99 = arith.cmpi slt, %while3A_67, %sub3A_98 : i32
      %convert_element_type3A_100 = arith.extui %lt3A_99 : i1 to i32
      %cond3A_101 = arith.constant 0 : i32
      %cond3A_102 = arith.cmpi ne, %convert_element_type3A_100, %cond3A_101 : i32
      scf.if %cond3A_102 {
        %add3A_104 = arith.constant 2 : i32
        %add3A_105 = arith.addi %add3A_72, %add3A_104 : i32
        %dma_start3A_106 = arith.constant 1 : i32
        %dma_start3A_107 = arith.constant 0 : i32
        %dma_start3A_108 = arith.constant 0 : i32
        %dma_start3A_109 = tpu.memref_slice %arg8[%dma_start3A_106, %dma_start3A_107, %dma_start3A_108] : memref<2x128x32xf32, #tpu.memory_space<vmem>> -> memref<1x128x32xf32, #tpu.memory_space<vmem>>
        %dma_start3A_110 = tpu.memref_squeeze %dma_start3A_109 : memref<1x128x32xf32, #tpu.memory_space<vmem>> -> memref<128x32xf32, #tpu.memory_space<vmem>>
        %dma_start3A_111 = arith.constant 0 : i32
        %dma_start3A_112 = tpu.memref_slice %arg6[%add3A_105, %dma_start3A_111] : memref<134x128xi32, #tpu.memory_space<vmem>> -> memref<1x128xi32, #tpu.memory_space<vmem>>
        %dma_start3A_113 = tpu.memref_squeeze %dma_start3A_112 : memref<1x128xi32, #tpu.memory_space<vmem>> -> memref<128xi32, #tpu.memory_space<vmem>>
        %dma_start3A_114 = arith.constant 0 : i32
        %dma_start3A_115 = arith.constant 0 : i32
        %dma_start3A_116 = tpu.memref_slice %arg2[%dma_start3A_114, %dma_start3A_115] : memref<20000x32xf32, #tpu.memory_space<hbm>> -> memref<20000x32xf32, #tpu.memory_space<hbm>>
        tpu.enqueue_indirect_dma source(%dma_start3A_116 : memref<20000x32xf32, #tpu.memory_space<hbm>>) target(%dma_start3A_110 : memref<128x32xf32, #tpu.memory_space<vmem>>) offsets(%dma_start3A_113 : memref<128xi32, #tpu.memory_space<vmem>>) semaphore(%arg12 : memref<!tpu.dma_semaphore, #tpu.memory_space<semaphore_mem>>)
      } else {
      }
      %while3A_103 = arith.constant 0 : i32
      scf.yield %while3A_103 : i32
    }
    %while3A_57 = arith.constant 1 : i32
    %while3A_58 = scf.for %while3A_67 = %while3A_54 to %while3A_50 step %while3A_57 iter_args(%while3A_68 = %while3A_56) -> (i32)  : i32 {
      %mul3A_69 = arith.constant 2 : i32
      %mul3A_70 = arith.muli %mul3A_69, %while3A_67 : i32
      %add3A_71 = arith.constant 1 : i32
      %add3A_72 = arith.addi %mul3A_70, %add3A_71 : i32
      %dma_wait3A = arith.constant 0 : i32
      %dma_wait3A_73 = arith.constant 0 : i32
      %dma_wait3A_74 = arith.constant 0 : i32
      %dma_wait3A_75 = tpu.memref_slice %arg8[%dma_wait3A, %dma_wait3A_73, %dma_wait3A_74] : memref<2x128x32xf32, #tpu.memory_space<vmem>> -> memref<1x128x32xf32, #tpu.memory_space<vmem>>
      %dma_wait3A_76 = tpu.memref_squeeze %dma_wait3A_75 : memref<1x128x32xf32, #tpu.memory_space<vmem>> -> memref<128x32xf32, #tpu.memory_space<vmem>>
      %dma_wait3A_77 = arith.constant 0 : i32
      %dma_wait3A_78 = tpu.memref_slice %arg6[%mul3A_70, %dma_wait3A_77] : memref<134x128xi32, #tpu.memory_space<vmem>> -> memref<1x128xi32, #tpu.memory_space<vmem>>
      %dma_wait3A_79 = tpu.memref_squeeze %dma_wait3A_78 : memref<1x128xi32, #tpu.memory_space<vmem>> -> memref<128xi32, #tpu.memory_space<vmem>>
      %dma_wait3A_80 = arith.constant 0 : i32
      %dma_wait3A_81 = arith.constant 0 : i32
      %dma_wait3A_82 = tpu.memref_slice %arg2[%dma_wait3A_80, %dma_wait3A_81] : memref<20000x32xf32, #tpu.memory_space<hbm>> -> memref<20000x32xf32, #tpu.memory_space<hbm>>
      tpu.wait_indirect_dma semaphore(%arg11 : memref<!tpu.dma_semaphore, #tpu.memory_space<semaphore_mem>>) src(%dma_wait3A_82 : memref<20000x32xf32, #tpu.memory_space<hbm>>) dst(%dma_wait3A_76 : memref<128x32xf32, #tpu.memory_space<vmem>>)
      %run_scoped3A = arith.constant 0 : i32
      "tpu.region"() ({
        %run_scoped3A_104 = tpu.sem_alloc : memref<!tpu.dma_semaphore, #tpu.memory_space<semaphore_mem>>
        %dma_start3A_105 = arith.constant 0 : i32
        %dma_start3A_106 = arith.constant 0 : i32
        %dma_start3A_107 = tpu.memref_slice %arg8[%run_scoped3A, %dma_start3A_105, %dma_start3A_106] : memref<2x128x32xf32, #tpu.memory_space<vmem>> -> memref<1x128x32xf32, #tpu.memory_space<vmem>>
        %dma_start3A_108 = tpu.memref_squeeze %dma_start3A_107 : memref<1x128x32xf32, #tpu.memory_space<vmem>> -> memref<128x32xf32, #tpu.memory_space<vmem>>
        %dma_start3A_109 = arith.constant 0 : i32
        %dma_start3A_110 = tpu.memref_slice %arg7[%mul3A_70, %dma_start3A_109] : memref<134x128xi32, #tpu.memory_space<vmem>> -> memref<1x128xi32, #tpu.memory_space<vmem>>
        %dma_start3A_111 = tpu.memref_squeeze %dma_start3A_110 : memref<1x128xi32, #tpu.memory_space<vmem>> -> memref<128xi32, #tpu.memory_space<vmem>>
        %dma_start3A_112 = arith.constant 0 : i32
        %dma_start3A_113 = arith.constant 0 : i32
        %dma_start3A_114 = tpu.memref_slice %arg10[%dma_start3A_112, %dma_start3A_113] : memref<20480x32xf32, #tpu.memory_space<vmem_shared>> -> memref<20480x32xf32, #tpu.memory_space<vmem_shared>>
        tpu.enqueue_indirect_dma source(%dma_start3A_108 : memref<128x32xf32, #tpu.memory_space<vmem>>) target(%dma_start3A_114 : memref<20480x32xf32, #tpu.memory_space<vmem_shared>>) offsets(%dma_start3A_111 : memref<128xi32, #tpu.memory_space<vmem>>) semaphore(%run_scoped3A_104 : memref<!tpu.dma_semaphore, #tpu.memory_space<semaphore_mem>>) {add = true}
        %dma_wait3A_115 = arith.constant 0 : i32
        %dma_wait3A_116 = arith.constant 0 : i32
        %dma_wait3A_117 = tpu.memref_slice %arg8[%run_scoped3A, %dma_wait3A_115, %dma_wait3A_116] : memref<2x128x32xf32, #tpu.memory_space<vmem>> -> memref<1x128x32xf32, #tpu.memory_space<vmem>>
        %dma_wait3A_118 = tpu.memref_squeeze %dma_wait3A_117 : memref<1x128x32xf32, #tpu.memory_space<vmem>> -> memref<128x32xf32, #tpu.memory_space<vmem>>
        %dma_wait3A_119 = arith.constant 0 : i32
        %dma_wait3A_120 = tpu.memref_slice %arg7[%mul3A_70, %dma_wait3A_119] : memref<134x128xi32, #tpu.memory_space<vmem>> -> memref<1x128xi32, #tpu.memory_space<vmem>>
        %dma_wait3A_121 = tpu.memref_squeeze %dma_wait3A_120 : memref<1x128xi32, #tpu.memory_space<vmem>> -> memref<128xi32, #tpu.memory_space<vmem>>
        %dma_wait3A_122 = arith.constant 0 : i32
        %dma_wait3A_123 = arith.constant 0 : i32
        %dma_wait3A_124 = tpu.memref_slice %arg10[%dma_wait3A_122, %dma_wait3A_123] : memref<20480x32xf32, #tpu.memory_space<vmem_shared>> -> memref<20480x32xf32, #tpu.memory_space<vmem_shared>>
        tpu.wait_indirect_dma semaphore(%run_scoped3A_104 : memref<!tpu.dma_semaphore, #tpu.memory_space<semaphore_mem>>) src(%dma_wait3A_118 : memref<128x32xf32, #tpu.memory_space<vmem>>) dst(%dma_wait3A_124 : memref<20480x32xf32, #tpu.memory_space<vmem_shared>>)
        tpu.yield
      }) : () -> ()
      %sub3A = arith.constant 1 : i32
      %sub3A_83 = arith.subi %select_n3A_24, %sub3A : i32
      %lt3A = arith.cmpi slt, %while3A_67, %sub3A_83 : i32
      %convert_element_type3A = arith.extui %lt3A : i1 to i32
      %cond3A = arith.constant 0 : i32
      %cond3A_84 = arith.cmpi ne, %convert_element_type3A, %cond3A : i32
      scf.if %cond3A_84 {
        %add3A_104 = arith.constant 2 : i32
        %add3A_105 = arith.addi %mul3A_70, %add3A_104 : i32
        %dma_start3A_106 = arith.constant 0 : i32
        %dma_start3A_107 = arith.constant 0 : i32
        %dma_start3A_108 = arith.constant 0 : i32
        %dma_start3A_109 = tpu.memref_slice %arg8[%dma_start3A_106, %dma_start3A_107, %dma_start3A_108] : memref<2x128x32xf32, #tpu.memory_space<vmem>> -> memref<1x128x32xf32, #tpu.memory_space<vmem>>
        %dma_start3A_110 = tpu.memref_squeeze %dma_start3A_109 : memref<1x128x32xf32, #tpu.memory_space<vmem>> -> memref<128x32xf32, #tpu.memory_space<vmem>>
        %dma_start3A_111 = arith.constant 0 : i32
        %dma_start3A_112 = tpu.memref_slice %arg6[%add3A_105, %dma_start3A_111] : memref<134x128xi32, #tpu.memory_space<vmem>> -> memref<1x128xi32, #tpu.memory_space<vmem>>
        %dma_start3A_113 = tpu.memref_squeeze %dma_start3A_112 : memref<1x128xi32, #tpu.memory_space<vmem>> -> memref<128xi32, #tpu.memory_space<vmem>>
        %dma_start3A_114 = arith.constant 0 : i32
        %dma_start3A_115 = arith.constant 0 : i32
        %dma_start3A_116 = tpu.memref_slice %arg2[%dma_start3A_114, %dma_start3A_115] : memref<20000x32xf32, #tpu.memory_space<hbm>> -> memref<20000x32xf32, #tpu.memory_space<hbm>>
        tpu.enqueue_indirect_dma source(%dma_start3A_116 : memref<20000x32xf32, #tpu.memory_space<hbm>>) target(%dma_start3A_110 : memref<128x32xf32, #tpu.memory_space<vmem>>) offsets(%dma_start3A_113 : memref<128xi32, #tpu.memory_space<vmem>>) semaphore(%arg11 : memref<!tpu.dma_semaphore, #tpu.memory_space<semaphore_mem>>)
      } else {
      }
      %dma_wait3A_85 = arith.constant 1 : i32
      %dma_wait3A_86 = arith.constant 0 : i32
      %dma_wait3A_87 = arith.constant 0 : i32
      %dma_wait3A_88 = tpu.memref_slice %arg8[%dma_wait3A_85, %dma_wait3A_86, %dma_wait3A_87] : memref<2x128x32xf32, #tpu.memory_space<vmem>> -> memref<1x128x32xf32, #tpu.memory_space<vmem>>
      %dma_wait3A_89 = tpu.memref_squeeze %dma_wait3A_88 : memref<1x128x32xf32, #tpu.memory_space<vmem>> -> memref<128x32xf32, #tpu.memory_space<vmem>>
      %dma_wait3A_90 = arith.constant 0 : i32
      %dma_wait3A_91 = tpu.memref_slice %arg6[%add3A_72, %dma_wait3A_90] : memref<134x128xi32, #tpu.memory_space<vmem>> -> memref<1x128xi32, #tpu.memory_space<vmem>>
      %dma_wait3A_92 = tpu.memref_squeeze %dma_wait3A_91 : memref<1x128xi32, #tpu.memory_space<vmem>> -> memref<128xi32, #tpu.memory_space<vmem>>
      %dma_wait3A_93 = arith.constant 0 : i32
      %dma_wait3A_94 = arith.constant 0 : i32
      %dma_wait3A_95 = tpu.memref_slice %arg2[%dma_wait3A_93, %dma_wait3A_94] : memref<20000x32xf32, #tpu.memory_space<hbm>> -> memref<20000x32xf32, #tpu.memory_space<hbm>>
      tpu.wait_indirect_dma semaphore(%arg12 : memref<!tpu.dma_semaphore, #tpu.memory_space<semaphore_mem>>) src(%dma_wait3A_95 : memref<20000x32xf32, #tpu.memory_space<hbm>>) dst(%dma_wait3A_89 : memref<128x32xf32, #tpu.memory_space<vmem>>)
      %run_scoped3A_96 = arith.constant 1 : i32
      "tpu.region"() ({
        %run_scoped3A_104 = tpu.sem_alloc : memref<!tpu.dma_semaphore, #tpu.memory_space<semaphore_mem>>
        %dma_start3A_105 = arith.constant 0 : i32
        %dma_start3A_106 = arith.constant 0 : i32
        %dma_start3A_107 = tpu.memref_slice %arg8[%run_scoped3A_96, %dma_start3A_105, %dma_start3A_106] : memref<2x128x32xf32, #tpu.memory_space<vmem>> -> memref<1x128x32xf32, #tpu.memory_space<vmem>>
        %dma_start3A_108 = tpu.memref_squeeze %dma_start3A_107 : memref<1x128x32xf32, #tpu.memory_space<vmem>> -> memref<128x32xf32, #tpu.memory_space<vmem>>
        %dma_start3A_109 = arith.constant 0 : i32
        %dma_start3A_110 = tpu.memref_slice %arg7[%add3A_72, %dma_start3A_109] : memref<134x128xi32, #tpu.memory_space<vmem>> -> memref<1x128xi32, #tpu.memory_space<vmem>>
        %dma_start3A_111 = tpu.memref_squeeze %dma_start3A_110 : memref<1x128xi32, #tpu.memory_space<vmem>> -> memref<128xi32, #tpu.memory_space<vmem>>
        %dma_start3A_112 = arith.constant 0 : i32
        %dma_start3A_113 = arith.constant 0 : i32
        %dma_start3A_114 = tpu.memref_slice %arg10[%dma_start3A_112, %dma_start3A_113] : memref<20480x32xf32, #tpu.memory_space<vmem_shared>> -> memref<20480x32xf32, #tpu.memory_space<vmem_shared>>
        tpu.enqueue_indirect_dma source(%dma_start3A_108 : memref<128x32xf32, #tpu.memory_space<vmem>>) target(%dma_start3A_114 : memref<20480x32xf32, #tpu.memory_space<vmem_shared>>) offsets(%dma_start3A_111 : memref<128xi32, #tpu.memory_space<vmem>>) semaphore(%run_scoped3A_104 : memref<!tpu.dma_semaphore, #tpu.memory_space<semaphore_mem>>) {add = true}
        %dma_wait3A_115 = arith.constant 0 : i32
        %dma_wait3A_116 = arith.constant 0 : i32
        %dma_wait3A_117 = tpu.memref_slice %arg8[%run_scoped3A_96, %dma_wait3A_115, %dma_wait3A_116] : memref<2x128x32xf32, #tpu.memory_space<vmem>> -> memref<1x128x32xf32, #tpu.memory_space<vmem>>
        %dma_wait3A_118 = tpu.memref_squeeze %dma_wait3A_117 : memref<1x128x32xf32, #tpu.memory_space<vmem>> -> memref<128x32xf32, #tpu.memory_space<vmem>>
        %dma_wait3A_119 = arith.constant 0 : i32
        %dma_wait3A_120 = tpu.memref_slice %arg7[%add3A_72, %dma_wait3A_119] : memref<134x128xi32, #tpu.memory_space<vmem>> -> memref<1x128xi32, #tpu.memory_space<vmem>>
        %dma_wait3A_121 = tpu.memref_squeeze %dma_wait3A_120 : memref<1x128xi32, #tpu.memory_space<vmem>> -> memref<128xi32, #tpu.memory_space<vmem>>
        %dma_wait3A_122 = arith.constant 0 : i32
        %dma_wait3A_123 = arith.constant 0 : i32
        %dma_wait3A_124 = tpu.memref_slice %arg10[%dma_wait3A_122, %dma_wait3A_123] : memref<20480x32xf32, #tpu.memory_space<vmem_shared>> -> memref<20480x32xf32, #tpu.memory_space<vmem_shared>>
        tpu.wait_indirect_dma semaphore(%run_scoped3A_104 : memref<!tpu.dma_semaphore, #tpu.memory_space<semaphore_mem>>) src(%dma_wait3A_118 : memref<128x32xf32, #tpu.memory_space<vmem>>) dst(%dma_wait3A_124 : memref<20480x32xf32, #tpu.memory_space<vmem_shared>>)
        tpu.yield
      }) : () -> ()
      %sub3A_97 = arith.constant 1 : i32
      %sub3A_98 = arith.subi %select_n3A_24, %sub3A_97 : i32
      %lt3A_99 = arith.cmpi slt, %while3A_67, %sub3A_98 : i32
      %convert_element_type3A_100 = arith.extui %lt3A_99 : i1 to i32
      %cond3A_101 = arith.constant 0 : i32
      %cond3A_102 = arith.cmpi ne, %convert_element_type3A_100, %cond3A_101 : i32
      scf.if %cond3A_102 {
        %add3A_104 = arith.constant 2 : i32
        %add3A_105 = arith.addi %add3A_72, %add3A_104 : i32
        %dma_start3A_106 = arith.constant 1 : i32
        %dma_start3A_107 = arith.constant 0 : i32
        %dma_start3A_108 = arith.constant 0 : i32
        %dma_start3A_109 = tpu.memref_slice %arg8[%dma_start3A_106, %dma_start3A_107, %dma_start3A_108] : memref<2x128x32xf32, #tpu.memory_space<vmem>> -> memref<1x128x32xf32, #tpu.memory_space<vmem>>
        %dma_start3A_110 = tpu.memref_squeeze %dma_start3A_109 : memref<1x128x32xf32, #tpu.memory_space<vmem>> -> memref<128x32xf32, #tpu.memory_space<vmem>>
        %dma_start3A_111 = arith.constant 0 : i32
        %dma_start3A_112 = tpu.memref_slice %arg6[%add3A_105, %dma_start3A_111] : memref<134x128xi32, #tpu.memory_space<vmem>> -> memref<1x128xi32, #tpu.memory_space<vmem>>
        %dma_start3A_113 = tpu.memref_squeeze %dma_start3A_112 : memref<1x128xi32, #tpu.memory_space<vmem>> -> memref<128xi32, #tpu.memory_space<vmem>>
        %dma_start3A_114 = arith.constant 0 : i32
        %dma_start3A_115 = arith.constant 0 : i32
        %dma_start3A_116 = tpu.memref_slice %arg2[%dma_start3A_114, %dma_start3A_115] : memref<20000x32xf32, #tpu.memory_space<hbm>> -> memref<20000x32xf32, #tpu.memory_space<hbm>>
        tpu.enqueue_indirect_dma source(%dma_start3A_116 : memref<20000x32xf32, #tpu.memory_space<hbm>>) target(%dma_start3A_110 : memref<128x32xf32, #tpu.memory_space<vmem>>) offsets(%dma_start3A_113 : memref<128xi32, #tpu.memory_space<vmem>>) semaphore(%arg12 : memref<!tpu.dma_semaphore, #tpu.memory_space<semaphore_mem>>)
      } else {
      }
      %while3A_103 = arith.constant 0 : i32
      scf.yield %while3A_103 : i32
    }
    %barrier3A_59 = arith.constant 0 : index
    tpu.barrier barrier_id(%barrier3A_59)
    %scan3A_60 = arith.constant 0 : i32
    %scan3A_61 = arith.constant 0 : i32
    %scan3A_62 = arith.constant 2 : i32
    %scan3A_63 = arith.addi %scan3A_61, %scan3A_62 : i32
    %scan3A_64 = arith.constant 1 : i32
    %scan3A_65 = scf.for %scan3A_67 = %scan3A_61 to %scan3A_63 step %scan3A_64 iter_args(%scan3A_68 = %scan3A_60) -> (i32)  : i32 {
      %mul3A_69 = arith.constant 1280 : i32
      %mul3A_70 = arith.muli %arg1, %mul3A_69 : i32
      %mul3A_71 = arith.constant 640 : i32
      %mul3A_72 = arith.muli %scan3A_67, %mul3A_71 : i32
      %add3A_73 = arith.addi %mul3A_70, %mul3A_72 : i32
      "tpu.region"() ({
        %run_scoped3A = tpu.sem_alloc : memref<!tpu.dma_semaphore, #tpu.memory_space<semaphore_mem>>
        %dma_start3A_75 = arith.constant 0 : i32
        %dma_start3A_76 = tpu.memref_slice %arg10[%add3A_73, %dma_start3A_75] : memref<20480x32xf32, #tpu.memory_space<vmem_shared>> -> memref<640x32xf32, #tpu.memory_space<vmem_shared>>
        %dma_start3A_77 = arith.constant 0 : i32
        %dma_start3A_78 = tpu.memref_slice %arg10[%add3A_73, %dma_start3A_77] : memref<20480x32xf32, #tpu.memory_space<vmem_shared>> -> memref<640x32xf32, #tpu.memory_space<vmem_shared>>
        tpu.enqueue_dma source(%dma_start3A_78 : memref<640x32xf32, #tpu.memory_space<vmem_shared>>) target(%arg9 : memref<640x32xf32, #tpu.memory_space<vmem>>) target_semaphore(%run_scoped3A : memref<!tpu.dma_semaphore, #tpu.memory_space<semaphore_mem>>)
        %dma_wait3A = arith.constant 0 : i32
        %dma_wait3A_79 = tpu.memref_slice %arg10[%add3A_73, %dma_wait3A] : memref<20480x32xf32, #tpu.memory_space<vmem_shared>> -> memref<640x32xf32, #tpu.memory_space<vmem_shared>>
        %dma_wait3A_80 = arith.constant 0 : i32
        %dma_wait3A_81 = tpu.memref_slice %arg10[%add3A_73, %dma_wait3A_80] : memref<20480x32xf32, #tpu.memory_space<vmem_shared>> -> memref<640x32xf32, #tpu.memory_space<vmem_shared>>
        tpu.wait_dma2 semaphore(%run_scoped3A : memref<!tpu.dma_semaphore, #tpu.memory_space<semaphore_mem>>) src(%dma_wait3A_81 : memref<640x32xf32, #tpu.memory_space<vmem_shared>>) dst(%arg9 : memref<640x32xf32, #tpu.memory_space<vmem>>)
        tpu.yield
      }) : () -> ()
      "tpu.region"() ({
        %run_scoped3A = tpu.sem_alloc : memref<!tpu.dma_semaphore, #tpu.memory_space<semaphore_mem>>
        %dma_start3A_75 = arith.constant 0 : i32
        %dma_start3A_76 = tpu.memref_slice %arg5[%arg0, %add3A_73, %dma_start3A_75] : memref<2x20480x32xf32, #tpu.memory_space<hbm>> -> memref<1x640x32xf32, #tpu.memory_space<hbm>>
        %dma_start3A_77 = tpu.memref_squeeze %dma_start3A_76 : memref<1x640x32xf32, #tpu.memory_space<hbm>> -> memref<640x32xf32, #tpu.memory_space<hbm>>
        %dma_start3A_78 = arith.constant 0 : i32
        %dma_start3A_79 = tpu.memref_slice %arg5[%arg0, %add3A_73, %dma_start3A_78] : memref<2x20480x32xf32, #tpu.memory_space<hbm>> -> memref<1x640x32xf32, #tpu.memory_space<hbm>>
        %dma_start3A_80 = tpu.memref_squeeze %dma_start3A_79 : memref<1x640x32xf32, #tpu.memory_space<hbm>> -> memref<640x32xf32, #tpu.memory_space<hbm>>
        tpu.enqueue_dma source(%arg9 : memref<640x32xf32, #tpu.memory_space<vmem>>) target(%dma_start3A_80 : memref<640x32xf32, #tpu.memory_space<hbm>>) target_semaphore(%run_scoped3A : memref<!tpu.dma_semaphore, #tpu.memory_space<semaphore_mem>>)
        %dma_wait3A = arith.constant 0 : i32
        %dma_wait3A_81 = tpu.memref_slice %arg5[%arg0, %add3A_73, %dma_wait3A] : memref<2x20480x32xf32, #tpu.memory_space<hbm>> -> memref<1x640x32xf32, #tpu.memory_space<hbm>>
        %dma_wait3A_82 = tpu.memref_squeeze %dma_wait3A_81 : memref<1x640x32xf32, #tpu.memory_space<hbm>> -> memref<640x32xf32, #tpu.memory_space<hbm>>
        %dma_wait3A_83 = arith.constant 0 : i32
        %dma_wait3A_84 = tpu.memref_slice %arg5[%arg0, %add3A_73, %dma_wait3A_83] : memref<2x20480x32xf32, #tpu.memory_space<hbm>> -> memref<1x640x32xf32, #tpu.memory_space<hbm>>
        %dma_wait3A_85 = tpu.memref_squeeze %dma_wait3A_84 : memref<1x640x32xf32, #tpu.memory_space<hbm>> -> memref<640x32xf32, #tpu.memory_space<hbm>>
        tpu.wait_dma2 semaphore(%run_scoped3A : memref<!tpu.dma_semaphore, #tpu.memory_space<semaphore_mem>>) src(%arg9 : memref<640x32xf32, #tpu.memory_space<vmem>>) dst(%dma_wait3A_85 : memref<640x32xf32, #tpu.memory_space<hbm>>)
        tpu.yield
      }) : () -> ()
      %scan3A_74 = arith.constant 0 : i32
      scf.yield %scan3A_74 : i32
    }
    %scan3A_66 = arith.constant 2 : i32
    return
  }
}

module attributes {stable_mosaic.version = 14 : i64} {
  func.func @_dinv_body(%arg0: i32, %arg1: memref<2x2000x1xf32, #tpu.memory_space<vmem>>, %arg2: memref<2000x1xf32, #tpu.memory_space<vmem>>) attributes {dimension_semantics = [#tpu.dimension_semantics<arbitrary>], iteration_bounds = array<i64: 10>, scalar_prefetch = 0 : i64, scratch_operands = 0 : i64, tpu.core_type = #tpu.core_type<tc>, window_params = [{transform_indices = @transform_0, window_bounds = array<i64: 2, 2000, 1>}, {transform_indices = @transform_1, window_bounds = array<i64: 2000, 1>}]} {
    %get3A = arith.constant 0 : index
    %get3A_0 = arith.constant 0 : index
    %get3A_1 = arith.constant 0 : index
    %get3A_2 = vector.load %arg1[%get3A, %get3A_0, %get3A_1] : memref<2x2000x1xf32, #tpu.memory_space<vmem>>, vector<1x2000x1xf32>
    %get3A_3 = vector.shape_cast %get3A_2 : vector<1x2000x1xf32> to vector<2000x1xf32>
    %get3A_4 = arith.constant 1 : index
    %get3A_5 = arith.constant 0 : index
    %get3A_6 = arith.constant 0 : index
    %get3A_7 = vector.load %arg1[%get3A_4, %get3A_5, %get3A_6] : memref<2x2000x1xf32, #tpu.memory_space<vmem>>, vector<1x2000x1xf32>
    %get3A_8 = vector.shape_cast %get3A_7 : vector<1x2000x1xf32> to vector<2000x1xf32>
    %add3A = arith.addf %get3A_3, %get3A_8 : vector<2000x1xf32>
    %add3A_9 = arith.constant 1.000000e+00 : f32
    %add3A_10 = vector.broadcast %add3A_9 : f32 to vector<2000x1xf32>
    %add3A_11 = arith.addf %add3A, %add3A_10 : vector<2000x1xf32>
    %rsqrt3A = math.rsqrt %add3A_11 : vector<2000x1xf32>
    %swap3A = arith.constant 0 : index
    %swap3A_12 = arith.constant 0 : index
    %swap3A_13 = vector.load %arg2[%swap3A, %swap3A_12] : memref<2000x1xf32, #tpu.memory_space<vmem>>, vector<2000x1xf32>
    tpu.vector_store %arg2[%swap3A, %swap3A_12], %rsqrt3A {strides = array<i32>} : memref<2000x1xf32, #tpu.memory_space<vmem>>, vector<2000x1xf32>,
    return
  }
  func.func @transform_0(%arg0: i32) -> (i32, i32, i32) {
    %c0_i32 = arith.constant 0 : i32
    %c0_i32_0 = arith.constant 0 : i32
    %c0_i32_1 = arith.constant 0 : i32
    return %c0_i32, %arg0, %c0_i32_0 : i32, i32, i32
  }
  func.func @transform_1(%arg0: i32) -> (i32, i32) {
    %c0_i32 = arith.constant 0 : i32
    %c0_i32_0 = arith.constant 0 : i32
    return %arg0, %c0_i32 : i32, i32
  }
}

module attributes {stable_mosaic.version = 14 : i64} {
  func.func @_mm1_body(%arg0: i32, %arg1: memref<1x128x10000xf32, #tpu.memory_space<vmem>>, %arg2: memref<10000x1xf32, #tpu.memory_space<vmem>>, %arg3: memref<128x64xf32, #tpu.memory_space<vmem>>, %arg4: memref<10000x64xf32, #tpu.memory_space<vmem>>) attributes {dimension_semantics = [#tpu.dimension_semantics<arbitrary>], iteration_bounds = array<i64: 2>, scalar_prefetch = 0 : i64, scratch_operands = 0 : i64, tpu.core_type = #tpu.core_type<tc>, window_params = [{transform_indices = @transform_0, window_bounds = array<i64: 1, 128, 10000>}, {transform_indices = @transform_1, window_bounds = array<i64: 10000, 1>}, {pipeline_mode = #tpu.pipeline_mode<synchronous>, transform_indices = @transform_2, window_bounds = array<i64: 128, 64>}, {transform_indices = @transform_3, window_bounds = array<i64: 10000, 64>}]} {
    %get3A = arith.constant 0 : index
    %get3A_0 = arith.constant 0 : index
    %get3A_1 = arith.constant 0 : index
    %get3A_2 = vector.load %arg1[%get3A, %get3A_0, %get3A_1] : memref<1x128x10000xf32, #tpu.memory_space<vmem>>, vector<1x128x10000xf32>
    %get3A_3 = vector.shape_cast %get3A_2 : vector<1x128x10000xf32> to vector<128x10000xf32>
    %get3A_4 = arith.constant 0 : index
    %get3A_5 = arith.constant 0 : index
    %get3A_6 = vector.load %arg3[%get3A_4, %get3A_5] : memref<128x64xf32, #tpu.memory_space<vmem>>, vector<128x64xf32>
    %dot_general3A = arith.constant dense<0.000000e+00> : vector<10000x64xf32>
    %dot_general3A_7 = tpu.matmul %get3A_3, %get3A_6, %dot_general3A {dimension_numbers = #tpu.dot_dimension_numbers<[0], [0], [1], [1], [0, 1, 1, 1], [], []>, transpose_lhs_hint = false} : vector<128x10000xf32>, vector<128x64xf32>, vector<10000x64xf32> -> vector<10000x64xf32>
    %get3A_8 = arith.constant 0 : index
    %get3A_9 = arith.constant 0 : index
    %get3A_10 = vector.load %arg2[%get3A_8, %get3A_9] : memref<10000x1xf32, #tpu.memory_space<vmem>>, vector<10000x1xf32>
    %mul3A = vector.broadcast %get3A_10 : vector<10000x1xf32> to vector<10000x64xf32>
    %mul3A_11 = arith.mulf %dot_general3A_7, %mul3A : vector<10000x64xf32>
    %swap3A = arith.constant 0 : index
    %swap3A_12 = arith.constant 0 : index
    %swap3A_13 = vector.load %arg4[%swap3A, %swap3A_12] : memref<10000x64xf32, #tpu.memory_space<vmem>>, vector<10000x64xf32>
    tpu.vector_store %arg4[%swap3A, %swap3A_12], %mul3A_11 {strides = array<i32>} : memref<10000x64xf32, #tpu.memory_space<vmem>>, vector<10000x64xf32>,
    return
  }
  func.func @transform_0(%arg0: i32) -> (i32, i32, i32) {
    %c0_i32 = arith.constant 0 : i32
    %c0_i32_0 = arith.constant 0 : i32
    %c0_i32_1 = arith.constant 0 : i32
    return %arg0, %c0_i32, %c0_i32_0 : i32, i32, i32
  }
  func.func @transform_1(%arg0: i32) -> (i32, i32) {
    %c0_i32 = arith.constant 0 : i32
    %c0_i32_0 = arith.constant 0 : i32
    return %arg0, %c0_i32 : i32, i32
  }
  func.func @transform_2(%arg0: i32) -> (i32, i32) {
    %c0_i32 = arith.constant 0 : i32
    %c0_i32_0 = arith.constant 0 : i32
    %c0_i32_1 = arith.constant 0 : i32
    return %c0_i32, %c0_i32_0 : i32, i32
  }
  func.func @transform_3(%arg0: i32) -> (i32, i32) {
    %c0_i32 = arith.constant 0 : i32
    %c0_i32_0 = arith.constant 0 : i32
    return %arg0, %c0_i32 : i32, i32
  }
}

module attributes {stable_mosaic.version = 14 : i64} {
  func.func @_mm2_body(%arg0: i32, %arg1: memref<2x2000x32xf32, #tpu.memory_space<vmem>>, %arg2: memref<2x2000x32xf32, #tpu.memory_space<vmem>>, %arg3: memref<2000x64xf32, #tpu.memory_space<vmem>>, %arg4: memref<2000x1xf32, #tpu.memory_space<vmem>>, %arg5: memref<1x64xf32, #tpu.memory_space<vmem>>, %arg6: memref<64x32xf32, #tpu.memory_space<vmem>>, %arg7: memref<2000x32xf32, #tpu.memory_space<vmem>>) attributes {dimension_semantics = [#tpu.dimension_semantics<arbitrary>], iteration_bounds = array<i64: 10>, scalar_prefetch = 0 : i64, scratch_operands = 0 : i64, tpu.core_type = #tpu.core_type<tc>, window_params = [{transform_indices = @transform_0, window_bounds = array<i64: 2, 2000, 32>}, {transform_indices = @transform_1, window_bounds = array<i64: 2, 2000, 32>}, {transform_indices = @transform_2, window_bounds = array<i64: 2000, 64>}, {transform_indices = @transform_3, window_bounds = array<i64: 2000, 1>}, {pipeline_mode = #tpu.pipeline_mode<synchronous>, transform_indices = @transform_4, window_bounds = array<i64: 1, 64>}, {pipeline_mode = #tpu.pipeline_mode<synchronous>, transform_indices = @transform_5, window_bounds = array<i64: 64, 32>}, {transform_indices = @transform_6, window_bounds = array<i64: 2000, 32>}]} {
    %get3A = arith.constant 0 : index
    %get3A_0 = arith.constant 0 : index
    %get3A_1 = vector.load %arg4[%get3A, %get3A_0] : memref<2000x1xf32, #tpu.memory_space<vmem>>, vector<2000x1xf32>
    %get3A_2 = arith.constant 0 : index
    %get3A_3 = arith.constant 0 : index
    %get3A_4 = arith.constant 0 : index
    %get3A_5 = vector.load %arg1[%get3A_2, %get3A_3, %get3A_4] : memref<2x2000x32xf32, #tpu.memory_space<vmem>>, vector<1x2000x32xf32>
    %get3A_6 = vector.shape_cast %get3A_5 : vector<1x2000x32xf32> to vector<2000x32xf32>
    %get3A_7 = arith.constant 1 : index
    %get3A_8 = arith.constant 0 : index
    %get3A_9 = arith.constant 0 : index
    %get3A_10 = vector.load %arg1[%get3A_7, %get3A_8, %get3A_9] : memref<2x2000x32xf32, #tpu.memory_space<vmem>>, vector<1x2000x32xf32>
    %get3A_11 = vector.shape_cast %get3A_10 : vector<1x2000x32xf32> to vector<2000x32xf32>
    %add3A = arith.addf %get3A_6, %get3A_11 : vector<2000x32xf32>
    %get3A_12 = arith.constant 0 : index
    %get3A_13 = arith.constant 0 : index
    %get3A_14 = arith.constant 0 : index
    %get3A_15 = vector.load %arg2[%get3A_12, %get3A_13, %get3A_14] : memref<2x2000x32xf32, #tpu.memory_space<vmem>>, vector<1x2000x32xf32>
    %get3A_16 = vector.shape_cast %get3A_15 : vector<1x2000x32xf32> to vector<2000x32xf32>
    %get3A_17 = arith.constant 1 : index
    %get3A_18 = arith.constant 0 : index
    %get3A_19 = arith.constant 0 : index
    %get3A_20 = vector.load %arg2[%get3A_17, %get3A_18, %get3A_19] : memref<2x2000x32xf32, #tpu.memory_space<vmem>>, vector<1x2000x32xf32>
    %get3A_21 = vector.shape_cast %get3A_20 : vector<1x2000x32xf32> to vector<2000x32xf32>
    %add3A_22 = arith.addf %get3A_16, %get3A_21 : vector<2000x32xf32>
    %concatenate3A = tpu.concatenate %add3A, %add3A_22 in 1 : vector<2000x32xf32>, vector<2000x32xf32> -> vector<2000x64xf32>
    %get3A_23 = arith.constant 0 : index
    %get3A_24 = arith.constant 0 : index
    %get3A_25 = vector.load %arg3[%get3A_23, %get3A_24] : memref<2000x64xf32, #tpu.memory_space<vmem>>, vector<2000x64xf32>
    %add3A_26 = arith.addf %concatenate3A, %get3A_25 : vector<2000x64xf32>
    %mul3A = vector.broadcast %get3A_1 : vector<2000x1xf32> to vector<2000x64xf32>
    %mul3A_27 = arith.mulf %add3A_26, %mul3A : vector<2000x64xf32>
    %get3A_28 = arith.constant 0 : index
    %get3A_29 = arith.constant 0 : index
    %get3A_30 = vector.load %arg5[%get3A_28, %get3A_29] : memref<1x64xf32, #tpu.memory_space<vmem>>, vector<1x64xf32>
    %add3A_31 = vector.broadcast %get3A_30 : vector<1x64xf32> to vector<2000x64xf32>
    %add3A_32 = arith.addf %mul3A_27, %add3A_31 : vector<2000x64xf32>
    %max3A = arith.constant 0.000000e+00 : f32
    %max3A_33 = vector.broadcast %max3A : f32 to vector<2000x64xf32>
    %max3A_34 = arith.maximumf %add3A_32, %max3A_33 : vector<2000x64xf32>
    %get3A_35 = arith.constant 0 : index
    %get3A_36 = arith.constant 0 : index
    %get3A_37 = vector.load %arg6[%get3A_35, %get3A_36] : memref<64x32xf32, #tpu.memory_space<vmem>>, vector<64x32xf32>
    %dot_general3A = arith.constant dense<0.000000e+00> : vector<2000x32xf32>
    %dot_general3A_38 = tpu.matmul %max3A_34, %get3A_37, %dot_general3A {dimension_numbers = #tpu.dot_dimension_numbers<[1], [0], [0], [1], [0, 0, 1, 1], [], []>, transpose_lhs_hint = false} : vector<2000x64xf32>, vector<64x32xf32>, vector<2000x32xf32> -> vector<2000x32xf32>
    %mul3A_39 = vector.broadcast %get3A_1 : vector<2000x1xf32> to vector<2000x32xf32>
    %mul3A_40 = arith.mulf %dot_general3A_38, %mul3A_39 : vector<2000x32xf32>
    %swap3A = arith.constant 0 : index
    %swap3A_41 = arith.constant 0 : index
    %swap3A_42 = vector.load %arg7[%swap3A, %swap3A_41] : memref<2000x32xf32, #tpu.memory_space<vmem>>, vector<2000x32xf32>
    tpu.vector_store %arg7[%swap3A, %swap3A_41], %mul3A_40 {strides = array<i32>} : memref<2000x32xf32, #tpu.memory_space<vmem>>, vector<2000x32xf32>,
    return
  }
  func.func @transform_0(%arg0: i32) -> (i32, i32, i32) {
    %c0_i32 = arith.constant 0 : i32
    %c0_i32_0 = arith.constant 0 : i32
    %c0_i32_1 = arith.constant 0 : i32
    return %c0_i32, %arg0, %c0_i32_0 : i32, i32, i32
  }
  func.func @transform_1(%arg0: i32) -> (i32, i32, i32) {
    %c0_i32 = arith.constant 0 : i32
    %c0_i32_0 = arith.constant 0 : i32
    %c0_i32_1 = arith.constant 0 : i32
    return %c0_i32, %arg0, %c0_i32_0 : i32, i32, i32
  }
  func.func @transform_2(%arg0: i32) -> (i32, i32) {
    %c0_i32 = arith.constant 0 : i32
    %c0_i32_0 = arith.constant 0 : i32
    return %arg0, %c0_i32 : i32, i32
  }
  func.func @transform_3(%arg0: i32) -> (i32, i32) {
    %c0_i32 = arith.constant 0 : i32
    %c0_i32_0 = arith.constant 0 : i32
    return %arg0, %c0_i32 : i32, i32
  }
  func.func @transform_4(%arg0: i32) -> (i32, i32) {
    %c0_i32 = arith.constant 0 : i32
    %c0_i32_0 = arith.constant 0 : i32
    %c0_i32_1 = arith.constant 0 : i32
    return %c0_i32, %c0_i32_0 : i32, i32
  }
  func.func @transform_5(%arg0: i32) -> (i32, i32) {
    %c0_i32 = arith.constant 0 : i32
    %c0_i32_0 = arith.constant 0 : i32
    %c0_i32_1 = arith.constant 0 : i32
    return %c0_i32, %c0_i32_0 : i32, i32
  }
  func.func @transform_6(%arg0: i32) -> (i32, i32) {
    %c0_i32 = arith.constant 0 : i32
    %c0_i32_0 = arith.constant 0 : i32
    return %arg0, %c0_i32 : i32, i32
  }
}

module attributes {stable_mosaic.version = 14 : i64} {
  func.func @_fin_body(%arg0: i32, %arg1: memref<2x10000x32xf32, #tpu.memory_space<vmem>>, %arg2: memref<10000x32xf32, #tpu.memory_space<vmem>>, %arg3: memref<10000x1xf32, #tpu.memory_space<vmem>>, %arg4: memref<1x32xf32, #tpu.memory_space<vmem>>, %arg5: memref<1x32x10000xf32, #tpu.memory_space<vmem>>) attributes {dimension_semantics = [#tpu.dimension_semantics<arbitrary>], iteration_bounds = array<i64: 2>, scalar_prefetch = 0 : i64, scratch_operands = 0 : i64, tpu.core_type = #tpu.core_type<tc>, window_params = [{transform_indices = @transform_0, window_bounds = array<i64: 2, 10000, 32>}, {transform_indices = @transform_1, window_bounds = array<i64: 10000, 32>}, {transform_indices = @transform_2, window_bounds = array<i64: 10000, 1>}, {pipeline_mode = #tpu.pipeline_mode<synchronous>, transform_indices = @transform_3, window_bounds = array<i64: 1, 32>}, {transform_indices = @transform_4, window_bounds = array<i64: 1, 32, 10000>}]} {
    %get3A = arith.constant 0 : index
    %get3A_0 = arith.constant 0 : index
    %get3A_1 = arith.constant 0 : index
    %get3A_2 = vector.load %arg1[%get3A, %get3A_0, %get3A_1] : memref<2x10000x32xf32, #tpu.memory_space<vmem>>, vector<1x10000x32xf32>
    %get3A_3 = vector.shape_cast %get3A_2 : vector<1x10000x32xf32> to vector<10000x32xf32>
    %get3A_4 = arith.constant 1 : index
    %get3A_5 = arith.constant 0 : index
    %get3A_6 = arith.constant 0 : index
    %get3A_7 = vector.load %arg1[%get3A_4, %get3A_5, %get3A_6] : memref<2x10000x32xf32, #tpu.memory_space<vmem>>, vector<1x10000x32xf32>
    %get3A_8 = vector.shape_cast %get3A_7 : vector<1x10000x32xf32> to vector<10000x32xf32>
    %add3A = arith.addf %get3A_3, %get3A_8 : vector<10000x32xf32>
    %get3A_9 = arith.constant 0 : index
    %get3A_10 = arith.constant 0 : index
    %get3A_11 = vector.load %arg2[%get3A_9, %get3A_10] : memref<10000x32xf32, #tpu.memory_space<vmem>>, vector<10000x32xf32>
    %add3A_12 = arith.addf %add3A, %get3A_11 : vector<10000x32xf32>
    %get3A_13 = arith.constant 0 : index
    %get3A_14 = arith.constant 0 : index
    %get3A_15 = vector.load %arg3[%get3A_13, %get3A_14] : memref<10000x1xf32, #tpu.memory_space<vmem>>, vector<10000x1xf32>
    %mul3A = vector.broadcast %get3A_15 : vector<10000x1xf32> to vector<10000x32xf32>
    %mul3A_16 = arith.mulf %add3A_12, %mul3A : vector<10000x32xf32>
    %get3A_17 = arith.constant 0 : index
    %get3A_18 = arith.constant 0 : index
    %get3A_19 = vector.load %arg4[%get3A_17, %get3A_18] : memref<1x32xf32, #tpu.memory_space<vmem>>, vector<1x32xf32>
    %add3A_20 = vector.broadcast %get3A_19 : vector<1x32xf32> to vector<10000x32xf32>
    %add3A_21 = arith.addf %mul3A_16, %add3A_20 : vector<10000x32xf32>
    %transpose3A = tpu.transpose %add3A_21, [1, 0] : vector<10000x32xf32> -> vector<32x10000xf32>
    %swap3A = arith.constant 0 : index
    %swap3A_22 = arith.constant 0 : index
    %swap3A_23 = arith.constant 0 : index
    %swap3A_24 = vector.load %arg5[%swap3A, %swap3A_22, %swap3A_23] : memref<1x32x10000xf32, #tpu.memory_space<vmem>>, vector<1x32x10000xf32>
    %swap3A_25 = vector.shape_cast %swap3A_24 : vector<1x32x10000xf32> to vector<32x10000xf32>
    %swap3A_26 = vector.shape_cast %transpose3A : vector<32x10000xf32> to vector<1x32x10000xf32>
    tpu.vector_store %arg5[%swap3A, %swap3A_22, %swap3A_23], %swap3A_26 {strides = array<i32>} : memref<1x32x10000xf32, #tpu.memory_space<vmem>>, vector<1x32x10000xf32>,
    return
  }
  func.func @transform_0(%arg0: i32) -> (i32, i32, i32) {
    %c0_i32 = arith.constant 0 : i32
    %c0_i32_0 = arith.constant 0 : i32
    %c0_i32_1 = arith.constant 0 : i32
    return %c0_i32, %arg0, %c0_i32_0 : i32, i32, i32
  }
  func.func @transform_1(%arg0: i32) -> (i32, i32) {
    %c0_i32 = arith.constant 0 : i32
    %c0_i32_0 = arith.constant 0 : i32
    return %arg0, %c0_i32 : i32, i32
  }
  func.func @transform_2(%arg0: i32) -> (i32, i32) {
    %c0_i32 = arith.constant 0 : i32
    %c0_i32_0 = arith.constant 0 : i32
    return %arg0, %c0_i32 : i32, i32
  }
  func.func @transform_3(%arg0: i32) -> (i32, i32) {
    %c0_i32 = arith.constant 0 : i32
    %c0_i32_0 = arith.constant 0 : i32
    %c0_i32_1 = arith.constant 0 : i32
    return %c0_i32, %c0_i32_0 : i32, i32
  }
  func.func @transform_4(%arg0: i32) -> (i32, i32, i32) {
    %c0_i32 = arith.constant 0 : i32
    %c0_i32_0 = arith.constant 0 : i32
    %c0_i32_1 = arith.constant 0 : i32
    return %arg0, %c0_i32, %c0_i32_0 : i32, i32, i32
  }
}

</mosaic_0001>

<sc_bundles>
// kernel: kernel.10.cloned.1.call-start
scs
__scs_entry_jumppad:
0x0: {  	(pc) =	sbr.rel $0x88, $3  }
0x1: {  	(tag) =	ssettag $0x0;
	lr =	simm.s32 $0x1  }
0x2: {  	[smem:$0x3F9B] =	sst lr;
	_ =	strace $0xD0000000  }
0x3: {  	_ = 	snop  }
0x4: {  	_ = 	snop  }
0x5: {  	_ = 	snop  }
0x6: {  	_ = 	snop  }
0x7: {  	_ = 	snop  }
__scs_overlays_trampoline_lowered:
0x8: {  	[smem:$0x3FAA] =	sst s0  }
0x9: {  	[smem:$0x3FAB] =	sst s1  }
0xa: {  	[smem:$0x3FAC] =	sst s2  }
0xb: {  	[smem:$0x3FAD] =	sst s3  }
0xc: {  	[smem:$0x3FAE] =	sst s4  }
0xd: {  	[smem:$0x3FAF] =	sst s5  }
0xe: {  	[smem:$0x3FB0] =	sst s6  }
0xf: {  	[smem:$0x3FB1] =	sst s7  }
0x10: {  	[smem:$0x3FB2] =	sst s8  }
0x11: {  	[smem:$0x3FB3] =	sst s9;
	s0 =	simm.s32 @!p0 $0x0  }
0x12: {  	s1 =	sld [smem:$0x3F99];
	s0 =	simm.s32 @p0 $0x1  }
0x13: {  	[smem:$0x3FB4] =	sst s0;
	s0 =	simm.s32 @!p1 $0x0  }
0x14: {  	s2 =	sld [smem:$0x3F98];
	s0 =	simm.s32 @p1 $0x1  }
0x15: {  	[smem:$0x3FB5] =	sst s0;
	s0 =	simm.s32 @!p2 $0x0  }
0x16: {  	s3 =	sld [smem:$0x3FDB];
	s0 =	simm.s32 @p2 $0x1  }
0x17: {  	s4 =	simm.s32 $0x1BF5;
	[smem:$0x3FB7] =	sst s0  }
0x18: {  	s0 =	sld [smem:$0x3F9A];
	_ =	swait.ge [sflag:s4], $0x0  }
0x19: {  	s7 =	sld [smem:$0x3F9B]  }
0x1a: {  	s8 =	sadd.s32 $0xFFFFE003, lr  }
0x1b: {  	s9 =	sadd.s32 $0xFFFFFEF7, lr;
	s5 =	simm.s32 $0xFFFFFFFF;
	p2 =	slt.u32 s8, $0xFFFFF086  }
0x1c: {  	p1 =	slt.u32 s9, $0xF7A;
	s5 =	simm.s32 @!p2 $0x0  }
0x1d: {  	s5 =	simm.s32 @p1 $0x1;
	p0 =	seq.s32 s7, s2  }
0x1e: {  	s7 =	smul.u32 @!p0 $0xF7A, s2;
	p2 =	seq.s32 @!p0 s5, $0x0  }
0x1f: {  	s9 =	smul.u32 $0xF7A, s1;
	s8 =	simm.s32 @!p0 $0x1BF5;
	p2 =	por !p2, p0  }
0x20: {  	[sflag:s8] =	ssyncset.s32 @!p0 $0xFFFFF086;
	s6 =	sadd.s32 @!p0 s3, s7;
	s7 =	simm.s32 @!p0 $0x108  }
0x21: {  	s3 =	sadd.s32 s3, s9;
	s6 =	sadd.s32 @!p0 $0x88, s6;
	s7 =	simm.s32 @p2 $0x1082  }
0x22: {  	[simem:s7], [sflag:s8] =	dma.local @!p0 [hbm:s6], $0xF7A  }
0x23: {  	s9 =	sor.u32 $0xD0000000, s2;
	s6 =	simm.s32 $0x108;
	_ =	swait.ge @!p0 [sflag:s8], $0x0  }
0x24: {  	s3 =	sadd.s32 $0x88, s3;
	s6 =	simm.s32 @!p1 $0x1082;
	[sflag:s4] =	ssyncset.s32 $0xFFFFF086  }
0x25: {  	[simem:s6], [sflag:s4] =	dma.local [hbm:s3], $0xF7A  }
0x26: {  	[smem:$0x3F9B] =	sst s1;
	(tag) =	ssettag s2;
	_ =	strace s9  }
0x27: {  	s1 =	sld [smem:$0x3FAB]  }
0x28: {  	s2 =	sld [smem:$0x3FAC]  }
0x29: {  	s4 =	sld [smem:$0x3FAE]  }
0x2a: {  	p0 =	seq.s32 s5, $0x0;
	s5 =	sld [smem:$0x3FAF]  }
0x2b: {  	s6 =	sld [smem:$0x3FB0]  }
0x2c: {  	s7 =	sld [smem:$0x3FB1]  }
0x2d: {  	s3 =	simm.s32 $0x108;
	s8 =	sld [smem:$0x3FB2]  }
0x2e: {  	s3 =	simm.s32 @!p0 $0x1082;
	s9 =	sld [smem:$0x3FB3]  }
0x2f: {  	lr =	sadd.s32 s0, s3;
	s0 =	sld [smem:$0x3FAA]  }
0x30: {  	s3 =	sld [smem:$0x3FAD]  }
0x31: {  	[smem:$0x3FB6] =	sst s10  }
0x32: {  	s10 =	sld [smem:$0x3FB4];
	_ =	sdelay $0x3  }
0x33: {  	p0 =	seq.s32 s10, $0x1;
	s10 =	sld [smem:$0x3FB6];
	_ =	sdelay $0x3  }
0x34: {  	[smem:$0x3FB6] =	sst s10  }
0x35: {  	s10 =	sld [smem:$0x3FB5];
	_ =	sdelay $0x3  }
0x36: {  	p1 =	seq.s32 s10, $0x1;
	s10 =	sld [smem:$0x3FB6];
	_ =	sdelay $0x3  }
0x37: {  	[smem:$0x3FB6] =	sst s10  }
0x38: {  	s10 =	sld [smem:$0x3FB7]  }
0x39: {  	_ = 	snop;
	(pc) =	sbr.ind lr, $3  }
0x3a: {  	_ = 	snop  }
0x3b: {  	_ = 	snop  }
0x3c: {  	p2 =	seq.s32 s10, $0x1;
	s10 =	sld [smem:$0x3FB6]  }
0x3d: {  	_ =	shalt  }
0x3e: {  	_ =	shalt  }
0x3f: {  	_ =	shalt  }
0x40: {  	_ =	shalt  }
0x41: {  	_ =	shalt  }
0x42: {  	_ =	shalt  }
0x43: {  	_ =	shalt  }
0x44: {  	_ =	shalt  }
0x45: {  	_ =	shalt  }
0x46: {  	_ =	shalt  }
0x47: {  	_ =	shalt  }
0x48: {  	_ =	shalt  }
0x49: {  	_ =	shalt  }
0x4a: {  	_ =	shalt  }
0x4b: {  	_ =	shalt  }
0x4c: {  	_ =	shalt  }
0x4d: {  	_ =	shalt  }
0x4e: {  	_ =	shalt  }
0x4f: {  	_ =	shalt  }
0x50: {  	_ =	shalt  }
0x51: {  	_ =	shalt  }
0x52: {  	_ =	shalt  }
0x53: {  	_ =	shalt  }
0x54: {  	_ =	shalt  }
0x55: {  	_ =	shalt  }
0x56: {  	_ =	shalt  }
0x57: {  	_ =	shalt  }
0x58: {  	_ =	shalt  }
0x59: {  	_ =	shalt  }
0x5a: {  	_ =	shalt  }
0x5b: {  	_ =	shalt  }
0x5c: {  	_ =	shalt  }
0x5d: {  	_ =	shalt  }
0x5e: {  	_ =	shalt  }
0x5f: {  	_ =	shalt  }
0x60: {  	_ =	shalt  }
0x61: {  	_ =	shalt  }
0x62: {  	_ =	shalt  }
0x63: {  	_ =	shalt  }
0x64: {  	_ =	shalt  }
0x65: {  	_ =	shalt  }
0x66: {  	_ =	shalt  }
0x67: {  	_ =	shalt  }
0x68: {  	_ =	shalt  }
0x69: {  	_ =	shalt  }
0x6a: {  	_ =	shalt  }
0x6b: {  	_ =	shalt  }
0x6c: {  	_ =	shalt  }
0x6d: {  	_ =	shalt  }
0x6e: {  	_ =	shalt  }
0x6f: {  	_ =	shalt  }
0x70: {  	_ =	shalt  }
0x71: {  	_ =	shalt  }
0x72: {  	_ =	shalt  }
0x73: {  	_ =	shalt  }
0x74: {  	_ =	shalt  }
0x75: {  	_ =	shalt  }
0x76: {  	_ =	shalt  }
0x77: {  	_ =	shalt  }
0x78: {  	_ =	shalt  }
0x79: {  	_ =	shalt  }
0x7a: {  	_ =	shalt  }
0x7b: {  	_ =	shalt  }
0x7c: {  	_ =	shalt  }
0x7d: {  	_ =	shalt  }
0x7e: {  	_ =	shalt  }
0x7f: {  	_ =	shalt  }
0x80: {  	_ =	shalt  }
0x81: {  	_ =	shalt  }
0x82: {  	_ =	shalt  }
0x83: {  	_ =	shalt  }
0x84: {  	_ =	shalt  }
0x85: {  	_ =	shalt  }
0x86: {  	_ =	shalt  }
0x87: {  	_ =	shalt  }
.Lfunc_end0:
.L_simem_size_0:
called_computation_lowered:
.L_overlay_start_0:
0x88: {  	s2 =	sld [smem:$0x3FD9]  }
0x89: {  	s3 =	sld [smem:$0x3FFE];
	_ =	sdelay $0x1  }
0x8a: {  	s1 =	srdreg.scid  }
0x8b: {  	s0 =	sand.u32 $0x1, s1  }
0x8c: {  	s17 =	sshll.u32 s0, $0xA;
	s2 =	sadd.s32 s3, s2  }
0x8d: {  	s2 =	sadd.s32 s2, s17  }
0x8e: {  	[smem:$0x3FC2] =	sst s2  }
0x8f: {  	_ = 	snop  }
0x90: {  	s2 =	sld [smem:$0x3FD0];
	(tm) =	ssettm $0x1  }
0x91: {  	s18 =	sld [smem:$0x3FFB];
	_ =	sdelay $0x3  }
0x92: {  	_ =	strace s18  }
0x93: {  	s3 =	sld [smem:$0x3FFC];
	_ =	sdelay $0x3  }
0x94: {  	_ =	strace s3  }
0x95: {  	s3 =	sld [smem:$0x3FFD];
	_ =	sdelay $0x3  }
0x96: {  	_ =	strace s3  }
0x97: {  	_ =	strace $0x8FFFFFFF  }
0x98: {  	s19 =	sld [smem:$0x3FDB];
	_ =	sdelay $0x1  }
0x99: {  	s4 =	simm.s32 $_scs_section_size  }
0x9a: {  	s5 =	simm.s32 $_size__tile_overlayer_lowered;
	s6 =	simm.s32 $_tile_overlayer_lowered  }
0x9b: {  	s22 =	simm.s32 $0x1BFF;
	s21 =	sshll.u32 s6, $0x1;
	s3 =	sadd.s32 s4, s19  }
0x9c: {  	s7 =	simm.s32 $0x0;
	s20 =	sshll.u32 s5, $0x1;
	s5 =	sadd.s32 s21, s3  }
0x9d: {  	[timem:s7], [sflag:s22] =	dma.local [hbm:s5], s20  }
0x9e: {  	_ =	swait.ge [sflag:s22], s20  }
0x9f: {  	s4 =	ssub.s32 $0x0, s20;
	[sflag:s22] =	ssyncset.done $0x0  }
0xa0: {  	[sflag:s22] =	ssyncadd.s32 s4;
	_ =	sdelay $0x1  }
0xa1: {  	s23 =	simm.s32 $0x1B8B  }
0xa2: {  	_ =	swait.ge [sflag:s23], $0x1  }
0xa3: {  	[sflag:s23] =	ssyncset.done $0x0  }
0xa4: {  	s25 =	simm.s32 $0x1B8E;
	s24 =	sld [smem:$0x3FFE];
	[sflag:s23] =	ssyncadd.s32 $0xFFFFFFFF  }
0xa5: {  	s26 =	simm.s32 $execute0_lowered;
	[smem:$0x3FD2] =	sst s25  }
0xa6: {  	s5 =	sshll.u32 s26, $0x1;
	_ =	strace $0x80000046;
	[dreg:$0x1] =	wrdreg $0xFFFFFFFF  }
0xa7: {  	s28 =	simm.s32 $_size_execute0_lowered;
	s3 =	sadd.s32 s3, s5;
	[dreg:$0x0] =	wrdreg $0x0  }
0xa8: {  	s5 =	sshll.u32 s28, $0x1;
	[dreg:$0x2] =	wrdreg s3  }
0xa9: {  	[dreg:$0x3] =	wrdreg s5  }
0xaa: {  	[dreg:$0x4] =	wrdreg $0xC0  }
0xab: {  	_ =	task [dreg:s7], $0x5FFFF  }
0xac: {  	[dreg:$0x1] =	wrdreg $0xFFFFFFFF  }
0xad: {  	[dreg:$0x0] =	wrdreg $0x60  }
0xae: {  	[dreg:$0x2] =	wrdreg s24  }
0xaf: {  	[dreg:$0x3] =	wrdreg s2  }
0xb0: {  	[dreg:$0x4] =	wrdreg $0x2D800  }
0xb1: {  	[dreg:$0x5] =	wrdreg $0x9  }
0xb2: {  	_ =	task.clear_ibuf [dreg:s7], $0x6FFFF;
	_ =	strace $0x90000046  }
0xb3: {  	s29 =	simm.s32 $0x9;
	_ =	strace $0x80000048  }
0xb4: {  	_ =	swait.ge [sflag:s29], $0x1  }
0xb5: {  	[sflag:s29] =	ssyncadd.s32 $0xFFFFFFFF  }
0xb6: {  	_ =	strace $0x90000048  }
0xb7: {  	_ =	sfence  }
0xb8: {  	s30 =	sld [smem:$0x0];
	_ =	sdelay $0x2  }
0xb9: {  	s31 =	sshll.u32 s1, $0xD;
	s1 =	sshrl.u32 s1, $0x2  }
0xba: {  	s3 =	sand.u32 $0x4000, s31;
	s1 =	sadd.s32 s1, s30  }
0xbb: {  	s0 =	sor.u32 s3, s0;
	s1 =	sshll.u32 s1, $0x11  }
0xbc: {  	s0 =	sor.u32 s1, s0  }
0xbd: {  	s0 =	sadd.s32 $0x8F2B, s0  }
0xbe: {  	[sflag:s0] =	ssyncadd.remote.s32 $0x1  }
0xbf: {  	_ =	sfence.sel $0xFFFF  }
0xc0: {  	[dreg:$0x0] =	wrdreg $0xFFFFFFFF;
	(pc) =	sbr.abs _section_cstart, $3  }
0xc1: {  	[dreg:$0x1] =	wrdreg $0xFFFFFFFF  }
0xc2: {  	_ =	task.clear_ibuf [dreg:s7], $0x2FFFF;
	_ =	strace $0x9FFFFFFF  }
0xc3: {  	(tm) =	ssettm $0x7FFFFFFF  }
tec
execute0_lowered:
.L_overlay_start_1:
0x0: {  	(tag) =	ssettag $0x1  }
0x1: {  	s4 =	rddreg [dreg:$0x0]  }
0x2: {  	s6 =	rddreg [dreg:$0x1];
	s0 =	srdreg.scid  }
0x3: {  	s2 =	rddreg [dreg:$0x2];
	s1 =	stileid.u32;
	s3 =	simm.s32 $0x0  }
0x4: {  	s11 =	simm.s32 $0x2800;
	s12 =	simm.s32 $0x0;
	s5 =	sand.u32 $0x1, s0  }
0x5: {  	s0 =	rddreg [dreg:$0x3];
	s8 =	smul.u32 $0x500, s1;
	s7 =	sshll.u32 s5, $0x4  }
0x6: {  	s9 =	smul.u32 $0x5000, s5;
	s5 =	ssub.s32 $0x2, s5;
	s7 =	sor.u32 s1, s7  }
0x7: {  	[smem:$0x7FF] =	sst s3;
	s10 =	sshrl.u32 s5, $0x1;
	s7 =	smul.u32 $0x500, s7  }
0x8: {  	_ =	strace $0x80000047;
	s9 =	sadd.s32 s8, s9;
	s10 =	ssub.s32 s5, s10  }
0x9: {  	s9 =	sshrl.u32 s9, $0x3;
	s7 =	sadd.s32 s7, s4;
	s4 =	sadd.s32 s8, s2  }
0xa: {  	s6 =	sadd.s32 s6, s9;
	s8 =	simm.s32 $0x2880;
	s9 =	simm.s32 $0x1  }
0xb: {  	v0 =	vimm.f32 $1.000000000e+00;
	v1 =	vimm.f32 $0.0e+00;
	s5 =	sadd.s32 $0x3000, s7;
	s7 =	smax.u32 s10, $0x1;
	s10 =	simm.s32 $0x80  }
.LBB2_1:
0xc: {  	[tilespmem:$0x2800] =	vst v0  }
0xd: {  	[tilespmem:$0x2810] =	vst v0  }
0xe: {  	[tilespmem:$0x2820] =	vst v0  }
0xf: {  	[tilespmem:$0x2830] =	vst v0  }
0x10: {  	[tilespmem:$0x2840] =	vst v0  }
0x11: {  	[tilespmem:$0x2850] =	vst v0  }
0x12: {  	[tilespmem:$0x2860] =	vst v0  }
0x13: {  	[tilespmem:$0x2870] =	vst v0;
	s13 =	simm.s32 $0x40;
	s14 =	simm.s32 $0x0  }
.LBB2_2:
0x14: {  	p0 =	sne.s32 s13, $0x13C0;
	[tilespmem:s14+$0x2880] =	vst v1;
	s14 =	smov.u32 s13;
	s13 =	sadd.s32 $0x40, s13  }
.Ltmp0:
0x15: {  	(pc) =	sbr.rel @p0 .LBB2_2-.Ltmp0, $2  }
0x16: {  	_ =	sdelay $0x2  }
0x17: {  	s14 =	sshra.s32 s14, $0x2  }
0x18: {  	[tilespmem:s14+$0x2880] =	vst v1  }
0x19: {  	[spmem:s4] =	stream.linear.scatter [tilespmem:s8], [sflag:$0x1], $0x500, $0x38;
	[tilespmem:$0x3280] =	vst v63  }
0x1a: {  	_ =	swait.ge [sflag:s9], $0x500  }
0x1b: {  	[sflag:s9] =	ssyncset.done $0x0  }
0x1c: {  	[sflag:s9] =	ssyncadd.s32 $0xFFFFFB00  }
0x1d: {  	s13 =	simm.s32 $0x0;
	[bflag:$0x0] =	sbarrier.arrive $0xFFFF  }
0x1e: {  	[tilespmem:s13], [sflag:$0x1] =	stream.linear.gather [hbm4b:s5+s13], $0x2800, $0x38;
	[tilespmem:$0x3280] =	vst v63  }
0x1f: {  	_ =	swait.ge [sflag:s9], $0x2800  }
0x20: {  	[sflag:s9] =	ssyncset.done $0x0  }
0x21: {  	s31 =	simm.s32 $0x0;
	[sflag:s9] =	ssyncadd.s32 $0xFFFFD800  }
0x22: {  	[spmem:s2] =	stream.indirect.scatter.add.f32 [tilespmem:s11], [sflag:$0x1], $0x1, s31, s10, $0xb8;
	[tilespmem:$0x3280] =	vst v63  }
0x23: {  	_ =	swait.ge [sflag:s9], $0x80  }
0x24: {  	s13 =	simm.s32 $0x200;
	[sflag:s9] =	ssyncset.done $0x0  }
.LBB2_4:
0x25: {  	s14 =	sshra.s32 s13, $0x2;
	[sflag:s9] =	ssyncadd.s32 $0xFFFFFF80;
	p0 =	sne.s32 s13, $0x9E00  }
0x26: {  	[spmem:s2] =	stream.indirect.scatter.add.f32 [tilespmem:s11], [sflag:$0x1], $0x1, s14, s10, $0xb8;
	[tilespmem:$0x3280] =	vst v63  }
.Ltmp1:
0x27: {  	_ = 	snop;
	(pc) =	sbr.rel @p0 .LBB2_4-.Ltmp1, $4  }
0x28: {  	_ = 	snop  }
0x29: {  	s13 =	sadd.s32 $0x200, s13  }
0x2a: {  	_ =	swait.ge [sflag:s9], $0x80  }
0x2b: {  	[sflag:s9] =	ssyncset.done $0x0  }
0x2c: {  	[sflag:s9] =	ssyncadd.s32 $0xFFFFFF80  }
0x2d: {  	[bflag:$0x0] =	sbarrier.arrive $0xFFFF  }
0x2e: {  	[tilespmem:s8], [sflag:$0x1] =	stream.linear.gather [spmem:s4], $0x500, $0x38;
	[tilespmem:$0x3280] =	vst v63  }
0x2f: {  	s12 =	sadd.s32 $0x1, s12;
	_ =	swait.ge [sflag:s9], $0x500  }
0x30: {  	p0 =	sne.s32 s12, s7;
	[sflag:s9] =	ssyncset.done $0x0  }
.Ltmp2:
0x31: {  	[sflag:s9] =	ssyncadd.s32 $0xFFFFFB00;
	(pc) =	sbr.rel @p0 .LBB2_1-.Ltmp2, $4  }
0x32: {  	[hbm4b:s6+s3] =	stream.linear.scatter [tilespmem:s8], [sflag:$0x1], $0x500, $0x38;
	[tilespmem:$0x3280] =	vst v63  }
0x33: {  	_ =	swait.ge [sflag:s9], $0x500  }
0x34: {  	[sflag:s9] =	ssyncset.done $0x0  }
0x35: {  	[sflag:s9] =	ssyncadd.s32 $0xFFFFFB00  }
0x36: {  	_ =	sfence.sel $0x180000  }
0x37: {  	[bflag:$0x0] =	sbarrier.arrive $0xFFFF  }
0x38: {  	p0 =	sne.s32 s1, $0x0;
	_ =	strace $0x90000047  }
0x39: {  	s0 =	sadd.s32 @!p0 $0x100000, s0;
	[bflag:$0x2] =	sbarrier.arrive $0xFFFF  }
0x3a: {  	[sflag:s0] =	ssyncadd.tile.s32 @!p0 $0x1;
	_ =	shalt  }
.Lfunc_end2:
_tile_overlayer_lowered:
.L_overlay_start_2:
0x3b: {  	(tag) =	ssettag $0x2  }
0x3c: {  	s0 =	rddreg [dreg:$0x0];
	s2 =	stileid.u32  }
0x3d: {  	s1 =	rddreg [dreg:$0x1];
	p0 =	sne.s32 s2, $0x0  }
0x3e: {  	s3 =	rddreg [dreg:$0x2];
	[bflag:$0x3] =	sbarrier.arrive $0xFFFF;
	s2 =	simm.s32 @!p0 $0x1C01  }
0x3f: {  	[timem:s3], [sflag:s2] =	dma.local @!p0 [hbm:s0], s1  }
0x40: {  	s0 =	simm.s32 @!p0 $0x1  }
0x41: {  	_ =	swait.ge @!p0 [sflag:s0], s1  }
0x42: {  	s1 =	ssub.s32 @!p0 $0x0, s1;
	[sflag:s0] =	ssyncset.done @!p0 $0x0  }
0x43: {  	[sflag:s0] =	ssyncadd.s32 @!p0 s1  }
0x44: {  	[bflag:$0x3] =	sbarrier.arrive $0xFFFF  }
0x45: {  	_ =	shalt  }

// kernel: kernel.13.cloned.1.call-start
scs
__scs_entry_jumppad:
0x0: {  	(pc) =	sbr.rel $0x88, $3  }
0x1: {  	(tag) =	ssettag $0x0;
	lr =	simm.s32 $0x1  }
0x2: {  	[smem:$0x3F9B] =	sst lr;
	_ =	strace $0xD0000000  }
0x3: {  	_ = 	snop  }
0x4: {  	_ = 	snop  }
0x5: {  	_ = 	snop  }
0x6: {  	_ = 	snop  }
0x7: {  	_ = 	snop  }
__scs_overlays_trampoline_lowered:
0x8: {  	[smem:$0x3FAA] =	sst s0  }
0x9: {  	[smem:$0x3FAB] =	sst s1  }
0xa: {  	[smem:$0x3FAC] =	sst s2  }
0xb: {  	[smem:$0x3FAD] =	sst s3  }
0xc: {  	[smem:$0x3FAE] =	sst s4  }
0xd: {  	[smem:$0x3FAF] =	sst s5  }
0xe: {  	[smem:$0x3FB0] =	sst s6  }
0xf: {  	[smem:$0x3FB1] =	sst s7  }
0x10: {  	[smem:$0x3FB2] =	sst s8  }
0x11: {  	[smem:$0x3FB3] =	sst s9;
	s0 =	simm.s32 @!p0 $0x0  }
0x12: {  	s1 =	sld [smem:$0x3F99];
	s0 =	simm.s32 @p0 $0x1  }
0x13: {  	[smem:$0x3FB4] =	sst s0;
	s0 =	simm.s32 @!p1 $0x0  }
0x14: {  	s2 =	sld [smem:$0x3F98];
	s0 =	simm.s32 @p1 $0x1  }
0x15: {  	[smem:$0x3FB5] =	sst s0;
	s0 =	simm.s32 @!p2 $0x0  }
0x16: {  	s3 =	sld [smem:$0x3FDB];
	s0 =	simm.s32 @p2 $0x1  }
0x17: {  	s4 =	simm.s32 $0x1BF5;
	[smem:$0x3FB7] =	sst s0  }
0x18: {  	s0 =	sld [smem:$0x3F9A];
	_ =	swait.ge [sflag:s4], $0x0  }
0x19: {  	s7 =	sld [smem:$0x3F9B]  }
0x1a: {  	s8 =	sadd.s32 $0xFFFFE003, lr  }
0x1b: {  	s9 =	sadd.s32 $0xFFFFFEF7, lr;
	s5 =	simm.s32 $0xFFFFFFFF;
	p2 =	slt.u32 s8, $0xFFFFF086  }
0x1c: {  	p1 =	slt.u32 s9, $0xF7A;
	s5 =	simm.s32 @!p2 $0x0  }
0x1d: {  	s5 =	simm.s32 @p1 $0x1;
	p0 =	seq.s32 s7, s2  }
0x1e: {  	s7 =	smul.u32 @!p0 $0xF7A, s2;
	p2 =	seq.s32 @!p0 s5, $0x0  }
0x1f: {  	s9 =	smul.u32 $0xF7A, s1;
	s8 =	simm.s32 @!p0 $0x1BF5;
	p2 =	por !p2, p0  }
0x20: {  	[sflag:s8] =	ssyncset.s32 @!p0 $0xFFFFF086;
	s6 =	sadd.s32 @!p0 s3, s7;
	s7 =	simm.s32 @!p0 $0x108  }
0x21: {  	s3 =	sadd.s32 s3, s9;
	s6 =	sadd.s32 @!p0 $0x88, s6;
	s7 =	simm.s32 @p2 $0x1082  }
0x22: {  	[simem:s7], [sflag:s8] =	dma.local @!p0 [hbm:s6], $0xF7A  }
0x23: {  	s9 =	sor.u32 $0xD0000000, s2;
	s6 =	simm.s32 $0x108;
	_ =	swait.ge @!p0 [sflag:s8], $0x0  }
0x24: {  	s3 =	sadd.s32 $0x88, s3;
	s6 =	simm.s32 @!p1 $0x1082;
	[sflag:s4] =	ssyncset.s32 $0xFFFFF086  }
0x25: {  	[simem:s6], [sflag:s4] =	dma.local [hbm:s3], $0xF7A  }
0x26: {  	[smem:$0x3F9B] =	sst s1;
	(tag) =	ssettag s2;
	_ =	strace s9  }
0x27: {  	s1 =	sld [smem:$0x3FAB]  }
0x28: {  	s2 =	sld [smem:$0x3FAC]  }
0x29: {  	s4 =	sld [smem:$0x3FAE]  }
0x2a: {  	p0 =	seq.s32 s5, $0x0;
	s5 =	sld [smem:$0x3FAF]  }
0x2b: {  	s6 =	sld [smem:$0x3FB0]  }
0x2c: {  	s7 =	sld [smem:$0x3FB1]  }
0x2d: {  	s3 =	simm.s32 $0x108;
	s8 =	sld [smem:$0x3FB2]  }
0x2e: {  	s3 =	simm.s32 @!p0 $0x1082;
	s9 =	sld [smem:$0x3FB3]  }
0x2f: {  	lr =	sadd.s32 s0, s3;
	s0 =	sld [smem:$0x3FAA]  }
0x30: {  	s3 =	sld [smem:$0x3FAD]  }
0x31: {  	[smem:$0x3FB6] =	sst s10  }
0x32: {  	s10 =	sld [smem:$0x3FB4];
	_ =	sdelay $0x3  }
0x33: {  	p0 =	seq.s32 s10, $0x1;
	s10 =	sld [smem:$0x3FB6];
	_ =	sdelay $0x3  }
0x34: {  	[smem:$0x3FB6] =	sst s10  }
0x35: {  	s10 =	sld [smem:$0x3FB5];
	_ =	sdelay $0x3  }
0x36: {  	p1 =	seq.s32 s10, $0x1;
	s10 =	sld [smem:$0x3FB6];
	_ =	sdelay $0x3  }
0x37: {  	[smem:$0x3FB6] =	sst s10  }
0x38: {  	s10 =	sld [smem:$0x3FB7]  }
0x39: {  	_ = 	snop;
	(pc) =	sbr.ind lr, $3  }
0x3a: {  	_ = 	snop  }
0x3b: {  	_ = 	snop  }
0x3c: {  	p2 =	seq.s32 s10, $0x1;
	s10 =	sld [smem:$0x3FB6]  }
0x3d: {  	_ =	shalt  }
0x3e: {  	_ =	shalt  }
0x3f: {  	_ =	shalt  }
0x40: {  	_ =	shalt  }
0x41: {  	_ =	shalt  }
0x42: {  	_ =	shalt  }
0x43: {  	_ =	shalt  }
0x44: {  	_ =	shalt  }
0x45: {  	_ =	shalt  }
0x46: {  	_ =	shalt  }
0x47: {  	_ =	shalt  }
0x48: {  	_ =	shalt  }
0x49: {  	_ =	shalt  }
0x4a: {  	_ =	shalt  }
0x4b: {  	_ =	shalt  }
0x4c: {  	_ =	shalt  }
0x4d: {  	_ =	shalt  }
0x4e: {  	_ =	shalt  }
0x4f: {  	_ =	shalt  }
0x50: {  	_ =	shalt  }
0x51: {  	_ =	shalt  }
0x52: {  	_ =	shalt  }
0x53: {  	_ =	shalt  }
0x54: {  	_ =	shalt  }
0x55: {  	_ =	shalt  }
0x56: {  	_ =	shalt  }
0x57: {  	_ =	shalt  }
0x58: {  	_ =	shalt  }
0x59: {  	_ =	shalt  }
0x5a: {  	_ =	shalt  }
0x5b: {  	_ =	shalt  }
0x5c: {  	_ =	shalt  }
0x5d: {  	_ =	shalt  }
0x5e: {  	_ =	shalt  }
0x5f: {  	_ =	shalt  }
0x60: {  	_ =	shalt  }
0x61: {  	_ =	shalt  }
0x62: {  	_ =	shalt  }
0x63: {  	_ =	shalt  }
0x64: {  	_ =	shalt  }
0x65: {  	_ =	shalt  }
0x66: {  	_ =	shalt  }
0x67: {  	_ =	shalt  }
0x68: {  	_ =	shalt  }
0x69: {  	_ =	shalt  }
0x6a: {  	_ =	shalt  }
0x6b: {  	_ =	shalt  }
0x6c: {  	_ =	shalt  }
0x6d: {  	_ =	shalt  }
0x6e: {  	_ =	shalt  }
0x6f: {  	_ =	shalt  }
0x70: {  	_ =	shalt  }
0x71: {  	_ =	shalt  }
0x72: {  	_ =	shalt  }
0x73: {  	_ =	shalt  }
0x74: {  	_ =	shalt  }
0x75: {  	_ =	shalt  }
0x76: {  	_ =	shalt  }
0x77: {  	_ =	shalt  }
0x78: {  	_ =	shalt  }
0x79: {  	_ =	shalt  }
0x7a: {  	_ =	shalt  }
0x7b: {  	_ =	shalt  }
0x7c: {  	_ =	shalt  }
0x7d: {  	_ =	shalt  }
0x7e: {  	_ =	shalt  }
0x7f: {  	_ =	shalt  }
0x80: {  	_ =	shalt  }
0x81: {  	_ =	shalt  }
0x82: {  	_ =	shalt  }
0x83: {  	_ =	shalt  }
0x84: {  	_ =	shalt  }
0x85: {  	_ =	shalt  }
0x86: {  	_ =	shalt  }
0x87: {  	_ =	shalt  }
.Lfunc_end0:
.L_simem_size_0:
called_computation.1_lowered:
.L_overlay_start_0:
0x88: {  	s2 =	sld [smem:$0x3FD9]  }
0x89: {  	s3 =	sld [smem:$0x3FFE];
	_ =	sdelay $0x1  }
0x8a: {  	s1 =	srdreg.scid  }
0x8b: {  	s0 =	sand.u32 $0x1, s1  }
0x8c: {  	s17 =	sshll.u32 s0, $0xA;
	s2 =	sadd.s32 s3, s2  }
0x8d: {  	s2 =	sadd.s32 s2, s17  }
0x8e: {  	[smem:$0x3FC2] =	sst s2  }
0x8f: {  	_ = 	snop  }
0x90: {  	s18 =	sld [smem:$0x3FD0];
	(tm) =	ssettm $0x1  }
0x91: {  	s19 =	sld [smem:$0x3FFB];
	_ =	sdelay $0x3  }
0x92: {  	_ =	strace s19  }
0x93: {  	s2 =	sld [smem:$0x3FFC];
	_ =	sdelay $0x3  }
0x94: {  	_ =	strace s2  }
0x95: {  	s2 =	sld [smem:$0x3FFD];
	_ =	sdelay $0x3  }
0x96: {  	_ =	strace s2  }
0x97: {  	_ =	strace $0x8FFFFFFF  }
0x98: {  	s20 =	sld [smem:$0x3FDB];
	_ =	sdelay $0x1  }
0x99: {  	s4 =	simm.s32 $_scs_section_size  }
0x9a: {  	s5 =	simm.s32 $_size__tile_overlayer_lowered;
	s6 =	simm.s32 $_tile_overlayer_lowered  }
0x9b: {  	s7 =	simm.s32 $0x1BFF;
	s21 =	sshll.u32 s6, $0x1;
	s4 =	sadd.s32 s4, s20  }
0x9c: {  	s22 =	simm.s32 $0x0;
	s5 =	sshll.u32 s5, $0x1;
	s6 =	sadd.s32 s21, s4  }
0x9d: {  	[timem:s22], [sflag:s7] =	dma.local [hbm:s6], s5  }
0x9e: {  	_ =	swait.ge [sflag:s7], s5  }
0x9f: {  	s5 =	ssub.s32 $0x0, s5;
	[sflag:s7] =	ssyncset.done $0x0  }
0xa0: {  	[sflag:s7] =	ssyncadd.s32 s5;
	_ =	sdelay $0x1  }
0xa1: {  	s23 =	simm.s32 $0x1B8B  }
0xa2: {  	_ =	swait.ge [sflag:s23], $0x1  }
0xa3: {  	[sflag:s23] =	ssyncset.done $0x0  }
0xa4: {  	[sflag:s23] =	ssyncadd.s32 $0xFFFFFFFF  }
0xa5: {  	s5 =	sld [smem:$0x0]  }
0xa6: {  	s6 =	sand.u32 $0xFFFFFFFE, s1  }
0xa7: {  	p0 =	sne.s32 s1, s6  }
0xa8: {  	s6 =	sshll.u32 @p0 s6, $0xE  }
0xa9: {  	s6 =	sadd.s32 @p0 $0x11B8D, s6;
	s7 =	sshll.u32 @p0 s5, $0x11  }
0xaa: {  	s6 =	sor.u32 @p0 s7, s6  }
0xab: {  	[sflag:s6] =	ssyncadd.remote.s32 @p0 $0x1;
	_ =	sdelay $0x1  }
0xac: {  	s6 =	simm.s32 @p0 $0x1B8D  }
0xad: {  	_ =	swait.eq @p0 [sflag:s6], $0x1  }
0xae: {  	[sflag:s6] =	ssyncadd.s32 @p0 $0xFFFFFFFF  }
0xaf: {  	s7 =	sshll.u32 @!p0 s1, $0xE  }
0xb0: {  	s7 =	sor.u32 @!p0 $0x4000, s7;
	s6 =	simm.s32 @!p0 $0x1B8D  }
0xb1: {  	s5 =	sshll.u32 @!p0 s5, $0x11;
	s7 =	sadd.s32 @!p0 $0x11B8D, s7;
	_ =	swait.eq @!p0 [sflag:s6], $0x1  }
0xb2: {  	s5 =	sor.u32 @!p0 s5, s7;
	[sflag:s6] =	ssyncadd.s32 @!p0 $0xFFFFFFFF  }
0xb3: {  	s25 =	simm.s32 $0x1B8E;
	s24 =	sld [smem:$0x3FFE];
	[sflag:s5] =	ssyncadd.remote.s32 @!p0 $0x1  }
0xb4: {  	s26 =	simm.s32 $execute0_lowered;
	[smem:$0x3FD2] =	sst s25  }
0xb5: {  	s6 =	sshll.u32 s26, $0x1;
	_ =	strace $0x8000004C;
	[dreg:$0x1] =	wrdreg $0xFFFFFFFF  }
0xb6: {  	s28 =	simm.s32 $_size_execute0_lowered;
	s4 =	sadd.s32 s4, s6;
	[dreg:$0x0] =	wrdreg $0x0  }
0xb7: {  	s6 =	sshll.u32 s28, $0x1;
	[dreg:$0x2] =	wrdreg s4  }
0xb8: {  	[dreg:$0x3] =	wrdreg s6  }
0xb9: {  	[dreg:$0x4] =	wrdreg $0xC0  }
0xba: {  	_ =	task [dreg:s22], $0x5FFFF  }
0xbb: {  	[dreg:$0x1] =	wrdreg $0xFFFFFFFF  }
0xbc: {  	[dreg:$0x0] =	wrdreg $0x60  }
0xbd: {  	[dreg:$0x2] =	wrdreg s18  }
0xbe: {  	[dreg:$0x3] =	wrdreg s24  }
0xbf: {  	[dreg:$0x4] =	wrdreg $0xF6000  }
0xc0: {  	[dreg:$0x5] =	wrdreg $0x9  }
0xc1: {  	_ =	task.clear_ibuf [dreg:s22], $0x6FFFF;
	_ =	strace $0x9000004C  }
0xc2: {  	s29 =	simm.s32 $0x9;
	_ =	strace $0x8000004E  }
0xc3: {  	_ =	swait.ge [sflag:s29], $0x1  }
0xc4: {  	[sflag:s29] =	ssyncadd.s32 $0xFFFFFFFF  }
0xc5: {  	_ =	strace $0x9000004E  }
0xc6: {  	_ =	sfence  }
0xc7: {  	s30 =	sld [smem:$0x0];
	_ =	sdelay $0x2  }
0xc8: {  	s31 =	sshll.u32 s1, $0xD;
	s1 =	sshrl.u32 s1, $0x2  }
0xc9: {  	s4 =	sand.u32 $0x4000, s31;
	s1 =	sadd.s32 s1, s30  }
0xca: {  	s0 =	sor.u32 s4, s0;
	s1 =	sshll.u32 s1, $0x11  }
0xcb: {  	s0 =	sor.u32 s1, s0  }
0xcc: {  	s0 =	sadd.s32 $0x8F2B, s0  }
0xcd: {  	[sflag:s0] =	ssyncadd.remote.s32 $0x1  }
0xce: {  	_ =	sfence.sel $0xFFFF  }
0xcf: {  	[dreg:$0x0] =	wrdreg $0xFFFFFFFF;
	(pc) =	sbr.abs _section_cstart, $3  }
0xd0: {  	[dreg:$0x1] =	wrdreg $0xFFFFFFFF  }
0xd1: {  	_ =	task.clear_ibuf [dreg:s22], $0x2FFFF;
	_ =	strace $0x9FFFFFFF  }
0xd2: {  	(tm) =	ssettm $0x7FFFFFFF  }
0xd3: {  	_ =	shalt  }
tec
execute0_lowered:
.L_overlay_start_1:
0x0: {  	(tag) =	ssettag $0x1  }
0x1: {  	s1 =	rddreg [dreg:$0x0]  }
0x2: {  	s8 =	stileid.u32;
	s4 =	rddreg [dreg:$0x1]  }
0x3: {  	s0 =	srdreg.scid;
	s3 =	rddreg [dreg:$0x2]  }
0x4: {  	s6 =	simm.s32 $0x0;
	s28 =	simm.s32 $0x80;
	s2 =	smul.u32 $0x1A, s8  }
0x5: {  	s30 =	simm.s32 $0x1;
	s31 =	simm.s32 $0xA600;
	s5 =	smul.u32 $0x86, s8  }
0x6: {  	s0 =	sand.u32 $0x1, s0;
	[smem:$0x7FF] =	sst s6;
	s22 =	smul.u32 $0x28000, s8  }
0x7: {  	s6 =	simm.s32 $0x43;
	s8 =	smul.u32 $0xA000, s8;
	p0 =	seq.s32 s0, $0x0  }
0x8: {  	_ =	strace $0x8000004D;
	s23 =	ssub.s32 $0x2, s0;
	s0 =	smul.u32 $0xA0000, s0  }
0x9: {  	s2 =	sadd.s32 $0x860, s2;
	s7 =	sshrl.u32 s23, $0x1;
	s6 =	simm.s32 @!p0 $0xD  }
0xa: {  	s24 =	sadd.s32 s8, s3;
	s29 =	sadd.s32 $0x5000, s8;
	s2 =	smov.u32 @p0 s5  }
0xb: {  	s5 =	sshrl.u32 s22, $0x2;
	s7 =	ssub.s32 s23, s7;
	[dreg:$0x6] =	wrdreg s24  }
0xc: {  	s26 =	sadd.s32 s0, s8;
	s0 =	sadd.s32 s0, s29;
	s22 =	sadd.s32 s29, s3  }
0xd: {  	s24 =	simm.s32 $0x8600;
	s2 =	sshll.u32 s2, $0x4;
	s5 =	sadd.s32 s5, s3  }
0xe: {  	s25 =	smax.u32 s7, $0x1;
	s0 =	sshrl.u32 s0, $0x3;
	s2 =	sadd.s32 s2, s4  }
0xf: {  	s4 =	sadd.s32 $0xC7C00, s4;
	[dreg:$0x7] =	wrdreg s25;
	s12 =	sadd.s32 $0x1000, s5  }
0x10: {  	s13 =	sadd.s32 $0x2000, s5;
	s14 =	sadd.s32 $0x3000, s5;
	s15 =	sadd.s32 $0x4000, s5  }
0x11: {  	s16 =	sadd.s32 $0x5000, s5;
	s17 =	sadd.s32 $0x6000, s5;
	s18 =	sadd.s32 $0x7000, s5  }
0x12: {  	s19 =	sadd.s32 $0x8000, s5;
	s20 =	sadd.s32 $0x9000, s5;
	s9 =	sadd.s32 $0x5C000, s2  }
0x13: {  	s25 =	simm.s32 $0x3;
	s2 =	sadd.s32 $0x3000, s2;
	[dreg:$0x4] =	wrdreg s9  }
0x14: {  	s23 =	sadd.s32 s4, s0;
	[dreg:$0x5] =	wrdreg s2;
	s2 =	sshrl.u32 s26, $0x3  }
0x15: {  	v0 =	vimm.f32 $0.0e+00;
	s9 =	sadd.s32 $0xFFFFFFFF, s6;
	s21 =	sadd.s32 s4, s2;
	s2 =	simm.s32 $0x0  }
.LBB2_1:
0x16: {  	s0 =	simm.s32 $0x80;
	s4 =	simm.s32 $0x0  }
.LBB2_2:
0x17: {  	p0 =	sne.s32 s0, $0x3F80;
	[tilespmem:s4+$0x8600] =	vst v0;
	s7 =	smov.u32 s0;
	s0 =	sadd.s32 $0x80, s0  }
.Ltmp0:
0x18: {  	[tilespmem:s4+$0x8610] =	vst v0;
	(pc) =	sbr.rel @p0 .LBB2_2-.Ltmp0, $2  }
0x19: {  	_ =	sdelay $0x2  }
0x1a: {  	s4 =	sshra.s32 s7, $0x2  }
0x1b: {  	[tilespmem:s4+$0x8600] =	vst v0  }
0x1c: {  	[tilespmem:s4+$0x8610] =	vst v0  }
0x1d: {  	[spmem:s5] =	stream.linear.scatter [tilespmem:s24], [sflag:$0x3], $0x1000, $0x38;
	[tilespmem:$0x19600] =	vst v63  }
0x1e: {  	_ =	swait.ge [sflag:s25], $0x1000  }
0x1f: {  	[sflag:s25] =	ssyncset.done $0x0  }
0x20: {  	[sflag:s25] =	ssyncadd.s32 $0xFFFFF000  }
0x21: {  	[spmem:s12] =	stream.linear.scatter [tilespmem:s24], [sflag:$0x3], $0x1000, $0x38;
	[tilespmem:$0x19600] =	vst v63  }
0x22: {  	_ =	swait.ge [sflag:s25], $0x1000  }
0x23: {  	[sflag:s25] =	ssyncset.done $0x0  }
0x24: {  	[sflag:s25] =	ssyncadd.s32 $0xFFFFF000  }
0x25: {  	[spmem:s13] =	stream.linear.scatter [tilespmem:s24], [sflag:$0x3], $0x1000, $0x38;
	[tilespmem:$0x19600] =	vst v63  }
0x26: {  	_ =	swait.ge [sflag:s25], $0x1000  }
0x27: {  	[sflag:s25] =	ssyncset.done $0x0  }
0x28: {  	[sflag:s25] =	ssyncadd.s32 $0xFFFFF000  }
0x29: {  	[spmem:s14] =	stream.linear.scatter [tilespmem:s24], [sflag:$0x3], $0x1000, $0x38;
	[tilespmem:$0x19600] =	vst v63  }
0x2a: {  	_ =	swait.ge [sflag:s25], $0x1000  }
0x2b: {  	[sflag:s25] =	ssyncset.done $0x0  }
0x2c: {  	[sflag:s25] =	ssyncadd.s32 $0xFFFFF000  }
0x2d: {  	[spmem:s15] =	stream.linear.scatter [tilespmem:s24], [sflag:$0x3], $0x1000, $0x38;
	[tilespmem:$0x19600] =	vst v63  }
0x2e: {  	_ =	swait.ge [sflag:s25], $0x1000  }
0x2f: {  	[sflag:s25] =	ssyncset.done $0x0  }
0x30: {  	[sflag:s25] =	ssyncadd.s32 $0xFFFFF000  }
0x31: {  	[spmem:s16] =	stream.linear.scatter [tilespmem:s24], [sflag:$0x3], $0x1000, $0x38;
	[tilespmem:$0x19600] =	vst v63  }
0x32: {  	_ =	swait.ge [sflag:s25], $0x1000  }
0x33: {  	[sflag:s25] =	ssyncset.done $0x0  }
0x34: {  	[sflag:s25] =	ssyncadd.s32 $0xFFFFF000  }
0x35: {  	[spmem:s17] =	stream.linear.scatter [tilespmem:s24], [sflag:$0x3], $0x1000, $0x38;
	[tilespmem:$0x19600] =	vst v63  }
0x36: {  	_ =	swait.ge [sflag:s25], $0x1000  }
0x37: {  	[sflag:s25] =	ssyncset.done $0x0  }
0x38: {  	[sflag:s25] =	ssyncadd.s32 $0xFFFFF000  }
0x39: {  	[spmem:s18] =	stream.linear.scatter [tilespmem:s24], [sflag:$0x3], $0x1000, $0x38;
	[tilespmem:$0x19600] =	vst v63  }
0x3a: {  	_ =	swait.ge [sflag:s25], $0x1000  }
0x3b: {  	[sflag:s25] =	ssyncset.done $0x0  }
0x3c: {  	[sflag:s25] =	ssyncadd.s32 $0xFFFFF000  }
0x3d: {  	[spmem:s19] =	stream.linear.scatter [tilespmem:s24], [sflag:$0x3], $0x1000, $0x38;
	[tilespmem:$0x19600] =	vst v63  }
0x3e: {  	_ =	swait.ge [sflag:s25], $0x1000  }
0x3f: {  	[sflag:s25] =	ssyncset.done $0x0  }
0x40: {  	[sflag:s25] =	ssyncadd.s32 $0xFFFFF000  }
0x41: {  	[spmem:s20] =	stream.linear.scatter [tilespmem:s24], [sflag:$0x3], $0x1000, $0x38;
	[tilespmem:$0x19600] =	vst v63  }
0x42: {  	_ =	swait.ge [sflag:s25], $0x1000  }
0x43: {  	[sflag:s25] =	ssyncset.done $0x0  }
0x44: {  	s0 =	simm.s32 $0x0;
	s8 =	rddreg [dreg:$0x4];
	[sflag:s25] =	ssyncadd.s32 $0xFFFFF000  }
0x45: {  	[tilespmem:s0], [sflag:$0x3] =	stream.linear.gather [hbm4b:s8+s0], $0x4300, $0x38;
	[tilespmem:$0x19600] =	vst v63  }
0x46: {  	_ =	swait.ge [sflag:s25], $0x4300  }
0x47: {  	[sflag:s25] =	ssyncset.done $0x0  }
0x48: {  	s7 =	simm.s32 $0x4300;
	s10 =	rddreg [dreg:$0x5];
	[sflag:s25] =	ssyncadd.s32 $0xFFFFBD00  }
0x49: {  	[tilespmem:s7], [sflag:$0x3] =	stream.linear.gather [hbm4b:s10+s0], $0x4300, $0x38;
	[tilespmem:$0x19600] =	vst v63  }
0x4a: {  	_ =	swait.ge [sflag:s25], $0x4300  }
0x4b: {  	[sflag:s25] =	ssyncset.done $0x0  }
0x4c: {  	[sflag:s25] =	ssyncadd.s32 $0xFFFFBD00  }
0x4d: {  	[bflag:$0x0] =	sbarrier.arrive $0xFFFF  }
0x4e: {  	[tilespmem:s24], [sflag:$0x1] =	stream.indirect.gather [hbm4b:s1+s28], $0x20, s0, s28, $0xb8;
	[tilespmem:$0x19600] =	vst v63  }
0x4f: {  	s11 =	simm.s32 $0x9600  }
0x50: {  	[tilespmem:s11], [sflag:$0x2] =	stream.indirect.gather [hbm4b:s1+s28], $0x20, s28, s28, $0xb8;
	[tilespmem:$0x19600] =	vst v63  }
0x51: {  	_ =	swait.ge [sflag:s30], $0x1000  }
0x52: {  	[sflag:s30] =	ssyncset.done $0x0  }
0x53: {  	s26 =	simm.s32 $0x4300;
	[sflag:s30] =	ssyncadd.s32 $0xFFFFF000  }
0x54: {  	[spmem:s3] =	stream.indirect.scatter.add.f32 [tilespmem:s24], [sflag:$0x3], $0x20, s26, s28, $0xb8;
	[tilespmem:$0x19600] =	vst v63  }
0x55: {  	_ =	swait.ge [sflag:s25], $0x1000  }
0x56: {  	p0 =	sle.u32 s9, $0x0;
	[sflag:s25] =	ssyncset.done $0x0  }
0x57: {  	s0 =	simm.s32 @p0 $0x2;
	[sflag:s25] =	ssyncadd.s32 $0xFFFFF000  }
0x58: {  	_ =	swait.ge @p0 [sflag:s0], $0x1000  }
0x59: {  	s4 =	simm.s32 $0x4380;
	s8 =	simm.s32 @p0 $0x9600;
	[sflag:s0] =	ssyncset.done @p0 $0x0  }
0x5a: {  	s7 =	simm.s32 @p0 $0x3;
	[sflag:s0] =	ssyncadd.s32 @p0 $0xFFFFF000;
	s0 =	simm.s32 @p0 $0x80  }
0x5b: {  	[spmem:s3] =	stream.indirect.scatter.add.f32 @p0 [tilespmem:s8], [sflag:$0x3], $0x20, s4, s0, $0xb8;
	[tilespmem:$0x19600] =	vst v63  }
0x5c: {  	_ =	swait.ge @p0 [sflag:s7], $0x1000  }
0x5d: {  	s26 =	simm.s32 @!p0 $0x100;
	s0 =	simm.s32 @!p0 $0x8600;
	[sflag:s7] =	ssyncset.done @p0 $0x0  }
0x5e: {  	s8 =	simm.s32 @!p0 $0x2;
	[sflag:s7] =	ssyncadd.s32 @p0 $0xFFFFF000;
	s7 =	simm.s32 @!p0 $0x80  }
0x5f: {  	[tilespmem:s0], [sflag:$0x1] =	stream.indirect.gather @!p0 [hbm4b:s1+s7], $0x20, s26, s7, $0xb8;
	[tilespmem:$0x19600] =	vst v63  }
0x60: {  	_ =	swait.ge @!p0 [sflag:s8], $0x1000  }
0x61: {  	p1 =	sne.s32 s6, $0x1;
	s26 =	simm.s32 @!p0 $0x3;
	[sflag:s8] =	ssyncset.done @!p0 $0x0  }
.Ltmp1:
0x62: {  	[sflag:s8] =	ssyncadd.s32 @!p0 $0xFFFFF000;
	s8 =	simm.s32 @!p0 $0x9600;
	(pc) =	sbr.rel @!p1 .LBB2_5-.Ltmp1, $4  }
0x63: {  	[spmem:s3] =	stream.indirect.scatter.add.f32 @!p0 [tilespmem:s8], [sflag:$0x3], $0x20, s4, s7, $0xb8;
	[tilespmem:$0x19600] =	vst v63  }
0x64: {  	_ =	swait.ge @!p0 [sflag:s26], $0x1000  }
0x65: {  	s29 =	simm.s32 $0x180;
	s0 =	simm.s32 $0x1;
	[sflag:s26] =	ssyncset.done @!p0 $0x0  }
0x66: {  	s4 =	simm.s32 $0x4480;
	[sflag:s26] =	ssyncadd.s32 @!p0 $0xFFFFF000;
	s26 =	simm.s32 $0x280  }
.LBB2_4:
0x67: {  	[tilespmem:s8], [sflag:$0x2] =	stream.indirect.gather @!p0 [hbm4b:s1+s7], $0x20, s29, s7, $0xb8;
	[tilespmem:$0x19600] =	vst v63  }
0x68: {  	s7 =	smov.u32 s0;
	s0 =	sadd.s32 $0x1, s0;
	_ =	swait.ge [sflag:s30], $0x1000  }
0x69: {  	s29 =	smov.u32 s26;
	p1 =	sne.s32 s6, s0;
	[sflag:s30] =	ssyncset.done $0x0  }
0x6a: {  	s8 =	sadd.s32 $0xFFFFFF80, s4;
	[sflag:s30] =	ssyncadd.s32 $0xFFFFF000  }
0x6b: {  	[spmem:s3] =	stream.indirect.scatter.add.f32 [tilespmem:s24], [sflag:$0x3], $0x20, s8, s28, $0xb8;
	[tilespmem:$0x19600] =	vst v63  }
0x6c: {  	_ =	swait.ge [sflag:s25], $0x1000  }
0x6d: {  	p0 =	sge.u32 s7, s9;
	[sflag:s25] =	ssyncset.done $0x0  }
0x6e: {  	s7 =	simm.s32 @p0 $0x2;
	[sflag:s25] =	ssyncadd.s32 $0xFFFFF000  }
0x6f: {  	_ =	swait.ge @p0 [sflag:s7], $0x1000  }
0x70: {  	s8 =	simm.s32 @p0 $0x3;
	[sflag:s7] =	ssyncset.done @p0 $0x0  }
0x71: {  	s10 =	simm.s32 @p0 $0x9600;
	[sflag:s7] =	ssyncadd.s32 @p0 $0xFFFFF000;
	s7 =	simm.s32 @p0 $0x80  }
0x72: {  	[spmem:s3] =	stream.indirect.scatter.add.f32 @p0 [tilespmem:s10], [sflag:$0x3], $0x20, s4, s7, $0xb8;
	[tilespmem:$0x19600] =	vst v63  }
0x73: {  	_ =	swait.ge @p0 [sflag:s8], $0x1000  }
0x74: {  	s11 =	simm.s32 @!p0 $0x2;
	s10 =	simm.s32 @!p0 $0x8600;
	[sflag:s8] =	ssyncset.done @p0 $0x0  }
0x75: {  	s7 =	simm.s32 @!p0 $0x80;
	[sflag:s8] =	ssyncadd.s32 @p0 $0xFFFFF000;
	s8 =	sadd.s32 @!p0 $0xFFFFFF80, s26  }
0x76: {  	[tilespmem:s10], [sflag:$0x1] =	stream.indirect.gather @!p0 [hbm4b:s1+s7], $0x20, s8, s7, $0xb8;
	[tilespmem:$0x19600] =	vst v63  }
0x77: {  	_ =	swait.ge @!p0 [sflag:s11], $0x1000  }
0x78: {  	s10 =	simm.s32 @!p0 $0x3;
	[sflag:s11] =	ssyncset.done @!p0 $0x0  }
.Ltmp2:
0x79: {  	s8 =	simm.s32 @!p0 $0x9600;
	[sflag:s11] =	ssyncadd.s32 @!p0 $0xFFFFF000;
	(pc) =	sbr.rel @p1 .LBB2_4-.Ltmp2, $4  }
0x7a: {  	[spmem:s3] =	stream.indirect.scatter.add.f32 @!p0 [tilespmem:s8], [sflag:$0x3], $0x20, s4, s7, $0xb8;
	[tilespmem:$0x19600] =	vst v63  }
0x7b: {  	_ =	swait.ge @!p0 [sflag:s10], $0x1000  }
0x7c: {  	[sflag:s10] =	ssyncset.done @!p0 $0x0  }
0x7d: {  	s26 =	sadd.s32 $0x100, s26;
	s4 =	sadd.s32 $0x100, s4;
	[sflag:s10] =	ssyncadd.s32 @!p0 $0xFFFFF000  }
.LBB2_5:
0x7e: {  	[tilespmem:s8], [sflag:$0x2] =	stream.indirect.gather @!p0 [hbm4b:s1+s7], $0x20, s29, s7, $0xb8;
	[tilespmem:$0x19600] =	vst v63  }
0x7f: {  	[bflag:$0x0] =	sbarrier.arrive $0xFFFF  }
0x80: {  	s0 =	rddreg [dreg:$0x6]  }
0x81: {  	[tilespmem:s31], [sflag:$0x3] =	stream.linear.gather [spmem:s0], $0x5000, $0x38;
	[tilespmem:$0x19600] =	vst v63  }
0x82: {  	_ =	swait.ge [sflag:s25], $0x5000  }
0x83: {  	[sflag:s25] =	ssyncset.done $0x0  }
0x84: {  	s26 =	simm.s32 $0x0;
	[sflag:s25] =	ssyncadd.s32 $0xFFFFB000  }
0x85: {  	[hbm4b:s21+s26] =	stream.linear.scatter [tilespmem:s31], [sflag:$0x3], $0x5000, $0x38;
	[tilespmem:$0x19600] =	vst v63  }
0x86: {  	_ =	swait.ge [sflag:s25], $0x5000  }
0x87: {  	[sflag:s25] =	ssyncset.done $0x0  }
0x88: {  	[sflag:s25] =	ssyncadd.s32 $0xFFFFB000  }
0x89: {  	[tilespmem:s31], [sflag:$0x3] =	stream.linear.gather [spmem:s22], $0x5000, $0x38;
	[tilespmem:$0x19600] =	vst v63  }
0x8a: {  	_ =	swait.ge [sflag:s25], $0x5000  }
0x8b: {  	[sflag:s25] =	ssyncset.done $0x0  }
0x8c: {  	[sflag:s25] =	ssyncadd.s32 $0xFFFFB000  }
0x8d: {  	[hbm4b:s23+s26] =	stream.linear.scatter [tilespmem:s31], [sflag:$0x3], $0x5000, $0x38;
	[tilespmem:$0x19600] =	vst v63  }
0x8e: {  	_ =	swait.ge [sflag:s25], $0x5000  }
0x8f: {  	s2 =	sadd.s32 $0x1, s2;
	s29 =	rddreg [dreg:$0x7]  }
0x90: {  	p0 =	sne.s32 s2, s29  }
.Ltmp3:
0x91: {  	_ = 	snop;
	(pc) =	sbr.rel @p0 .LBB2_1-.Ltmp3, $3  }
0x92: {  	_ =	sdelay $0x1  }
0x93: {  	[sflag:s25] =	ssyncset.done $0x0  }
0x94: {  	[sflag:s25] =	ssyncadd.s32 $0xFFFFB000  }
0x95: {  	_ =	sfence.sel $0x180000  }
0x96: {  	[bflag:$0x0] =	sbarrier.arrive $0xFFFF  }
0x97: {  	_ =	strace $0x9000004D  }
0x98: {  	s0 =	stileid.u32;
	[bflag:$0x2] =	sbarrier.arrive $0xFFFF  }
0x99: {  	p0 =	sne.s32 s0, $0x0;
	s0 =	rddreg [dreg:$0x3]  }
0x9a: {  	s0 =	sadd.s32 @!p0 $0x100000, s0  }
0x9b: {  	[sflag:s0] =	ssyncadd.tile.s32 @!p0 $0x1;
	_ =	shalt  }
.Lfunc_end2:
_tile_overlayer_lowered:
.L_overlay_start_2:
0x9c: {  	(tag) =	ssettag $0x2  }
0x9d: {  	s0 =	rddreg [dreg:$0x0];
	s2 =	stileid.u32  }
0x9e: {  	s1 =	rddreg [dreg:$0x1];
	p0 =	sne.s32 s2, $0x0  }
0x9f: {  	s3 =	rddreg [dreg:$0x2];
	[bflag:$0x3] =	sbarrier.arrive $0xFFFF;
	s2 =	simm.s32 @!p0 $0x1C03  }
0xa0: {  	[timem:s3], [sflag:s2] =	dma.local @!p0 [hbm:s0], s1  }
0xa1: {  	s0 =	simm.s32 @!p0 $0x3  }
0xa2: {  	_ =	swait.ge @!p0 [sflag:s0], s1  }
0xa3: {  	s1 =	ssub.s32 @!p0 $0x0, s1;
	[sflag:s0] =	ssyncset.done @!p0 $0x0  }
0xa4: {  	[sflag:s0] =	ssyncadd.s32 @!p0 s1  }
0xa5: {  	[bflag:$0x3] =	sbarrier.arrive $0xFFFF  }
0xa6: {  	_ =	shalt  }

// kernel: kernel.16.cloned.1.call-start
scs
__scs_entry_jumppad:
0x0: {  	(pc) =	sbr.rel $0x88, $3  }
0x1: {  	(tag) =	ssettag $0x0;
	lr =	simm.s32 $0x1  }
0x2: {  	[smem:$0x3F9B] =	sst lr;
	_ =	strace $0xD0000000  }
0x3: {  	_ = 	snop  }
0x4: {  	_ = 	snop  }
0x5: {  	_ = 	snop  }
0x6: {  	_ = 	snop  }
0x7: {  	_ = 	snop  }
__scs_overlays_trampoline_lowered:
0x8: {  	[smem:$0x3FAA] =	sst s0  }
0x9: {  	[smem:$0x3FAB] =	sst s1  }
0xa: {  	[smem:$0x3FAC] =	sst s2  }
0xb: {  	[smem:$0x3FAD] =	sst s3  }
0xc: {  	[smem:$0x3FAE] =	sst s4  }
0xd: {  	[smem:$0x3FAF] =	sst s5  }
0xe: {  	[smem:$0x3FB0] =	sst s6  }
0xf: {  	[smem:$0x3FB1] =	sst s7  }
0x10: {  	[smem:$0x3FB2] =	sst s8  }
0x11: {  	[smem:$0x3FB3] =	sst s9;
	s0 =	simm.s32 @!p0 $0x0  }
0x12: {  	s1 =	sld [smem:$0x3F99];
	s0 =	simm.s32 @p0 $0x1  }
0x13: {  	[smem:$0x3FB4] =	sst s0;
	s0 =	simm.s32 @!p1 $0x0  }
0x14: {  	s2 =	sld [smem:$0x3F98];
	s0 =	simm.s32 @p1 $0x1  }
0x15: {  	[smem:$0x3FB5] =	sst s0;
	s0 =	simm.s32 @!p2 $0x0  }
0x16: {  	s3 =	sld [smem:$0x3FDB];
	s0 =	simm.s32 @p2 $0x1  }
0x17: {  	s4 =	simm.s32 $0x1BF5;
	[smem:$0x3FB7] =	sst s0  }
0x18: {  	s0 =	sld [smem:$0x3F9A];
	_ =	swait.ge [sflag:s4], $0x0  }
0x19: {  	s7 =	sld [smem:$0x3F9B]  }
0x1a: {  	s8 =	sadd.s32 $0xFFFFE003, lr  }
0x1b: {  	s9 =	sadd.s32 $0xFFFFFEF7, lr;
	s5 =	simm.s32 $0xFFFFFFFF;
	p2 =	slt.u32 s8, $0xFFFFF086  }
0x1c: {  	p1 =	slt.u32 s9, $0xF7A;
	s5 =	simm.s32 @!p2 $0x0  }
0x1d: {  	s5 =	simm.s32 @p1 $0x1;
	p0 =	seq.s32 s7, s2  }
0x1e: {  	s7 =	smul.u32 @!p0 $0xF7A, s2;
	p2 =	seq.s32 @!p0 s5, $0x0  }
0x1f: {  	s9 =	smul.u32 $0xF7A, s1;
	s8 =	simm.s32 @!p0 $0x1BF5;
	p2 =	por !p2, p0  }
0x20: {  	[sflag:s8] =	ssyncset.s32 @!p0 $0xFFFFF086;
	s6 =	sadd.s32 @!p0 s3, s7;
	s7 =	simm.s32 @!p0 $0x108  }
0x21: {  	s3 =	sadd.s32 s3, s9;
	s6 =	sadd.s32 @!p0 $0x88, s6;
	s7 =	simm.s32 @p2 $0x1082  }
0x22: {  	[simem:s7], [sflag:s8] =	dma.local @!p0 [hbm:s6], $0xF7A  }
0x23: {  	s9 =	sor.u32 $0xD0000000, s2;
	s6 =	simm.s32 $0x108;
	_ =	swait.ge @!p0 [sflag:s8], $0x0  }
0x24: {  	s3 =	sadd.s32 $0x88, s3;
	s6 =	simm.s32 @!p1 $0x1082;
	[sflag:s4] =	ssyncset.s32 $0xFFFFF086  }
0x25: {  	[simem:s6], [sflag:s4] =	dma.local [hbm:s3], $0xF7A  }
0x26: {  	[smem:$0x3F9B] =	sst s1;
	(tag) =	ssettag s2;
	_ =	strace s9  }
0x27: {  	s1 =	sld [smem:$0x3FAB]  }
0x28: {  	s2 =	sld [smem:$0x3FAC]  }
0x29: {  	s4 =	sld [smem:$0x3FAE]  }
0x2a: {  	p0 =	seq.s32 s5, $0x0;
	s5 =	sld [smem:$0x3FAF]  }
0x2b: {  	s6 =	sld [smem:$0x3FB0]  }
0x2c: {  	s7 =	sld [smem:$0x3FB1]  }
0x2d: {  	s3 =	simm.s32 $0x108;
	s8 =	sld [smem:$0x3FB2]  }
0x2e: {  	s3 =	simm.s32 @!p0 $0x1082;
	s9 =	sld [smem:$0x3FB3]  }
0x2f: {  	lr =	sadd.s32 s0, s3;
	s0 =	sld [smem:$0x3FAA]  }
0x30: {  	s3 =	sld [smem:$0x3FAD]  }
0x31: {  	[smem:$0x3FB6] =	sst s10  }
0x32: {  	s10 =	sld [smem:$0x3FB4];
	_ =	sdelay $0x3  }
0x33: {  	p0 =	seq.s32 s10, $0x1;
	s10 =	sld [smem:$0x3FB6];
	_ =	sdelay $0x3  }
0x34: {  	[smem:$0x3FB6] =	sst s10  }
0x35: {  	s10 =	sld [smem:$0x3FB5];
	_ =	sdelay $0x3  }
0x36: {  	p1 =	seq.s32 s10, $0x1;
	s10 =	sld [smem:$0x3FB6];
	_ =	sdelay $0x3  }
0x37: {  	[smem:$0x3FB6] =	sst s10  }
0x38: {  	s10 =	sld [smem:$0x3FB7]  }
0x39: {  	_ = 	snop;
	(pc) =	sbr.ind lr, $3  }
0x3a: {  	_ = 	snop  }
0x3b: {  	_ = 	snop  }
0x3c: {  	p2 =	seq.s32 s10, $0x1;
	s10 =	sld [smem:$0x3FB6]  }
0x3d: {  	_ =	shalt  }
0x3e: {  	_ =	shalt  }
0x3f: {  	_ =	shalt  }
0x40: {  	_ =	shalt  }
0x41: {  	_ =	shalt  }
0x42: {  	_ =	shalt  }
0x43: {  	_ =	shalt  }
0x44: {  	_ =	shalt  }
0x45: {  	_ =	shalt  }
0x46: {  	_ =	shalt  }
0x47: {  	_ =	shalt  }
0x48: {  	_ =	shalt  }
0x49: {  	_ =	shalt  }
0x4a: {  	_ =	shalt  }
0x4b: {  	_ =	shalt  }
0x4c: {  	_ =	shalt  }
0x4d: {  	_ =	shalt  }
0x4e: {  	_ =	shalt  }
0x4f: {  	_ =	shalt  }
0x50: {  	_ =	shalt  }
0x51: {  	_ =	shalt  }
0x52: {  	_ =	shalt  }
0x53: {  	_ =	shalt  }
0x54: {  	_ =	shalt  }
0x55: {  	_ =	shalt  }
0x56: {  	_ =	shalt  }
0x57: {  	_ =	shalt  }
0x58: {  	_ =	shalt  }
0x59: {  	_ =	shalt  }
0x5a: {  	_ =	shalt  }
0x5b: {  	_ =	shalt  }
0x5c: {  	_ =	shalt  }
0x5d: {  	_ =	shalt  }
0x5e: {  	_ =	shalt  }
0x5f: {  	_ =	shalt  }
0x60: {  	_ =	shalt  }
0x61: {  	_ =	shalt  }
0x62: {  	_ =	shalt  }
0x63: {  	_ =	shalt  }
0x64: {  	_ =	shalt  }
0x65: {  	_ =	shalt  }
0x66: {  	_ =	shalt  }
0x67: {  	_ =	shalt  }
0x68: {  	_ =	shalt  }
0x69: {  	_ =	shalt  }
0x6a: {  	_ =	shalt  }
0x6b: {  	_ =	shalt  }
0x6c: {  	_ =	shalt  }
0x6d: {  	_ =	shalt  }
0x6e: {  	_ =	shalt  }
0x6f: {  	_ =	shalt  }
0x70: {  	_ =	shalt  }
0x71: {  	_ =	shalt  }
0x72: {  	_ =	shalt  }
0x73: {  	_ =	shalt  }
0x74: {  	_ =	shalt  }
0x75: {  	_ =	shalt  }
0x76: {  	_ =	shalt  }
0x77: {  	_ =	shalt  }
0x78: {  	_ =	shalt  }
0x79: {  	_ =	shalt  }
0x7a: {  	_ =	shalt  }
0x7b: {  	_ =	shalt  }
0x7c: {  	_ =	shalt  }
0x7d: {  	_ =	shalt  }
0x7e: {  	_ =	shalt  }
0x7f: {  	_ =	shalt  }
0x80: {  	_ =	shalt  }
0x81: {  	_ =	shalt  }
0x82: {  	_ =	shalt  }
0x83: {  	_ =	shalt  }
0x84: {  	_ =	shalt  }
0x85: {  	_ =	shalt  }
0x86: {  	_ =	shalt  }
0x87: {  	_ =	shalt  }
.Lfunc_end0:
.L_simem_size_0:
called_computation.2_lowered:
.L_overlay_start_0:
0x88: {  	s2 =	sld [smem:$0x3FD9]  }
0x89: {  	s3 =	sld [smem:$0x3FFE];
	_ =	sdelay $0x1  }
0x8a: {  	s1 =	srdreg.scid  }
0x8b: {  	s0 =	sand.u32 $0x1, s1  }
0x8c: {  	s16 =	sshll.u32 s0, $0xA;
	s2 =	sadd.s32 s3, s2  }
0x8d: {  	s2 =	sadd.s32 s2, s16  }
0x8e: {  	[smem:$0x3FC2] =	sst s2  }
0x8f: {  	_ = 	snop  }
0x90: {  	(tm) =	ssettm $0x1  }
0x91: {  	s17 =	sld [smem:$0x3FFB];
	_ =	sdelay $0x3  }
0x92: {  	_ =	strace s17  }
0x93: {  	s2 =	sld [smem:$0x3FFC];
	_ =	sdelay $0x3  }
0x94: {  	_ =	strace s2  }
0x95: {  	s2 =	sld [smem:$0x3FFD];
	_ =	sdelay $0x3  }
0x96: {  	_ =	strace s2  }
0x97: {  	_ =	strace $0x8FFFFFFF  }
0x98: {  	s18 =	sld [smem:$0x3FDB];
	_ =	sdelay $0x1  }
0x99: {  	s19 =	simm.s32 $_scs_section_size  }
0x9a: {  	s4 =	simm.s32 $_size__tile_overlayer_lowered;
	s5 =	simm.s32 $_tile_overlayer_lowered  }
0x9b: {  	s22 =	simm.s32 $0x1BFF;
	s21 =	sshll.u32 s5, $0x1;
	s2 =	sadd.s32 s19, s18  }
0x9c: {  	s6 =	simm.s32 $0x0;
	s20 =	sshll.u32 s4, $0x1;
	s4 =	sadd.s32 s21, s2  }
0x9d: {  	[timem:s6], [sflag:s22] =	dma.local [hbm:s4], s20  }
0x9e: {  	_ =	swait.ge [sflag:s22], s20  }
0x9f: {  	s3 =	ssub.s32 $0x0, s20;
	[sflag:s22] =	ssyncset.done $0x0  }
0xa0: {  	[sflag:s22] =	ssyncadd.s32 s3;
	_ =	sdelay $0x1  }
0xa1: {  	s23 =	simm.s32 $0x1B8B  }
0xa2: {  	_ =	swait.ge [sflag:s23], $0x1  }
0xa3: {  	[sflag:s23] =	ssyncset.done $0x0  }
0xa4: {  	s25 =	simm.s32 $0x1B8E;
	s24 =	sld [smem:$0x3FFE];
	[sflag:s23] =	ssyncadd.s32 $0xFFFFFFFF  }
0xa5: {  	s26 =	simm.s32 $execute0_lowered;
	[smem:$0x3FD2] =	sst s25  }
0xa6: {  	s4 =	sshll.u32 s26, $0x1;
	_ =	strace $0x80000049;
	[dreg:$0x1] =	wrdreg $0xFFFFFFFF  }
0xa7: {  	s28 =	simm.s32 $_size_execute0_lowered;
	s2 =	sadd.s32 s2, s4;
	[dreg:$0x0] =	wrdreg $0x0  }
0xa8: {  	s4 =	sshll.u32 s28, $0x1;
	[dreg:$0x2] =	wrdreg s2  }
0xa9: {  	[dreg:$0x3] =	wrdreg s4  }
0xaa: {  	[dreg:$0x4] =	wrdreg $0xC0  }
0xab: {  	_ =	task [dreg:s6], $0x5FFFF  }
0xac: {  	[dreg:$0x1] =	wrdreg $0xFFFFFFFF  }
0xad: {  	[dreg:$0x0] =	wrdreg $0x60  }
0xae: {  	[dreg:$0x2] =	wrdreg s24  }
0xaf: {  	[dreg:$0x3] =	wrdreg $0xF6000  }
0xb0: {  	[dreg:$0x4] =	wrdreg $0xA  }
0xb1: {  	_ =	task.clear_ibuf [dreg:s6], $0x5FFFF;
	_ =	strace $0x90000049  }
0xb2: {  	s29 =	simm.s32 $0xA;
	_ =	strace $0x8000004B  }
0xb3: {  	_ =	swait.ge [sflag:s29], $0x1  }
0xb4: {  	[sflag:s29] =	ssyncadd.s32 $0xFFFFFFFF  }
0xb5: {  	_ =	strace $0x9000004B  }
0xb6: {  	_ =	sfence  }
0xb7: {  	s30 =	sld [smem:$0x0];
	_ =	sdelay $0x2  }
0xb8: {  	s31 =	sshll.u32 s1, $0xD;
	s1 =	sshrl.u32 s1, $0x2  }
0xb9: {  	s3 =	sand.u32 $0x4000, s31;
	s1 =	sadd.s32 s1, s30  }
0xba: {  	s0 =	sor.u32 s3, s0;
	s1 =	sshll.u32 s1, $0x11  }
0xbb: {  	s0 =	sor.u32 s1, s0  }
0xbc: {  	s0 =	sadd.s32 $0x8F2B, s0  }
0xbd: {  	[sflag:s0] =	ssyncadd.remote.s32 $0x1  }
0xbe: {  	_ =	sfence.sel $0xFFFF  }
0xbf: {  	[dreg:$0x0] =	wrdreg $0xFFFFFFFF;
	(pc) =	sbr.abs _section_cstart, $3  }
0xc0: {  	[dreg:$0x1] =	wrdreg $0xFFFFFFFF  }
0xc1: {  	_ =	task.clear_ibuf [dreg:s6], $0x2FFFF;
	_ =	strace $0x9FFFFFFF  }
0xc2: {  	(tm) =	ssettm $0x7FFFFFFF  }
0xc3: {  	_ =	shalt  }
tec
execute0_lowered:
.L_overlay_start_1:
0x0: {  	(tag) =	ssettag $0x1  }
0x1: {  	s0 =	rddreg [dreg:$0x0]  }
0x2: {  	s2 =	rddreg [dreg:$0x1];
	s8 =	stileid.u32  }
0x3: {  	s1 =	srdreg.scid;
	s3 =	smul.u32 $0x1A, s8  }
0x4: {  	s5 =	simm.s32 $0x0;
	s28 =	simm.s32 $0x80;
	s4 =	smul.u32 $0x86, s8  }
0x5: {  	s30 =	simm.s32 $0x1;
	s31 =	simm.s32 $0xA600;
	s23 =	smul.u32 $0x28000, s8  }
0x6: {  	s1 =	sand.u32 $0x1, s1;
	[smem:$0x7FF] =	sst s5;
	s8 =	smul.u32 $0xA000, s8  }
0x7: {  	p0 =	seq.s32 s1, $0x0;
	_ =	strace $0x8000004A;
	s6 =	ssub.s32 $0x2, s1  }
0x8: {  	s1 =	smul.u32 $0xA0000, s1;
	s3 =	sadd.s32 $0x860, s3;
	s7 =	sshrl.u32 s6, $0x1  }
0x9: {  	s5 =	sshrl.u32 s23, $0x2;
	s24 =	sadd.s32 s8, s2;
	s29 =	sadd.s32 $0x5000, s8  }
0xa: {  	s3 =	smov.u32 @p0 s4;
	s4 =	sadd.s32 $0xB4200, s0;
	s7 =	ssub.s32 s6, s7  }
0xb: {  	s5 =	sadd.s32 s5, s2;
	s6 =	simm.s32 $0x43;
	[dreg:$0x5] =	wrdreg s24  }
0xc: {  	s26 =	sadd.s32 s1, s8;
	s1 =	sadd.s32 s1, s29;
	s22 =	sadd.s32 s29, s2  }
0xd: {  	s24 =	simm.s32 $0x8600;
	s3 =	sshll.u32 s3, $0x4;
	s6 =	simm.s32 @!p0 $0xD  }
0xe: {  	s25 =	smax.u32 s7, $0x1;
	s12 =	sadd.s32 $0x1000, s5;
	s13 =	sadd.s32 $0x2000, s5  }
0xf: {  	s14 =	sadd.s32 $0x3000, s5;
	s15 =	sadd.s32 $0x4000, s5;
	s16 =	sadd.s32 $0x5000, s5  }
0x10: {  	s17 =	sadd.s32 $0x6000, s5;
	s18 =	sadd.s32 $0x7000, s5;
	s19 =	sadd.s32 $0x8000, s5  }
0x11: {  	s20 =	sadd.s32 $0x9000, s5;
	s1 =	sshrl.u32 s1, $0x3;
	s3 =	sadd.s32 s3, s0  }
0x12: {  	s0 =	sadd.s32 $0xD000, s0;
	[dreg:$0x6] =	wrdreg s25;
	s25 =	simm.s32 $0x3  }
0x13: {  	s9 =	sadd.s32 $0x5C000, s3;
	s3 =	sadd.s32 $0x3000, s3;
	s23 =	sadd.s32 s0, s1  }
0x14: {  	s1 =	simm.s32 $0x0;
	[dreg:$0x4] =	wrdreg s3;
	s3 =	sshrl.u32 s26, $0x3  }
0x15: {  	v0 =	vimm.f32 $0.0e+00;
	[dreg:$0x3] =	wrdreg s9;
	s9 =	sadd.s32 $0xFFFFFFFF, s6;
	s21 =	sadd.s32 s0, s3  }
.LBB2_1:
0x16: {  	s0 =	simm.s32 $0x80;
	s3 =	simm.s32 $0x0  }
.LBB2_2:
0x17: {  	p0 =	sne.s32 s0, $0x3F80;
	[tilespmem:s3+$0x8600] =	vst v0;
	s7 =	smov.u32 s0;
	s0 =	sadd.s32 $0x80, s0  }
.Ltmp0:
0x18: {  	[tilespmem:s3+$0x8610] =	vst v0;
	(pc) =	sbr.rel @p0 .LBB2_2-.Ltmp0, $2  }
0x19: {  	_ =	sdelay $0x2  }
0x1a: {  	s3 =	sshra.s32 s7, $0x2  }
0x1b: {  	[tilespmem:s3+$0x8600] =	vst v0  }
0x1c: {  	[tilespmem:s3+$0x8610] =	vst v0  }
0x1d: {  	[spmem:s5] =	stream.linear.scatter [tilespmem:s24], [sflag:$0x3], $0x1000, $0x38;
	[tilespmem:$0x19600] =	vst v63  }
0x1e: {  	_ =	swait.ge [sflag:s25], $0x1000  }
0x1f: {  	[sflag:s25] =	ssyncset.done $0x0  }
0x20: {  	[sflag:s25] =	ssyncadd.s32 $0xFFFFF000  }
0x21: {  	[spmem:s12] =	stream.linear.scatter [tilespmem:s24], [sflag:$0x3], $0x1000, $0x38;
	[tilespmem:$0x19600] =	vst v63  }
0x22: {  	_ =	swait.ge [sflag:s25], $0x1000  }
0x23: {  	[sflag:s25] =	ssyncset.done $0x0  }
0x24: {  	[sflag:s25] =	ssyncadd.s32 $0xFFFFF000  }
0x25: {  	[spmem:s13] =	stream.linear.scatter [tilespmem:s24], [sflag:$0x3], $0x1000, $0x38;
	[tilespmem:$0x19600] =	vst v63  }
0x26: {  	_ =	swait.ge [sflag:s25], $0x1000  }
0x27: {  	[sflag:s25] =	ssyncset.done $0x0  }
0x28: {  	[sflag:s25] =	ssyncadd.s32 $0xFFFFF000  }
0x29: {  	[spmem:s14] =	stream.linear.scatter [tilespmem:s24], [sflag:$0x3], $0x1000, $0x38;
	[tilespmem:$0x19600] =	vst v63  }
0x2a: {  	_ =	swait.ge [sflag:s25], $0x1000  }
0x2b: {  	[sflag:s25] =	ssyncset.done $0x0  }
0x2c: {  	[sflag:s25] =	ssyncadd.s32 $0xFFFFF000  }
0x2d: {  	[spmem:s15] =	stream.linear.scatter [tilespmem:s24], [sflag:$0x3], $0x1000, $0x38;
	[tilespmem:$0x19600] =	vst v63  }
0x2e: {  	_ =	swait.ge [sflag:s25], $0x1000  }
0x2f: {  	[sflag:s25] =	ssyncset.done $0x0  }
0x30: {  	[sflag:s25] =	ssyncadd.s32 $0xFFFFF000  }
0x31: {  	[spmem:s16] =	stream.linear.scatter [tilespmem:s24], [sflag:$0x3], $0x1000, $0x38;
	[tilespmem:$0x19600] =	vst v63  }
0x32: {  	_ =	swait.ge [sflag:s25], $0x1000  }
0x33: {  	[sflag:s25] =	ssyncset.done $0x0  }
0x34: {  	[sflag:s25] =	ssyncadd.s32 $0xFFFFF000  }
0x35: {  	[spmem:s17] =	stream.linear.scatter [tilespmem:s24], [sflag:$0x3], $0x1000, $0x38;
	[tilespmem:$0x19600] =	vst v63  }
0x36: {  	_ =	swait.ge [sflag:s25], $0x1000  }
0x37: {  	[sflag:s25] =	ssyncset.done $0x0  }
0x38: {  	[sflag:s25] =	ssyncadd.s32 $0xFFFFF000  }
0x39: {  	[spmem:s18] =	stream.linear.scatter [tilespmem:s24], [sflag:$0x3], $0x1000, $0x38;
	[tilespmem:$0x19600] =	vst v63  }
0x3a: {  	_ =	swait.ge [sflag:s25], $0x1000  }
0x3b: {  	[sflag:s25] =	ssyncset.done $0x0  }
0x3c: {  	[sflag:s25] =	ssyncadd.s32 $0xFFFFF000  }
0x3d: {  	[spmem:s19] =	stream.linear.scatter [tilespmem:s24], [sflag:$0x3], $0x1000, $0x38;
	[tilespmem:$0x19600] =	vst v63  }
0x3e: {  	_ =	swait.ge [sflag:s25], $0x1000  }
0x3f: {  	[sflag:s25] =	ssyncset.done $0x0  }
0x40: {  	[sflag:s25] =	ssyncadd.s32 $0xFFFFF000  }
0x41: {  	[spmem:s20] =	stream.linear.scatter [tilespmem:s24], [sflag:$0x3], $0x1000, $0x38;
	[tilespmem:$0x19600] =	vst v63  }
0x42: {  	_ =	swait.ge [sflag:s25], $0x1000  }
0x43: {  	[sflag:s25] =	ssyncset.done $0x0  }
0x44: {  	s0 =	simm.s32 $0x0;
	s8 =	rddreg [dreg:$0x3];
	[sflag:s25] =	ssyncadd.s32 $0xFFFFF000  }
0x45: {  	[tilespmem:s0], [sflag:$0x3] =	stream.linear.gather [hbm4b:s8+s0], $0x4300, $0x38;
	[tilespmem:$0x19600] =	vst v63  }
0x46: {  	_ =	swait.ge [sflag:s25], $0x4300  }
0x47: {  	[sflag:s25] =	ssyncset.done $0x0  }
0x48: {  	s7 =	simm.s32 $0x4300;
	s10 =	rddreg [dreg:$0x4];
	[sflag:s25] =	ssyncadd.s32 $0xFFFFBD00  }
0x49: {  	[tilespmem:s7], [sflag:$0x3] =	stream.linear.gather [hbm4b:s10+s0], $0x4300, $0x38;
	[tilespmem:$0x19600] =	vst v63  }
0x4a: {  	_ =	swait.ge [sflag:s25], $0x4300  }
0x4b: {  	[sflag:s25] =	ssyncset.done $0x0  }
0x4c: {  	[sflag:s25] =	ssyncadd.s32 $0xFFFFBD00  }
0x4d: {  	[bflag:$0x0] =	sbarrier.arrive $0xFFFF  }
0x4e: {  	[tilespmem:s24], [sflag:$0x1] =	stream.indirect.gather [hbm4b:s4+s28], $0x20, s0, s28, $0xb8;
	[tilespmem:$0x19600] =	vst v63  }
0x4f: {  	s11 =	simm.s32 $0x9600  }
0x50: {  	[tilespmem:s11], [sflag:$0x2] =	stream.indirect.gather [hbm4b:s4+s28], $0x20, s28, s28, $0xb8;
	[tilespmem:$0x19600] =	vst v63  }
0x51: {  	_ =	swait.ge [sflag:s30], $0x1000  }
0x52: {  	[sflag:s30] =	ssyncset.done $0x0  }
0x53: {  	s26 =	simm.s32 $0x4300;
	[sflag:s30] =	ssyncadd.s32 $0xFFFFF000  }
0x54: {  	[spmem:s2] =	stream.indirect.scatter.add.f32 [tilespmem:s24], [sflag:$0x3], $0x20, s26, s28, $0xb8;
	[tilespmem:$0x19600] =	vst v63  }
0x55: {  	_ =	swait.ge [sflag:s25], $0x1000  }
0x56: {  	p0 =	sle.u32 s9, $0x0;
	[sflag:s25] =	ssyncset.done $0x0  }
0x57: {  	s0 =	simm.s32 @p0 $0x2;
	[sflag:s25] =	ssyncadd.s32 $0xFFFFF000  }
0x58: {  	_ =	swait.ge @p0 [sflag:s0], $0x1000  }
0x59: {  	s3 =	simm.s32 $0x4380;
	s8 =	simm.s32 @p0 $0x9600;
	[sflag:s0] =	ssyncset.done @p0 $0x0  }
0x5a: {  	s7 =	simm.s32 @p0 $0x3;
	[sflag:s0] =	ssyncadd.s32 @p0 $0xFFFFF000;
	s0 =	simm.s32 @p0 $0x80  }
0x5b: {  	[spmem:s2] =	stream.indirect.scatter.add.f32 @p0 [tilespmem:s8], [sflag:$0x3], $0x20, s3, s0, $0xb8;
	[tilespmem:$0x19600] =	vst v63  }
0x5c: {  	_ =	swait.ge @p0 [sflag:s7], $0x1000  }
0x5d: {  	s26 =	simm.s32 @!p0 $0x100;
	s0 =	simm.s32 @!p0 $0x8600;
	[sflag:s7] =	ssyncset.done @p0 $0x0  }
0x5e: {  	s8 =	simm.s32 @!p0 $0x2;
	[sflag:s7] =	ssyncadd.s32 @p0 $0xFFFFF000;
	s7 =	simm.s32 @!p0 $0x80  }
0x5f: {  	[tilespmem:s0], [sflag:$0x1] =	stream.indirect.gather @!p0 [hbm4b:s4+s7], $0x20, s26, s7, $0xb8;
	[tilespmem:$0x19600] =	vst v63  }
0x60: {  	_ =	swait.ge @!p0 [sflag:s8], $0x1000  }
0x61: {  	p1 =	sne.s32 s6, $0x1;
	s26 =	simm.s32 @!p0 $0x3;
	[sflag:s8] =	ssyncset.done @!p0 $0x0  }
.Ltmp1:
0x62: {  	[sflag:s8] =	ssyncadd.s32 @!p0 $0xFFFFF000;
	s8 =	simm.s32 @!p0 $0x9600;
	(pc) =	sbr.rel @!p1 .LBB2_5-.Ltmp1, $4  }
0x63: {  	[spmem:s2] =	stream.indirect.scatter.add.f32 @!p0 [tilespmem:s8], [sflag:$0x3], $0x20, s3, s7, $0xb8;
	[tilespmem:$0x19600] =	vst v63  }
0x64: {  	_ =	swait.ge @!p0 [sflag:s26], $0x1000  }
0x65: {  	s29 =	simm.s32 $0x180;
	s0 =	simm.s32 $0x1;
	[sflag:s26] =	ssyncset.done @!p0 $0x0  }
0x66: {  	s3 =	simm.s32 $0x4480;
	[sflag:s26] =	ssyncadd.s32 @!p0 $0xFFFFF000;
	s26 =	simm.s32 $0x280  }
.LBB2_4:
0x67: {  	[tilespmem:s8], [sflag:$0x2] =	stream.indirect.gather @!p0 [hbm4b:s4+s7], $0x20, s29, s7, $0xb8;
	[tilespmem:$0x19600] =	vst v63  }
0x68: {  	s7 =	smov.u32 s0;
	s0 =	sadd.s32 $0x1, s0;
	_ =	swait.ge [sflag:s30], $0x1000  }
0x69: {  	s29 =	smov.u32 s26;
	p1 =	sne.s32 s6, s0;
	[sflag:s30] =	ssyncset.done $0x0  }
0x6a: {  	s8 =	sadd.s32 $0xFFFFFF80, s3;
	[sflag:s30] =	ssyncadd.s32 $0xFFFFF000  }
0x6b: {  	[spmem:s2] =	stream.indirect.scatter.add.f32 [tilespmem:s24], [sflag:$0x3], $0x20, s8, s28, $0xb8;
	[tilespmem:$0x19600] =	vst v63  }
0x6c: {  	_ =	swait.ge [sflag:s25], $0x1000  }
0x6d: {  	p0 =	sge.u32 s7, s9;
	[sflag:s25] =	ssyncset.done $0x0  }
0x6e: {  	s7 =	simm.s32 @p0 $0x2;
	[sflag:s25] =	ssyncadd.s32 $0xFFFFF000  }
0x6f: {  	_ =	swait.ge @p0 [sflag:s7], $0x1000  }
0x70: {  	s8 =	simm.s32 @p0 $0x3;
	[sflag:s7] =	ssyncset.done @p0 $0x0  }
0x71: {  	s10 =	simm.s32 @p0 $0x9600;
	[sflag:s7] =	ssyncadd.s32 @p0 $0xFFFFF000;
	s7 =	simm.s32 @p0 $0x80  }
0x72: {  	[spmem:s2] =	stream.indirect.scatter.add.f32 @p0 [tilespmem:s10], [sflag:$0x3], $0x20, s3, s7, $0xb8;
	[tilespmem:$0x19600] =	vst v63  }
0x73: {  	_ =	swait.ge @p0 [sflag:s8], $0x1000  }
0x74: {  	s11 =	simm.s32 @!p0 $0x2;
	s10 =	simm.s32 @!p0 $0x8600;
	[sflag:s8] =	ssyncset.done @p0 $0x0  }
0x75: {  	s7 =	simm.s32 @!p0 $0x80;
	[sflag:s8] =	ssyncadd.s32 @p0 $0xFFFFF000;
	s8 =	sadd.s32 @!p0 $0xFFFFFF80, s26  }
0x76: {  	[tilespmem:s10], [sflag:$0x1] =	stream.indirect.gather @!p0 [hbm4b:s4+s7], $0x20, s8, s7, $0xb8;
	[tilespmem:$0x19600] =	vst v63  }
0x77: {  	_ =	swait.ge @!p0 [sflag:s11], $0x1000  }
0x78: {  	s10 =	simm.s32 @!p0 $0x3;
	[sflag:s11] =	ssyncset.done @!p0 $0x0  }
.Ltmp2:
0x79: {  	s8 =	simm.s32 @!p0 $0x9600;
	[sflag:s11] =	ssyncadd.s32 @!p0 $0xFFFFF000;
	(pc) =	sbr.rel @p1 .LBB2_4-.Ltmp2, $4  }
0x7a: {  	[spmem:s2] =	stream.indirect.scatter.add.f32 @!p0 [tilespmem:s8], [sflag:$0x3], $0x20, s3, s7, $0xb8;
	[tilespmem:$0x19600] =	vst v63  }
0x7b: {  	_ =	swait.ge @!p0 [sflag:s10], $0x1000  }
0x7c: {  	[sflag:s10] =	ssyncset.done @!p0 $0x0  }
0x7d: {  	s26 =	sadd.s32 $0x100, s26;
	s3 =	sadd.s32 $0x100, s3;
	[sflag:s10] =	ssyncadd.s32 @!p0 $0xFFFFF000  }
.LBB2_5:
0x7e: {  	[tilespmem:s8], [sflag:$0x2] =	stream.indirect.gather @!p0 [hbm4b:s4+s7], $0x20, s29, s7, $0xb8;
	[tilespmem:$0x19600] =	vst v63  }
0x7f: {  	[bflag:$0x0] =	sbarrier.arrive $0xFFFF  }
0x80: {  	s0 =	rddreg [dreg:$0x5]  }
0x81: {  	[tilespmem:s31], [sflag:$0x3] =	stream.linear.gather [spmem:s0], $0x5000, $0x38;
	[tilespmem:$0x19600] =	vst v63  }
0x82: {  	_ =	swait.ge [sflag:s25], $0x5000  }
0x83: {  	[sflag:s25] =	ssyncset.done $0x0  }
0x84: {  	s26 =	simm.s32 $0x0;
	[sflag:s25] =	ssyncadd.s32 $0xFFFFB000  }
0x85: {  	[hbm4b:s21+s26] =	stream.linear.scatter [tilespmem:s31], [sflag:$0x3], $0x5000, $0x38;
	[tilespmem:$0x19600] =	vst v63  }
0x86: {  	_ =	swait.ge [sflag:s25], $0x5000  }
0x87: {  	[sflag:s25] =	ssyncset.done $0x0  }
0x88: {  	[sflag:s25] =	ssyncadd.s32 $0xFFFFB000  }
0x89: {  	[tilespmem:s31], [sflag:$0x3] =	stream.linear.gather [spmem:s22], $0x5000, $0x38;
	[tilespmem:$0x19600] =	vst v63  }
0x8a: {  	_ =	swait.ge [sflag:s25], $0x5000  }
0x8b: {  	[sflag:s25] =	ssyncset.done $0x0  }
0x8c: {  	[sflag:s25] =	ssyncadd.s32 $0xFFFFB000  }
0x8d: {  	[hbm4b:s23+s26] =	stream.linear.scatter [tilespmem:s31], [sflag:$0x3], $0x5000, $0x38;
	[tilespmem:$0x19600] =	vst v63  }
0x8e: {  	_ =	swait.ge [sflag:s25], $0x5000  }
0x8f: {  	s1 =	sadd.s32 $0x1, s1;
	s29 =	rddreg [dreg:$0x6]  }
0x90: {  	p0 =	sne.s32 s1, s29  }
.Ltmp3:
0x91: {  	_ = 	snop;
	(pc) =	sbr.rel @p0 .LBB2_1-.Ltmp3, $3  }
0x92: {  	_ =	sdelay $0x1  }
0x93: {  	[sflag:s25] =	ssyncset.done $0x0  }
0x94: {  	[sflag:s25] =	ssyncadd.s32 $0xFFFFB000  }
0x95: {  	_ =	sfence.sel $0x180000  }
0x96: {  	[bflag:$0x0] =	sbarrier.arrive $0xFFFF  }
0x97: {  	_ =	strace $0x9000004A  }
0x98: {  	s0 =	stileid.u32;
	[bflag:$0x2] =	sbarrier.arrive $0xFFFF  }
0x99: {  	p0 =	sne.s32 s0, $0x0;
	s0 =	rddreg [dreg:$0x2]  }
0x9a: {  	s0 =	sadd.s32 @!p0 $0x100000, s0  }
0x9b: {  	[sflag:s0] =	ssyncadd.tile.s32 @!p0 $0x1;
	_ =	shalt  }
.Lfunc_end2:
_tile_overlayer_lowered:
.L_overlay_start_2:
0x9c: {  	(tag) =	ssettag $0x2  }
0x9d: {  	s0 =	rddreg [dreg:$0x0];
	s2 =	stileid.u32  }
0x9e: {  	s1 =	rddreg [dreg:$0x1];
	p0 =	sne.s32 s2, $0x0  }
0x9f: {  	s3 =	rddreg [dreg:$0x2];
	[bflag:$0x3] =	sbarrier.arrive $0xFFFF;
	s2 =	simm.s32 @!p0 $0x1C03  }
0xa0: {  	[timem:s3], [sflag:s2] =	dma.local @!p0 [hbm:s0], s1  }
0xa1: {  	s0 =	simm.s32 @!p0 $0x3  }
0xa2: {  	_ =	swait.ge @!p0 [sflag:s0], s1  }
0xa3: {  	s1 =	ssub.s32 @!p0 $0x0, s1;
	[sflag:s0] =	ssyncset.done @!p0 $0x0  }
0xa4: {  	[sflag:s0] =	ssyncadd.s32 @!p0 s1  }
0xa5: {  	[bflag:$0x3] =	sbarrier.arrive $0xFFFF  }
0xa6: {  	_ =	shalt  }

// kernel: kernel.19.cloned.1.call-start
scs
__scs_entry_jumppad:
0x0: {  	(pc) =	sbr.rel $0x88, $3  }
0x1: {  	(tag) =	ssettag $0x0;
	lr =	simm.s32 $0x1  }
0x2: {  	[smem:$0x3F9B] =	sst lr;
	_ =	strace $0xD0000000  }
0x3: {  	_ = 	snop  }
0x4: {  	_ = 	snop  }
0x5: {  	_ = 	snop  }
0x6: {  	_ = 	snop  }
0x7: {  	_ = 	snop  }
__scs_overlays_trampoline_lowered:
0x8: {  	[smem:$0x3FAA] =	sst s0  }
0x9: {  	[smem:$0x3FAB] =	sst s1  }
0xa: {  	[smem:$0x3FAC] =	sst s2  }
0xb: {  	[smem:$0x3FAD] =	sst s3  }
0xc: {  	[smem:$0x3FAE] =	sst s4  }
0xd: {  	[smem:$0x3FAF] =	sst s5  }
0xe: {  	[smem:$0x3FB0] =	sst s6  }
0xf: {  	[smem:$0x3FB1] =	sst s7  }
0x10: {  	[smem:$0x3FB2] =	sst s8  }
0x11: {  	[smem:$0x3FB3] =	sst s9;
	s0 =	simm.s32 @!p0 $0x0  }
0x12: {  	s1 =	sld [smem:$0x3F99];
	s0 =	simm.s32 @p0 $0x1  }
0x13: {  	[smem:$0x3FB4] =	sst s0;
	s0 =	simm.s32 @!p1 $0x0  }
0x14: {  	s2 =	sld [smem:$0x3F98];
	s0 =	simm.s32 @p1 $0x1  }
0x15: {  	[smem:$0x3FB5] =	sst s0;
	s0 =	simm.s32 @!p2 $0x0  }
0x16: {  	s3 =	sld [smem:$0x3FDB];
	s0 =	simm.s32 @p2 $0x1  }
0x17: {  	s4 =	simm.s32 $0x1BF5;
	[smem:$0x3FB7] =	sst s0  }
0x18: {  	s0 =	sld [smem:$0x3F9A];
	_ =	swait.ge [sflag:s4], $0x0  }
0x19: {  	s7 =	sld [smem:$0x3F9B]  }
0x1a: {  	s8 =	sadd.s32 $0xFFFFE003, lr  }
0x1b: {  	s9 =	sadd.s32 $0xFFFFFEF7, lr;
	s5 =	simm.s32 $0xFFFFFFFF;
	p2 =	slt.u32 s8, $0xFFFFF086  }
0x1c: {  	p1 =	slt.u32 s9, $0xF7A;
	s5 =	simm.s32 @!p2 $0x0  }
0x1d: {  	s5 =	simm.s32 @p1 $0x1;
	p0 =	seq.s32 s7, s2  }
0x1e: {  	s7 =	smul.u32 @!p0 $0xF7A, s2;
	p2 =	seq.s32 @!p0 s5, $0x0  }
0x1f: {  	s9 =	smul.u32 $0xF7A, s1;
	s8 =	simm.s32 @!p0 $0x1BF5;
	p2 =	por !p2, p0  }
0x20: {  	[sflag:s8] =	ssyncset.s32 @!p0 $0xFFFFF086;
	s6 =	sadd.s32 @!p0 s3, s7;
	s7 =	simm.s32 @!p0 $0x108  }
0x21: {  	s3 =	sadd.s32 s3, s9;
	s6 =	sadd.s32 @!p0 $0x88, s6;
	s7 =	simm.s32 @p2 $0x1082  }
0x22: {  	[simem:s7], [sflag:s8] =	dma.local @!p0 [hbm:s6], $0xF7A  }
0x23: {  	s9 =	sor.u32 $0xD0000000, s2;
	s6 =	simm.s32 $0x108;
	_ =	swait.ge @!p0 [sflag:s8], $0x0  }
0x24: {  	s3 =	sadd.s32 $0x88, s3;
	s6 =	simm.s32 @!p1 $0x1082;
	[sflag:s4] =	ssyncset.s32 $0xFFFFF086  }
0x25: {  	[simem:s6], [sflag:s4] =	dma.local [hbm:s3], $0xF7A  }
0x26: {  	[smem:$0x3F9B] =	sst s1;
	(tag) =	ssettag s2;
	_ =	strace s9  }
0x27: {  	s1 =	sld [smem:$0x3FAB]  }
0x28: {  	s2 =	sld [smem:$0x3FAC]  }
0x29: {  	s4 =	sld [smem:$0x3FAE]  }
0x2a: {  	p0 =	seq.s32 s5, $0x0;
	s5 =	sld [smem:$0x3FAF]  }
0x2b: {  	s6 =	sld [smem:$0x3FB0]  }
0x2c: {  	s7 =	sld [smem:$0x3FB1]  }
0x2d: {  	s3 =	simm.s32 $0x108;
	s8 =	sld [smem:$0x3FB2]  }
0x2e: {  	s3 =	simm.s32 @!p0 $0x1082;
	s9 =	sld [smem:$0x3FB3]  }
0x2f: {  	lr =	sadd.s32 s0, s3;
	s0 =	sld [smem:$0x3FAA]  }
0x30: {  	s3 =	sld [smem:$0x3FAD]  }
0x31: {  	[smem:$0x3FB6] =	sst s10  }
0x32: {  	s10 =	sld [smem:$0x3FB4];
	_ =	sdelay $0x3  }
0x33: {  	p0 =	seq.s32 s10, $0x1;
	s10 =	sld [smem:$0x3FB6];
	_ =	sdelay $0x3  }
0x34: {  	[smem:$0x3FB6] =	sst s10  }
0x35: {  	s10 =	sld [smem:$0x3FB5];
	_ =	sdelay $0x3  }
0x36: {  	p1 =	seq.s32 s10, $0x1;
	s10 =	sld [smem:$0x3FB6];
	_ =	sdelay $0x3  }
0x37: {  	[smem:$0x3FB6] =	sst s10  }
0x38: {  	s10 =	sld [smem:$0x3FB7]  }
0x39: {  	_ = 	snop;
	(pc) =	sbr.ind lr, $3  }
0x3a: {  	_ = 	snop  }
0x3b: {  	_ = 	snop  }
0x3c: {  	p2 =	seq.s32 s10, $0x1;
	s10 =	sld [smem:$0x3FB6]  }
0x3d: {  	_ =	shalt  }
0x3e: {  	_ =	shalt  }
0x3f: {  	_ =	shalt  }
0x40: {  	_ =	shalt  }
0x41: {  	_ =	shalt  }
0x42: {  	_ =	shalt  }
0x43: {  	_ =	shalt  }
0x44: {  	_ =	shalt  }
0x45: {  	_ =	shalt  }
0x46: {  	_ =	shalt  }
0x47: {  	_ =	shalt  }
0x48: {  	_ =	shalt  }
0x49: {  	_ =	shalt  }
0x4a: {  	_ =	shalt  }
0x4b: {  	_ =	shalt  }
0x4c: {  	_ =	shalt  }
0x4d: {  	_ =	shalt  }
0x4e: {  	_ =	shalt  }
0x4f: {  	_ =	shalt  }
0x50: {  	_ =	shalt  }
0x51: {  	_ =	shalt  }
0x52: {  	_ =	shalt  }
0x53: {  	_ =	shalt  }
0x54: {  	_ =	shalt  }
0x55: {  	_ =	shalt  }
0x56: {  	_ =	shalt  }
0x57: {  	_ =	shalt  }
0x58: {  	_ =	shalt  }
0x59: {  	_ =	shalt  }
0x5a: {  	_ =	shalt  }
0x5b: {  	_ =	shalt  }
0x5c: {  	_ =	shalt  }
0x5d: {  	_ =	shalt  }
0x5e: {  	_ =	shalt  }
0x5f: {  	_ =	shalt  }
0x60: {  	_ =	shalt  }
0x61: {  	_ =	shalt  }
0x62: {  	_ =	shalt  }
0x63: {  	_ =	shalt  }
0x64: {  	_ =	shalt  }
0x65: {  	_ =	shalt  }
0x66: {  	_ =	shalt  }
0x67: {  	_ =	shalt  }
0x68: {  	_ =	shalt  }
0x69: {  	_ =	shalt  }
0x6a: {  	_ =	shalt  }
0x6b: {  	_ =	shalt  }
0x6c: {  	_ =	shalt  }
0x6d: {  	_ =	shalt  }
0x6e: {  	_ =	shalt  }
0x6f: {  	_ =	shalt  }
0x70: {  	_ =	shalt  }
0x71: {  	_ =	shalt  }
0x72: {  	_ =	shalt  }
0x73: {  	_ =	shalt  }
0x74: {  	_ =	shalt  }
0x75: {  	_ =	shalt  }
0x76: {  	_ =	shalt  }
0x77: {  	_ =	shalt  }
0x78: {  	_ =	shalt  }
0x79: {  	_ =	shalt  }
0x7a: {  	_ =	shalt  }
0x7b: {  	_ =	shalt  }
0x7c: {  	_ =	shalt  }
0x7d: {  	_ =	shalt  }
0x7e: {  	_ =	shalt  }
0x7f: {  	_ =	shalt  }
0x80: {  	_ =	shalt  }
0x81: {  	_ =	shalt  }
0x82: {  	_ =	shalt  }
0x83: {  	_ =	shalt  }
0x84: {  	_ =	shalt  }
0x85: {  	_ =	shalt  }
0x86: {  	_ =	shalt  }
0x87: {  	_ =	shalt  }
.Lfunc_end0:
.L_simem_size_0:
called_computation.3_lowered:
.L_overlay_start_0:
0x88: {  	s2 =	sld [smem:$0x3FD9]  }
0x89: {  	s3 =	sld [smem:$0x3FFE];
	_ =	sdelay $0x1  }
0x8a: {  	s1 =	srdreg.scid  }
0x8b: {  	s0 =	sand.u32 $0x1, s1  }
0x8c: {  	s17 =	sshll.u32 s0, $0xA;
	s2 =	sadd.s32 s3, s2  }
0x8d: {  	s2 =	sadd.s32 s2, s17  }
0x8e: {  	[smem:$0x3FC2] =	sst s2  }
0x8f: {  	_ = 	snop  }
0x90: {  	s2 =	sld [smem:$0x3FD0];
	(tm) =	ssettm $0x1  }
0x91: {  	s18 =	sld [smem:$0x3FFB];
	_ =	sdelay $0x3  }
0x92: {  	_ =	strace s18  }
0x93: {  	s3 =	sld [smem:$0x3FFC];
	_ =	sdelay $0x3  }
0x94: {  	_ =	strace s3  }
0x95: {  	s3 =	sld [smem:$0x3FFD];
	_ =	sdelay $0x3  }
0x96: {  	_ =	strace s3  }
0x97: {  	_ =	strace $0x8FFFFFFF  }
0x98: {  	s19 =	sld [smem:$0x3FDB];
	_ =	sdelay $0x1  }
0x99: {  	s4 =	simm.s32 $_scs_section_size  }
0x9a: {  	s5 =	simm.s32 $_size__tile_overlayer_lowered;
	s6 =	simm.s32 $_tile_overlayer_lowered  }
0x9b: {  	s22 =	simm.s32 $0x1BFF;
	s21 =	sshll.u32 s6, $0x1;
	s3 =	sadd.s32 s4, s19  }
0x9c: {  	s7 =	simm.s32 $0x0;
	s20 =	sshll.u32 s5, $0x1;
	s5 =	sadd.s32 s21, s3  }
0x9d: {  	[timem:s7], [sflag:s22] =	dma.local [hbm:s5], s20  }
0x9e: {  	_ =	swait.ge [sflag:s22], s20  }
0x9f: {  	s4 =	ssub.s32 $0x0, s20;
	[sflag:s22] =	ssyncset.done $0x0  }
0xa0: {  	[sflag:s22] =	ssyncadd.s32 s4;
	_ =	sdelay $0x1  }
0xa1: {  	s23 =	simm.s32 $0x1B8B  }
0xa2: {  	_ =	swait.ge [sflag:s23], $0x1  }
0xa3: {  	[sflag:s23] =	ssyncset.done $0x0  }
0xa4: {  	s25 =	simm.s32 $0x1B8E;
	s24 =	sld [smem:$0x3FFE];
	[sflag:s23] =	ssyncadd.s32 $0xFFFFFFFF  }
0xa5: {  	s26 =	simm.s32 $execute0_lowered;
	[smem:$0x3FD2] =	sst s25  }
0xa6: {  	s5 =	sshll.u32 s26, $0x1;
	_ =	strace $0x8000004F;
	[dreg:$0x1] =	wrdreg $0xFFFFFFFF  }
0xa7: {  	s28 =	simm.s32 $_size_execute0_lowered;
	s3 =	sadd.s32 s3, s5;
	[dreg:$0x0] =	wrdreg $0x0  }
0xa8: {  	s5 =	sshll.u32 s28, $0x1;
	[dreg:$0x2] =	wrdreg s3  }
0xa9: {  	[dreg:$0x3] =	wrdreg s5  }
0xaa: {  	[dreg:$0x4] =	wrdreg $0xC0  }
0xab: {  	_ =	task [dreg:s7], $0x5FFFF  }
0xac: {  	[dreg:$0x1] =	wrdreg $0xFFFFFFFF  }
0xad: {  	[dreg:$0x0] =	wrdreg $0x60  }
0xae: {  	[dreg:$0x2] =	wrdreg s2  }
0xaf: {  	[dreg:$0x3] =	wrdreg s24  }
0xb0: {  	[dreg:$0x4] =	wrdreg $0xF6000  }
0xb1: {  	[dreg:$0x5] =	wrdreg $0x9  }
0xb2: {  	_ =	task.clear_ibuf [dreg:s7], $0x6FFFF;
	_ =	strace $0x9000004F  }
0xb3: {  	s29 =	simm.s32 $0x9;
	_ =	strace $0x80000051  }
0xb4: {  	_ =	swait.ge [sflag:s29], $0x1  }
0xb5: {  	[sflag:s29] =	ssyncadd.s32 $0xFFFFFFFF  }
0xb6: {  	_ =	strace $0x90000051  }
0xb7: {  	_ =	sfence  }
0xb8: {  	s30 =	sld [smem:$0x0];
	_ =	sdelay $0x2  }
0xb9: {  	s31 =	sshll.u32 s1, $0xD;
	s1 =	sshrl.u32 s1, $0x2  }
0xba: {  	s3 =	sand.u32 $0x4000, s31;
	s1 =	sadd.s32 s1, s30  }
0xbb: {  	s0 =	sor.u32 s3, s0;
	s1 =	sshll.u32 s1, $0x11  }
0xbc: {  	s0 =	sor.u32 s1, s0  }
0xbd: {  	s0 =	sadd.s32 $0x8F2B, s0  }
0xbe: {  	[sflag:s0] =	ssyncadd.remote.s32 $0x1  }
0xbf: {  	_ =	sfence.sel $0xFFFF  }
0xc0: {  	[dreg:$0x0] =	wrdreg $0xFFFFFFFF;
	(pc) =	sbr.abs _section_cstart, $3  }
0xc1: {  	[dreg:$0x1] =	wrdreg $0xFFFFFFFF  }
0xc2: {  	_ =	task.clear_ibuf [dreg:s7], $0x2FFFF;
	_ =	strace $0x9FFFFFFF  }
0xc3: {  	(tm) =	ssettm $0x7FFFFFFF  }
tec
execute0_lowered:
.L_overlay_start_1:
0x0: {  	(tag) =	ssettag $0x1  }
0x1: {  	s1 =	rddreg [dreg:$0x0]  }
0x2: {  	s8 =	stileid.u32;
	s4 =	rddreg [dreg:$0x1]  }
0x3: {  	s0 =	srdreg.scid;
	s3 =	rddreg [dreg:$0x2]  }
0x4: {  	s6 =	simm.s32 $0x0;
	s28 =	simm.s32 $0x80;
	s2 =	smul.u32 $0x1A, s8  }
0x5: {  	s30 =	simm.s32 $0x1;
	s31 =	simm.s32 $0xA600;
	s5 =	smul.u32 $0x86, s8  }
0x6: {  	s0 =	sand.u32 $0x1, s0;
	[smem:$0x7FF] =	sst s6;
	s22 =	smul.u32 $0x28000, s8  }
0x7: {  	s6 =	simm.s32 $0x43;
	s8 =	smul.u32 $0xA000, s8;
	p0 =	seq.s32 s0, $0x0  }
0x8: {  	_ =	strace $0x80000050;
	s23 =	ssub.s32 $0x2, s0;
	s0 =	smul.u32 $0xA0000, s0  }
0x9: {  	s2 =	sadd.s32 $0x860, s2;
	s7 =	sshrl.u32 s23, $0x1;
	s6 =	simm.s32 @!p0 $0xD  }
0xa: {  	s24 =	sadd.s32 s8, s3;
	s29 =	sadd.s32 $0x5000, s8;
	s2 =	smov.u32 @p0 s5  }
0xb: {  	s5 =	sshrl.u32 s22, $0x2;
	s7 =	ssub.s32 s23, s7;
	[dreg:$0x6] =	wrdreg s24  }
0xc: {  	s26 =	sadd.s32 s0, s8;
	s0 =	sadd.s32 s0, s29;
	s22 =	sadd.s32 s29, s3  }
0xd: {  	s24 =	simm.s32 $0x8600;
	s2 =	sshll.u32 s2, $0x4;
	s5 =	sadd.s32 s5, s3  }
0xe: {  	s25 =	smax.u32 s7, $0x1;
	s0 =	sshrl.u32 s0, $0x3;
	s2 =	sadd.s32 s2, s4  }
0xf: {  	s4 =	sadd.s32 $0xB4200, s4;
	[dreg:$0x7] =	wrdreg s25;
	s12 =	sadd.s32 $0x1000, s5  }
0x10: {  	s13 =	sadd.s32 $0x2000, s5;
	s14 =	sadd.s32 $0x3000, s5;
	s15 =	sadd.s32 $0x4000, s5  }
0x11: {  	s16 =	sadd.s32 $0x5000, s5;
	s17 =	sadd.s32 $0x6000, s5;
	s18 =	sadd.s32 $0x7000, s5  }
0x12: {  	s19 =	sadd.s32 $0x8000, s5;
	s20 =	sadd.s32 $0x9000, s5;
	s9 =	sadd.s32 $0x5C000, s2  }
0x13: {  	s25 =	simm.s32 $0x3;
	s2 =	sadd.s32 $0x3000, s2;
	[dreg:$0x4] =	wrdreg s9  }
0x14: {  	s23 =	sadd.s32 s4, s0;
	[dreg:$0x5] =	wrdreg s2;
	s2 =	sshrl.u32 s26, $0x3  }
0x15: {  	v0 =	vimm.f32 $0.0e+00;
	s9 =	sadd.s32 $0xFFFFFFFF, s6;
	s21 =	sadd.s32 s4, s2;
	s2 =	simm.s32 $0x0  }
.LBB2_1:
0x16: {  	s0 =	simm.s32 $0x80;
	s4 =	simm.s32 $0x0  }
.LBB2_2:
0x17: {  	p0 =	sne.s32 s0, $0x3F80;
	[tilespmem:s4+$0x8600] =	vst v0;
	s7 =	smov.u32 s0;
	s0 =	sadd.s32 $0x80, s0  }
.Ltmp0:
0x18: {  	[tilespmem:s4+$0x8610] =	vst v0;
	(pc) =	sbr.rel @p0 .LBB2_2-.Ltmp0, $2  }
0x19: {  	_ =	sdelay $0x2  }
0x1a: {  	s4 =	sshra.s32 s7, $0x2  }
0x1b: {  	[tilespmem:s4+$0x8600] =	vst v0  }
0x1c: {  	[tilespmem:s4+$0x8610] =	vst v0  }
0x1d: {  	[spmem:s5] =	stream.linear.scatter [tilespmem:s24], [sflag:$0x3], $0x1000, $0x38;
	[tilespmem:$0x19600] =	vst v63  }
0x1e: {  	_ =	swait.ge [sflag:s25], $0x1000  }
0x1f: {  	[sflag:s25] =	ssyncset.done $0x0  }
0x20: {  	[sflag:s25] =	ssyncadd.s32 $0xFFFFF000  }
0x21: {  	[spmem:s12] =	stream.linear.scatter [tilespmem:s24], [sflag:$0x3], $0x1000, $0x38;
	[tilespmem:$0x19600] =	vst v63  }
0x22: {  	_ =	swait.ge [sflag:s25], $0x1000  }
0x23: {  	[sflag:s25] =	ssyncset.done $0x0  }
0x24: {  	[sflag:s25] =	ssyncadd.s32 $0xFFFFF000  }
0x25: {  	[spmem:s13] =	stream.linear.scatter [tilespmem:s24], [sflag:$0x3], $0x1000, $0x38;
	[tilespmem:$0x19600] =	vst v63  }
0x26: {  	_ =	swait.ge [sflag:s25], $0x1000  }
0x27: {  	[sflag:s25] =	ssyncset.done $0x0  }
0x28: {  	[sflag:s25] =	ssyncadd.s32 $0xFFFFF000  }
0x29: {  	[spmem:s14] =	stream.linear.scatter [tilespmem:s24], [sflag:$0x3], $0x1000, $0x38;
	[tilespmem:$0x19600] =	vst v63  }
0x2a: {  	_ =	swait.ge [sflag:s25], $0x1000  }
0x2b: {  	[sflag:s25] =	ssyncset.done $0x0  }
0x2c: {  	[sflag:s25] =	ssyncadd.s32 $0xFFFFF000  }
0x2d: {  	[spmem:s15] =	stream.linear.scatter [tilespmem:s24], [sflag:$0x3], $0x1000, $0x38;
	[tilespmem:$0x19600] =	vst v63  }
0x2e: {  	_ =	swait.ge [sflag:s25], $0x1000  }
0x2f: {  	[sflag:s25] =	ssyncset.done $0x0  }
0x30: {  	[sflag:s25] =	ssyncadd.s32 $0xFFFFF000  }
0x31: {  	[spmem:s16] =	stream.linear.scatter [tilespmem:s24], [sflag:$0x3], $0x1000, $0x38;
	[tilespmem:$0x19600] =	vst v63  }
0x32: {  	_ =	swait.ge [sflag:s25], $0x1000  }
0x33: {  	[sflag:s25] =	ssyncset.done $0x0  }
0x34: {  	[sflag:s25] =	ssyncadd.s32 $0xFFFFF000  }
0x35: {  	[spmem:s17] =	stream.linear.scatter [tilespmem:s24], [sflag:$0x3], $0x1000, $0x38;
	[tilespmem:$0x19600] =	vst v63  }
0x36: {  	_ =	swait.ge [sflag:s25], $0x1000  }
0x37: {  	[sflag:s25] =	ssyncset.done $0x0  }
0x38: {  	[sflag:s25] =	ssyncadd.s32 $0xFFFFF000  }
0x39: {  	[spmem:s18] =	stream.linear.scatter [tilespmem:s24], [sflag:$0x3], $0x1000, $0x38;
	[tilespmem:$0x19600] =	vst v63  }
0x3a: {  	_ =	swait.ge [sflag:s25], $0x1000  }
0x3b: {  	[sflag:s25] =	ssyncset.done $0x0  }
0x3c: {  	[sflag:s25] =	ssyncadd.s32 $0xFFFFF000  }
0x3d: {  	[spmem:s19] =	stream.linear.scatter [tilespmem:s24], [sflag:$0x3], $0x1000, $0x38;
	[tilespmem:$0x19600] =	vst v63  }
0x3e: {  	_ =	swait.ge [sflag:s25], $0x1000  }
0x3f: {  	[sflag:s25] =	ssyncset.done $0x0  }
0x40: {  	[sflag:s25] =	ssyncadd.s32 $0xFFFFF000  }
0x41: {  	[spmem:s20] =	stream.linear.scatter [tilespmem:s24], [sflag:$0x3], $0x1000, $0x38;
	[tilespmem:$0x19600] =	vst v63  }
0x42: {  	_ =	swait.ge [sflag:s25], $0x1000  }
0x43: {  	[sflag:s25] =	ssyncset.done $0x0  }
0x44: {  	s0 =	simm.s32 $0x0;
	s8 =	rddreg [dreg:$0x4];
	[sflag:s25] =	ssyncadd.s32 $0xFFFFF000  }
0x45: {  	[tilespmem:s0], [sflag:$0x3] =	stream.linear.gather [hbm4b:s8+s0], $0x4300, $0x38;
	[tilespmem:$0x19600] =	vst v63  }
0x46: {  	_ =	swait.ge [sflag:s25], $0x4300  }
0x47: {  	[sflag:s25] =	ssyncset.done $0x0  }
0x48: {  	s7 =	simm.s32 $0x4300;
	s10 =	rddreg [dreg:$0x5];
	[sflag:s25] =	ssyncadd.s32 $0xFFFFBD00  }
0x49: {  	[tilespmem:s7], [sflag:$0x3] =	stream.linear.gather [hbm4b:s10+s0], $0x4300, $0x38;
	[tilespmem:$0x19600] =	vst v63  }
0x4a: {  	_ =	swait.ge [sflag:s25], $0x4300  }
0x4b: {  	[sflag:s25] =	ssyncset.done $0x0  }
0x4c: {  	[sflag:s25] =	ssyncadd.s32 $0xFFFFBD00  }
0x4d: {  	[bflag:$0x0] =	sbarrier.arrive $0xFFFF  }
0x4e: {  	[tilespmem:s24], [sflag:$0x1] =	stream.indirect.gather [hbm4b:s1+s28], $0x20, s0, s28, $0xb8;
	[tilespmem:$0x19600] =	vst v63  }
0x4f: {  	s11 =	simm.s32 $0x9600  }
0x50: {  	[tilespmem:s11], [sflag:$0x2] =	stream.indirect.gather [hbm4b:s1+s28], $0x20, s28, s28, $0xb8;
	[tilespmem:$0x19600] =	vst v63  }
0x51: {  	_ =	swait.ge [sflag:s30], $0x1000  }
0x52: {  	[sflag:s30] =	ssyncset.done $0x0  }
0x53: {  	s26 =	simm.s32 $0x4300;
	[sflag:s30] =	ssyncadd.s32 $0xFFFFF000  }
0x54: {  	[spmem:s3] =	stream.indirect.scatter.add.f32 [tilespmem:s24], [sflag:$0x3], $0x20, s26, s28, $0xb8;
	[tilespmem:$0x19600] =	vst v63  }
0x55: {  	_ =	swait.ge [sflag:s25], $0x1000  }
0x56: {  	p0 =	sle.u32 s9, $0x0;
	[sflag:s25] =	ssyncset.done $0x0  }
0x57: {  	s0 =	simm.s32 @p0 $0x2;
	[sflag:s25] =	ssyncadd.s32 $0xFFFFF000  }
0x58: {  	_ =	swait.ge @p0 [sflag:s0], $0x1000  }
0x59: {  	s4 =	simm.s32 $0x4380;
	s8 =	simm.s32 @p0 $0x9600;
	[sflag:s0] =	ssyncset.done @p0 $0x0  }
0x5a: {  	s7 =	simm.s32 @p0 $0x3;
	[sflag:s0] =	ssyncadd.s32 @p0 $0xFFFFF000;
	s0 =	simm.s32 @p0 $0x80  }
0x5b: {  	[spmem:s3] =	stream.indirect.scatter.add.f32 @p0 [tilespmem:s8], [sflag:$0x3], $0x20, s4, s0, $0xb8;
	[tilespmem:$0x19600] =	vst v63  }
0x5c: {  	_ =	swait.ge @p0 [sflag:s7], $0x1000  }
0x5d: {  	s26 =	simm.s32 @!p0 $0x100;
	s0 =	simm.s32 @!p0 $0x8600;
	[sflag:s7] =	ssyncset.done @p0 $0x0  }
0x5e: {  	s8 =	simm.s32 @!p0 $0x2;
	[sflag:s7] =	ssyncadd.s32 @p0 $0xFFFFF000;
	s7 =	simm.s32 @!p0 $0x80  }
0x5f: {  	[tilespmem:s0], [sflag:$0x1] =	stream.indirect.gather @!p0 [hbm4b:s1+s7], $0x20, s26, s7, $0xb8;
	[tilespmem:$0x19600] =	vst v63  }
0x60: {  	_ =	swait.ge @!p0 [sflag:s8], $0x1000  }
0x61: {  	p1 =	sne.s32 s6, $0x1;
	s26 =	simm.s32 @!p0 $0x3;
	[sflag:s8] =	ssyncset.done @!p0 $0x0  }
.Ltmp1:
0x62: {  	[sflag:s8] =	ssyncadd.s32 @!p0 $0xFFFFF000;
	s8 =	simm.s32 @!p0 $0x9600;
	(pc) =	sbr.rel @!p1 .LBB2_5-.Ltmp1, $4  }
0x63: {  	[spmem:s3] =	stream.indirect.scatter.add.f32 @!p0 [tilespmem:s8], [sflag:$0x3], $0x20, s4, s7, $0xb8;
	[tilespmem:$0x19600] =	vst v63  }
0x64: {  	_ =	swait.ge @!p0 [sflag:s26], $0x1000  }
0x65: {  	s29 =	simm.s32 $0x180;
	s0 =	simm.s32 $0x1;
	[sflag:s26] =	ssyncset.done @!p0 $0x0  }
0x66: {  	s4 =	simm.s32 $0x4480;
	[sflag:s26] =	ssyncadd.s32 @!p0 $0xFFFFF000;
	s26 =	simm.s32 $0x280  }
.LBB2_4:
0x67: {  	[tilespmem:s8], [sflag:$0x2] =	stream.indirect.gather @!p0 [hbm4b:s1+s7], $0x20, s29, s7, $0xb8;
	[tilespmem:$0x19600] =	vst v63  }
0x68: {  	s7 =	smov.u32 s0;
	s0 =	sadd.s32 $0x1, s0;
	_ =	swait.ge [sflag:s30], $0x1000  }
0x69: {  	s29 =	smov.u32 s26;
	p1 =	sne.s32 s6, s0;
	[sflag:s30] =	ssyncset.done $0x0  }
0x6a: {  	s8 =	sadd.s32 $0xFFFFFF80, s4;
	[sflag:s30] =	ssyncadd.s32 $0xFFFFF000  }
0x6b: {  	[spmem:s3] =	stream.indirect.scatter.add.f32 [tilespmem:s24], [sflag:$0x3], $0x20, s8, s28, $0xb8;
	[tilespmem:$0x19600] =	vst v63  }
0x6c: {  	_ =	swait.ge [sflag:s25], $0x1000  }
0x6d: {  	p0 =	sge.u32 s7, s9;
	[sflag:s25] =	ssyncset.done $0x0  }
0x6e: {  	s7 =	simm.s32 @p0 $0x2;
	[sflag:s25] =	ssyncadd.s32 $0xFFFFF000  }
0x6f: {  	_ =	swait.ge @p0 [sflag:s7], $0x1000  }
0x70: {  	s8 =	simm.s32 @p0 $0x3;
	[sflag:s7] =	ssyncset.done @p0 $0x0  }
0x71: {  	s10 =	simm.s32 @p0 $0x9600;
	[sflag:s7] =	ssyncadd.s32 @p0 $0xFFFFF000;
	s7 =	simm.s32 @p0 $0x80  }
0x72: {  	[spmem:s3] =	stream.indirect.scatter.add.f32 @p0 [tilespmem:s10], [sflag:$0x3], $0x20, s4, s7, $0xb8;
	[tilespmem:$0x19600] =	vst v63  }
0x73: {  	_ =	swait.ge @p0 [sflag:s8], $0x1000  }
0x74: {  	s11 =	simm.s32 @!p0 $0x2;
	s10 =	simm.s32 @!p0 $0x8600;
	[sflag:s8] =	ssyncset.done @p0 $0x0  }
0x75: {  	s7 =	simm.s32 @!p0 $0x80;
	[sflag:s8] =	ssyncadd.s32 @p0 $0xFFFFF000;
	s8 =	sadd.s32 @!p0 $0xFFFFFF80, s26  }
0x76: {  	[tilespmem:s10], [sflag:$0x1] =	stream.indirect.gather @!p0 [hbm4b:s1+s7], $0x20, s8, s7, $0xb8;
	[tilespmem:$0x19600] =	vst v63  }
0x77: {  	_ =	swait.ge @!p0 [sflag:s11], $0x1000  }
0x78: {  	s10 =	simm.s32 @!p0 $0x3;
	[sflag:s11] =	ssyncset.done @!p0 $0x0  }
.Ltmp2:
0x79: {  	s8 =	simm.s32 @!p0 $0x9600;
	[sflag:s11] =	ssyncadd.s32 @!p0 $0xFFFFF000;
	(pc) =	sbr.rel @p1 .LBB2_4-.Ltmp2, $4  }
0x7a: {  	[spmem:s3] =	stream.indirect.scatter.add.f32 @!p0 [tilespmem:s8], [sflag:$0x3], $0x20, s4, s7, $0xb8;
	[tilespmem:$0x19600] =	vst v63  }
0x7b: {  	_ =	swait.ge @!p0 [sflag:s10], $0x1000  }
0x7c: {  	[sflag:s10] =	ssyncset.done @!p0 $0x0  }
0x7d: {  	s26 =	sadd.s32 $0x100, s26;
	s4 =	sadd.s32 $0x100, s4;
	[sflag:s10] =	ssyncadd.s32 @!p0 $0xFFFFF000  }
.LBB2_5:
0x7e: {  	[tilespmem:s8], [sflag:$0x2] =	stream.indirect.gather @!p0 [hbm4b:s1+s7], $0x20, s29, s7, $0xb8;
	[tilespmem:$0x19600] =	vst v63  }
0x7f: {  	[bflag:$0x0] =	sbarrier.arrive $0xFFFF  }
0x80: {  	s0 =	rddreg [dreg:$0x6]  }
0x81: {  	[tilespmem:s31], [sflag:$0x3] =	stream.linear.gather [spmem:s0], $0x5000, $0x38;
	[tilespmem:$0x19600] =	vst v63  }
0x82: {  	_ =	swait.ge [sflag:s25], $0x5000  }
0x83: {  	[sflag:s25] =	ssyncset.done $0x0  }
0x84: {  	s26 =	simm.s32 $0x0;
	[sflag:s25] =	ssyncadd.s32 $0xFFFFB000  }
0x85: {  	[hbm4b:s21+s26] =	stream.linear.scatter [tilespmem:s31], [sflag:$0x3], $0x5000, $0x38;
	[tilespmem:$0x19600] =	vst v63  }
0x86: {  	_ =	swait.ge [sflag:s25], $0x5000  }
0x87: {  	[sflag:s25] =	ssyncset.done $0x0  }
0x88: {  	[sflag:s25] =	ssyncadd.s32 $0xFFFFB000  }
0x89: {  	[tilespmem:s31], [sflag:$0x3] =	stream.linear.gather [spmem:s22], $0x5000, $0x38;
	[tilespmem:$0x19600] =	vst v63  }
0x8a: {  	_ =	swait.ge [sflag:s25], $0x5000  }
0x8b: {  	[sflag:s25] =	ssyncset.done $0x0  }
0x8c: {  	[sflag:s25] =	ssyncadd.s32 $0xFFFFB000  }
0x8d: {  	[hbm4b:s23+s26] =	stream.linear.scatter [tilespmem:s31], [sflag:$0x3], $0x5000, $0x38;
	[tilespmem:$0x19600] =	vst v63  }
0x8e: {  	_ =	swait.ge [sflag:s25], $0x5000  }
0x8f: {  	s2 =	sadd.s32 $0x1, s2;
	s29 =	rddreg [dreg:$0x7]  }
0x90: {  	p0 =	sne.s32 s2, s29  }
.Ltmp3:
0x91: {  	_ = 	snop;
	(pc) =	sbr.rel @p0 .LBB2_1-.Ltmp3, $3  }
0x92: {  	_ =	sdelay $0x1  }
0x93: {  	[sflag:s25] =	ssyncset.done $0x0  }
0x94: {  	[sflag:s25] =	ssyncadd.s32 $0xFFFFB000  }
0x95: {  	_ =	sfence.sel $0x180000  }
0x96: {  	[bflag:$0x0] =	sbarrier.arrive $0xFFFF  }
0x97: {  	_ =	strace $0x90000050  }
0x98: {  	s0 =	stileid.u32;
	[bflag:$0x2] =	sbarrier.arrive $0xFFFF  }
0x99: {  	p0 =	sne.s32 s0, $0x0;
	s0 =	rddreg [dreg:$0x3]  }
0x9a: {  	s0 =	sadd.s32 @!p0 $0x100000, s0  }
0x9b: {  	[sflag:s0] =	ssyncadd.tile.s32 @!p0 $0x1;
	_ =	shalt  }
.Lfunc_end2:
_tile_overlayer_lowered:
.L_overlay_start_2:
0x9c: {  	(tag) =	ssettag $0x2  }
0x9d: {  	s0 =	rddreg [dreg:$0x0];
	s2 =	stileid.u32  }
0x9e: {  	s1 =	rddreg [dreg:$0x1];
	p0 =	sne.s32 s2, $0x0  }
0x9f: {  	s3 =	rddreg [dreg:$0x2];
	[bflag:$0x3] =	sbarrier.arrive $0xFFFF;
	s2 =	simm.s32 @!p0 $0x1C03  }
0xa0: {  	[timem:s3], [sflag:s2] =	dma.local @!p0 [hbm:s0], s1  }
0xa1: {  	s0 =	simm.s32 @!p0 $0x3  }
0xa2: {  	_ =	swait.ge @!p0 [sflag:s0], s1  }
0xa3: {  	s1 =	ssub.s32 @!p0 $0x0, s1;
	[sflag:s0] =	ssyncset.done @!p0 $0x0  }
0xa4: {  	[sflag:s0] =	ssyncadd.s32 @!p0 s1  }
0xa5: {  	[bflag:$0x3] =	sbarrier.arrive $0xFFFF  }
0xa6: {  	_ =	shalt  }

</sc_bundles>
